<compile_context>
chip_gen: v7x
topology: tpu7x:2x2x1
jax: 0.10.2.dev20260603
libtpu: 0.0.44.dev20260713+nightly
codegen_flags: <defaults>
</compile_context>

<pallas_src>
import functools

import jax
import jax.numpy as jnp
from jax import lax
from jax.experimental import pallas as pl
from jax.experimental.pallas import tpu as pltpu
from jax.experimental.pallas import tpu_sc as plsc

N = 10000
E = 320000
D_IN = 128
D_H = 128
D_OUT = 64
HW1 = 72

N_PAD = 10048
BN = 2512
GRID = N_PAD // BN
CH = 128
EPW = 10240
E_PAD = 32 * EPW
RPS = N_PAD // 16


def _seg_body(col_split, ch, nbuf, ih, *refs):
    nch = (E_PAD // 16 if col_split else EPW) // ch
    nchh = nch // ih
    ngh = nchh // nbuf
    (p_hbm, src_hbm, dst_hbm, z_hbm, acc_out,
     src_v, dst_v, rows_a, table_sh, acc_sh, sem_i, *sems) = refs
    sem_g = sems[0:nbuf]
    sem_s = sems[nbuf:2 * nbuf]
    core = lax.axis_index("c")
    sid = lax.axis_index("s")
    wid = sid if col_split else sid * 2 + core
    rbase = sid * RPS

    ld1 = pltpu.async_copy(src_hbm.at[pl.ds(wid * nch, nchh)], src_v, sem_i)
    ld2 = pltpu.async_copy(dst_hbm.at[pl.ds(wid * nch, nchh)], dst_v, sem_i)
    if col_split:
        pltpu.sync_copy(p_hbm.at[core, pl.ds(rbase, RPS)],
                        table_sh.at[pl.ds(rbase, RPS)])
    else:
        pltpu.sync_copy(p_hbm.at[pl.ds(rbase, RPS)],
                        table_sh.at[pl.ds(rbase, RPS)])
    pltpu.sync_copy(z_hbm, acc_sh.at[pl.ds(rbase, RPS)])
    ld1.wait()
    ld2.wait()
    plsc.subcore_barrier()

    def gather(j, k):
        pltpu.async_copy(table_sh.at[src_v.at[j]], rows_a.at[k], sem_g[k])

    def wait_gather(j, k):
        pltpu.make_async_copy(table_sh.at[src_v.at[j]], rows_a.at[k],
                              sem_g[k]).wait()

    def scat(j, k):
        pltpu.async_copy(rows_a.at[k], acc_sh.at[dst_v.at[j]], sem_s[k],
                         add=True)

    def wait_scat(j, k):
        pltpu.make_async_copy(rows_a.at[k], acc_sh.at[dst_v.at[j]],
                              sem_s[k]).wait()

    def run_stage():
        for k in range(nbuf):
            gather(k, k)

        def group(j2, _):
            base = j2 * nbuf
            for k in range(nbuf):
                wait_gather(base + k, k)
                scat(base + k, k)
            for k in range(nbuf):
                wait_scat(base + k, k)
                gather(base + nbuf + k, k)
            return _
        lax.fori_loop(0, ngh - 1, group, None)

        last = (ngh - 1) * nbuf
        for k in range(nbuf):
            wait_gather(last + k, k)
            scat(last + k, k)
        for k in range(nbuf):
            wait_scat(last + k, k)

    run_stage()
    for h in range(1, ih):
        pltpu.sync_copy(src_hbm.at[pl.ds(wid * nch + h * nchh, nchh)], src_v)
        pltpu.sync_copy(dst_hbm.at[pl.ds(wid * nch + h * nchh, nchh)], dst_v)
        run_stage()

    plsc.subcore_barrier()

    pltpu.sync_copy(acc_sh.at[pl.ds(rbase, RPS)],
                    acc_out.at[core, pl.ds(rbase, RPS)])


def _make_segsum(d, col_split, ch, nbuf, ih):
    mesh = plsc.VectorSubcoreMesh(core_axis_name="c", subcore_axis_name="s")
    nch = (E_PAD // 16 if col_split else EPW) // ch
    scratch = [
        pltpu.VMEM((nch // ih, ch), jnp.int32),
        pltpu.VMEM((nch // ih, ch), jnp.int32),
        pltpu.VMEM((nbuf, ch, d), jnp.float32),
        pltpu.VMEM_SHARED((N_PAD, d), jnp.float32),
        pltpu.VMEM_SHARED((N_PAD, d), jnp.float32),
    ]
    scratch += [pltpu.SemaphoreType.DMA] * (1 + 2 * nbuf)
    return pl.kernel(
        functools.partial(_seg_body, col_split, ch, nbuf, ih),
        out_type=jax.ShapeDtypeStruct((2, N_PAD, d), jnp.float32),
        mesh=mesh,
        scratch_types=scratch,
        compiler_params=pltpu.CompilerParams(use_tc_tiling_on_sc=False),
        name=f"sage_segsum_d{d}",
    )


_segsum1 = _make_segsum(HW1, True, CH, 2, 2)
_segsum2 = _make_segsum(D_OUT, False, CH, 4, 2)


def _tc1_body(x_ref, w_ref, wrow_ref, t_ref):
    t_ref[0, :, :] = (jnp.dot(x_ref[...], w_ref[0, :, :],
                              preferred_element_type=jnp.float32)
                      + wrow_ref[0, :, :])


_tc1 = pl.pallas_call(
    _tc1_body,
    grid=(2, GRID),
    in_specs=[
        pl.BlockSpec((BN, D_IN), lambda c, i: (i, 0)),
        pl.BlockSpec((1, D_IN, HW1), lambda c, i: (c, 0, 0)),
        pl.BlockSpec((1, 1, HW1), lambda c, i: (c, 0, 0)),
    ],
    out_specs=pl.BlockSpec((1, BN, HW1), lambda c, i: (c, i, 0)),
    out_shape=jax.ShapeDtypeStruct((2, N_PAD, HW1), jnp.float32),
    name="sage_tc1",
)


def _tc2_body(x_ref, acc_ref, ws1_ref, b1_ref, ws2_ref, wn2_ref, b2_ref,
              p2_ref, hws_ref, invd_ref):
    dsum = acc_ref[1, :, D_H - HW1:D_H - HW1 + 1]
    inv = 1.0 / jnp.maximum(dsum, 1.0)
    invd_ref[...] = inv
    base = (jnp.dot(x_ref[...], ws1_ref[...],
                    preferred_element_type=jnp.float32) + b1_ref[...])
    h0 = jnp.maximum(base[:, 0:HW1] + acc_ref[0, :, :] * inv, 0.0)
    h1 = jnp.maximum(base[:, HW1:D_H]
                     + acc_ref[1, :, 0:D_H - HW1] * inv, 0.0)
    p2_ref[...] = (
        jnp.dot(h0, wn2_ref[0:HW1, :], preferred_element_type=jnp.float32)
        + jnp.dot(h1, wn2_ref[HW1:D_H, :], preferred_element_type=jnp.float32))
    hws_ref[...] = (
        jnp.dot(h0, ws2_ref[0:HW1, :], preferred_element_type=jnp.float32)
        + jnp.dot(h1, ws2_ref[HW1:D_H, :], preferred_element_type=jnp.float32)
        + b2_ref[...])


_tc2 = pl.pallas_call(
    _tc2_body,
    grid=(GRID,),
    in_specs=[
        pl.BlockSpec((BN, D_IN), lambda i: (i, 0)),
        pl.BlockSpec((2, BN, HW1), lambda i: (0, i, 0)),
        pl.BlockSpec((D_IN, D_H), lambda i: (0, 0)),
        pl.BlockSpec((1, D_H), lambda i: (0, 0)),
        pl.BlockSpec((D_H, D_OUT), lambda i: (0, 0)),
        pl.BlockSpec((D_H, D_OUT), lambda i: (0, 0)),
        pl.BlockSpec((1, D_OUT), lambda i: (0, 0)),
    ],
    out_specs=[
        pl.BlockSpec((BN, D_OUT), lambda i: (i, 0)),
        pl.BlockSpec((BN, D_OUT), lambda i: (i, 0)),
        pl.BlockSpec((BN, 1), lambda i: (i, 0)),
    ],
    out_shape=[
        jax.ShapeDtypeStruct((N_PAD, D_OUT), jnp.float32),
        jax.ShapeDtypeStruct((N_PAD, D_OUT), jnp.float32),
        jax.ShapeDtypeStruct((N_PAD, 1), jnp.float32),
    ],
    name="sage_tc2",
)


def _tc3_body(hws_ref, acc_ref, invd_ref, out_ref):
    a = acc_ref[0, :, :] + acc_ref[1, :, :]
    out_ref[...] = hws_ref[...] + a * invd_ref[...]


_tc3 = pl.pallas_call(
    _tc3_body,
    grid=(GRID,),
    in_specs=[
        pl.BlockSpec((BN, D_OUT), lambda i: (i, 0)),
        pl.BlockSpec((2, BN, D_OUT), lambda i: (0, i, 0)),
        pl.BlockSpec((BN, 1), lambda i: (i, 0)),
    ],
    out_specs=pl.BlockSpec((BN, D_OUT), lambda i: (i, 0)),
    out_shape=jax.ShapeDtypeStruct((N_PAD, D_OUT), jnp.float32),
    name="sage_tc3",
)


def kernel(x, edge_index, W_self1, W_neigh1, b1, W_self2, W_neigh2, b2):
    src = edge_index[0]
    dst = edge_index[1]
    pad = E_PAD - E
    src_p = jnp.concatenate([src, jnp.zeros((pad,), jnp.int32)]
                            ).reshape(-1, CH)
    dst_p = jnp.concatenate([dst, jnp.full((pad,), N, jnp.int32)]
                            ).reshape(-1, CH)
    x_p = jnp.pad(x, ((0, N_PAD - N), (0, 0)))
    wa0 = W_neigh1[:, 0:HW1]
    wa1 = jnp.zeros((D_IN, HW1), jnp.float32)
    wa1 = wa1.at[:, 0:D_H - HW1].set(W_neigh1[:, HW1:D_H])
    w_aug = jnp.stack([wa0, wa1])
    wrow = jnp.zeros((2, 1, HW1), jnp.float32).at[1, 0, D_H - HW1].set(1.0)

    z1 = jnp.zeros((RPS, HW1), jnp.float32)
    z2 = jnp.zeros((RPS, D_OUT), jnp.float32)

    t1 = _tc1(x_p, w_aug, wrow)
    acc1 = _segsum1(t1, src_p, dst_p, z1)
    p2, hws2, invd = _tc2(x_p, acc1, W_self1, b1.reshape(1, D_H),
                          W_self2, W_neigh2, b2.reshape(1, D_OUT))
    acc2 = _segsum2(p2, src_p, dst_p, z2)
    out = _tc3(hws2, acc2, invd)
    return out[:N]

# --- scband reference (transcript-rebuilt; emitter-appended) ---
"""Pipeline reference for scband-sage-5016521801890 (READ-ONLY COPY).

The authoritative reference and input builder live on the scoring server;
editing this copy changes nothing except your own understanding.
"""

import jax, jax.numpy as jnp
import numpy as np

N = 10000
E = 320000
D_IN = 128
D_H = 128
D_OUT = 64


def setup_inputs(seed: int = 0) -> dict:
    key = jax.random.key(seed)
    ks = jax.random.split(key, 8)
    x = jax.random.normal(ks[0], (N, D_IN), dtype=jnp.float32)
    edge_index = jax.random.randint(ks[1], (2, E), 0, N, dtype=jnp.int32)
    s1 = 1.0 / np.sqrt(D_IN)
    s2 = 1.0 / np.sqrt(D_H)
    W_self1 = jax.random.normal(ks[2], (D_IN, D_H), dtype=jnp.float32) * s1
    W_neigh1 = jax.random.normal(ks[3], (D_IN, D_H), dtype=jnp.float32) * s1
    b1 = jnp.zeros((D_H,), dtype=jnp.float32)
    W_self2 = jax.random.normal(ks[4], (D_H, D_OUT), dtype=jnp.float32) * s2
    W_neigh2 = jax.random.normal(ks[5], (D_H, D_OUT), dtype=jnp.float32) * s2
    b2 = jnp.zeros((D_OUT,), dtype=jnp.float32)
    return {
        "x": x,
        "edge_index": edge_index,
        "W_self1": W_self1,
        "W_neigh1": W_neigh1,
        "b1": b1,
        "W_self2": W_self2,
        "W_neigh2": W_neigh2,
        "b2": b2,
    }


def _sage_conv(h, src, dst, W_self, W_neigh, b):
    # DGL SAGEConv with 'mean' aggregator:
    # h_neigh[v] = mean_{u in N(v)} h[u];  out = h @ W_self + h_neigh @ W_neigh + b
    msgs = jnp.take(h, src, axis=0)
    agg = jax.ops.segment_sum(msgs, dst, num_segments=N)
    deg = jax.ops.segment_sum(jnp.ones((E,), dtype=jnp.float32), dst, num_segments=N)
    h_neigh = agg / jnp.maximum(deg, 1.0)[:, None]
    return h @ W_self + h_neigh @ W_neigh + b


def reference(x, edge_index, W_self1, W_neigh1, b1, W_self2, W_neigh2, b2):
    src = edge_index[0]
    dst = edge_index[1]
    h = _sage_conv(x, src, dst, W_self1, W_neigh1, b1)
    h = jax.nn.relu(h)
    # dropout is identity in eval mode
    h = _sage_conv(h, src, dst, W_self2, W_neigh2, b2)
    return h

if __name__ == "__main__":
    import jax
    _d = setup_inputs()
    print(jax.jit(kernel)(*tuple(_d.values())))

</pallas_src>

<mosaic_0001>
#map = affine_map<(d0, d1) -> (0, 0)>
#map1 = affine_map<(d0, d1) -> (0, 0, 0)>
module attributes {stable_mosaic.version = 14 : i64} {
  func.func @sage_segsum_d64(%arg0: i32, %arg1: i32, %arg2: memref<10048x64xf32, #tpu.memory_space<hbm>>, %arg3: memref<2560x128xi32, #tpu.memory_space<hbm>>, %arg4: memref<2560x128xi32, #tpu.memory_space<hbm>>, %arg5: memref<628x64xf32, #tpu.memory_space<hbm>>, %arg6: memref<2x10048x64xf32, #tpu.memory_space<hbm>>, %arg7: memref<40x128xi32, #tpu.memory_space<vmem>>, %arg8: memref<40x128xi32, #tpu.memory_space<vmem>>, %arg9: memref<4x128x64xf32, #tpu.memory_space<vmem>>, %arg10: memref<10048x64xf32, #tpu.memory_space<vmem_shared>>, %arg11: memref<10048x64xf32, #tpu.memory_space<vmem_shared>>, %arg12: memref<!tpu.dma_semaphore, #tpu.memory_space<semaphore_mem>>, %arg13: memref<!tpu.dma_semaphore, #tpu.memory_space<semaphore_mem>>, %arg14: memref<!tpu.dma_semaphore, #tpu.memory_space<semaphore_mem>>, %arg15: memref<!tpu.dma_semaphore, #tpu.memory_space<semaphore_mem>>, %arg16: memref<!tpu.dma_semaphore, #tpu.memory_space<semaphore_mem>>, %arg17: memref<!tpu.dma_semaphore, #tpu.memory_space<semaphore_mem>>, %arg18: memref<!tpu.dma_semaphore, #tpu.memory_space<semaphore_mem>>, %arg19: memref<!tpu.dma_semaphore, #tpu.memory_space<semaphore_mem>>, %arg20: memref<!tpu.dma_semaphore, #tpu.memory_space<semaphore_mem>>) attributes {dimension_semantics = [#tpu.dimension_semantics<core_parallel>, #tpu.dimension_semantics<subcore_parallel>], iteration_bounds = array<i64: 2, 16>, scalar_prefetch = 0 : i64, scratch_operands = 14 : i64, tpu.core_type = #tpu.core_type<sc_vector_subcore>, window_params = [{transform_indices = #map}, {transform_indices = #map}, {transform_indices = #map}, {transform_indices = #map}, {transform_indices = #map1}]} {
    %mul3A = arith.constant 2 : i32
    %mul3A_0 = arith.muli %arg1, %mul3A : i32
    %add3A = arith.addi %mul3A_0, %arg0 : i32
    %mul3A_1 = arith.constant 628 : i32
    %mul3A_2 = arith.muli %arg1, %mul3A_1 : i32
    %mul3A_3 = arith.constant 80 : i32
    %mul3A_4 = arith.muli %add3A, %mul3A_3 : i32
    %dma_start3A = arith.constant 0 : i32
    %dma_start3A_5 = tpu.memref_slice %arg3[%mul3A_4, %dma_start3A] : memref<2560x128xi32, #tpu.memory_space<hbm>> -> memref<40x128xi32, #tpu.memory_space<hbm>>
    %dma_start3A_6 = arith.constant 0 : i32
    %dma_start3A_7 = tpu.memref_slice %arg3[%mul3A_4, %dma_start3A_6] : memref<2560x128xi32, #tpu.memory_space<hbm>> -> memref<40x128xi32, #tpu.memory_space<hbm>>
    tpu.enqueue_dma source(%dma_start3A_7 : memref<40x128xi32, #tpu.memory_space<hbm>>) target(%arg7 : memref<40x128xi32, #tpu.memory_space<vmem>>) target_semaphore(%arg12 : memref<!tpu.dma_semaphore, #tpu.memory_space<semaphore_mem>>)
    %mul3A_8 = arith.constant 80 : i32
    %mul3A_9 = arith.muli %add3A, %mul3A_8 : i32
    %dma_start3A_10 = arith.constant 0 : i32
    %dma_start3A_11 = tpu.memref_slice %arg4[%mul3A_9, %dma_start3A_10] : memref<2560x128xi32, #tpu.memory_space<hbm>> -> memref<40x128xi32, #tpu.memory_space<hbm>>
    %dma_start3A_12 = arith.constant 0 : i32
    %dma_start3A_13 = tpu.memref_slice %arg4[%mul3A_9, %dma_start3A_12] : memref<2560x128xi32, #tpu.memory_space<hbm>> -> memref<40x128xi32, #tpu.memory_space<hbm>>
    tpu.enqueue_dma source(%dma_start3A_13 : memref<40x128xi32, #tpu.memory_space<hbm>>) target(%arg8 : memref<40x128xi32, #tpu.memory_space<vmem>>) target_semaphore(%arg12 : memref<!tpu.dma_semaphore, #tpu.memory_space<semaphore_mem>>)
    "tpu.region"() ({
      %run_scoped3A = tpu.sem_alloc : memref<!tpu.dma_semaphore, #tpu.memory_space<semaphore_mem>>
      %dma_start3A_423 = arith.constant 0 : i32
      %dma_start3A_424 = tpu.memref_slice %arg10[%mul3A_2, %dma_start3A_423] : memref<10048x64xf32, #tpu.memory_space<vmem_shared>> -> memref<628x64xf32, #tpu.memory_space<vmem_shared>>
      %dma_start3A_425 = arith.constant 0 : i32
      %dma_start3A_426 = tpu.memref_slice %arg2[%mul3A_2, %dma_start3A_425] : memref<10048x64xf32, #tpu.memory_space<hbm>> -> memref<628x64xf32, #tpu.memory_space<hbm>>
      tpu.enqueue_dma source(%dma_start3A_426 : memref<628x64xf32, #tpu.memory_space<hbm>>) target(%dma_start3A_424 : memref<628x64xf32, #tpu.memory_space<vmem_shared>>) target_semaphore(%run_scoped3A : memref<!tpu.dma_semaphore, #tpu.memory_space<semaphore_mem>>)
      %dma_wait3A_427 = arith.constant 0 : i32
      %dma_wait3A_428 = tpu.memref_slice %arg10[%mul3A_2, %dma_wait3A_427] : memref<10048x64xf32, #tpu.memory_space<vmem_shared>> -> memref<628x64xf32, #tpu.memory_space<vmem_shared>>
      %dma_wait3A_429 = arith.constant 0 : i32
      %dma_wait3A_430 = tpu.memref_slice %arg2[%mul3A_2, %dma_wait3A_429] : memref<10048x64xf32, #tpu.memory_space<hbm>> -> memref<628x64xf32, #tpu.memory_space<hbm>>
      tpu.wait_dma2 semaphore(%run_scoped3A : memref<!tpu.dma_semaphore, #tpu.memory_space<semaphore_mem>>) src(%dma_wait3A_430 : memref<628x64xf32, #tpu.memory_space<hbm>>) dst(%dma_wait3A_428 : memref<628x64xf32, #tpu.memory_space<vmem_shared>>)
      tpu.yield
    }) : () -> ()
    "tpu.region"() ({
      %run_scoped3A = tpu.sem_alloc : memref<!tpu.dma_semaphore, #tpu.memory_space<semaphore_mem>>
      %dma_start3A_423 = arith.constant 0 : i32
      %dma_start3A_424 = tpu.memref_slice %arg11[%mul3A_2, %dma_start3A_423] : memref<10048x64xf32, #tpu.memory_space<vmem_shared>> -> memref<628x64xf32, #tpu.memory_space<vmem_shared>>
      tpu.enqueue_dma source(%arg5 : memref<628x64xf32, #tpu.memory_space<hbm>>) target(%dma_start3A_424 : memref<628x64xf32, #tpu.memory_space<vmem_shared>>) target_semaphore(%run_scoped3A : memref<!tpu.dma_semaphore, #tpu.memory_space<semaphore_mem>>)
      %dma_wait3A_425 = arith.constant 0 : i32
      %dma_wait3A_426 = tpu.memref_slice %arg11[%mul3A_2, %dma_wait3A_425] : memref<10048x64xf32, #tpu.memory_space<vmem_shared>> -> memref<628x64xf32, #tpu.memory_space<vmem_shared>>
      tpu.wait_dma2 semaphore(%run_scoped3A : memref<!tpu.dma_semaphore, #tpu.memory_space<semaphore_mem>>) src(%arg5 : memref<628x64xf32, #tpu.memory_space<hbm>>) dst(%dma_wait3A_426 : memref<628x64xf32, #tpu.memory_space<vmem_shared>>)
      tpu.yield
    }) : () -> ()
    %dma_wait3A = arith.constant 0 : i32
    %dma_wait3A_14 = tpu.memref_slice %arg3[%mul3A_4, %dma_wait3A] : memref<2560x128xi32, #tpu.memory_space<hbm>> -> memref<40x128xi32, #tpu.memory_space<hbm>>
    %dma_wait3A_15 = arith.constant 0 : i32
    %dma_wait3A_16 = tpu.memref_slice %arg3[%mul3A_4, %dma_wait3A_15] : memref<2560x128xi32, #tpu.memory_space<hbm>> -> memref<40x128xi32, #tpu.memory_space<hbm>>
    tpu.wait_dma2 semaphore(%arg12 : memref<!tpu.dma_semaphore, #tpu.memory_space<semaphore_mem>>) src(%dma_wait3A_16 : memref<40x128xi32, #tpu.memory_space<hbm>>) dst(%arg7 : memref<40x128xi32, #tpu.memory_space<vmem>>)
    %dma_wait3A_17 = arith.constant 0 : i32
    %dma_wait3A_18 = tpu.memref_slice %arg4[%mul3A_9, %dma_wait3A_17] : memref<2560x128xi32, #tpu.memory_space<hbm>> -> memref<40x128xi32, #tpu.memory_space<hbm>>
    %dma_wait3A_19 = arith.constant 0 : i32
    %dma_wait3A_20 = tpu.memref_slice %arg4[%mul3A_9, %dma_wait3A_19] : memref<2560x128xi32, #tpu.memory_space<hbm>> -> memref<40x128xi32, #tpu.memory_space<hbm>>
    tpu.wait_dma2 semaphore(%arg12 : memref<!tpu.dma_semaphore, #tpu.memory_space<semaphore_mem>>) src(%dma_wait3A_20 : memref<40x128xi32, #tpu.memory_space<hbm>>) dst(%arg8 : memref<40x128xi32, #tpu.memory_space<vmem>>)
    %barrier3A = arith.constant 0 : index
    tpu.barrier barrier_id(%barrier3A)
    %dma_start3A_21 = arith.constant 0 : i32
    %dma_start3A_22 = arith.constant 0 : i32
    %dma_start3A_23 = arith.constant 0 : i32
    %dma_start3A_24 = arith.constant 0 : i32
    %dma_start3A_25 = tpu.memref_slice %arg9[%dma_start3A_22, %dma_start3A_23, %dma_start3A_24] : memref<4x128x64xf32, #tpu.memory_space<vmem>> -> memref<1x128x64xf32, #tpu.memory_space<vmem>>
    %dma_start3A_26 = tpu.memref_squeeze %dma_start3A_25 : memref<1x128x64xf32, #tpu.memory_space<vmem>> -> memref<128x64xf32, #tpu.memory_space<vmem>>
    %dma_start3A_27 = arith.constant 0 : i32
    %dma_start3A_28 = tpu.memref_slice %arg7[%dma_start3A_21, %dma_start3A_27] : memref<40x128xi32, #tpu.memory_space<vmem>> -> memref<1x128xi32, #tpu.memory_space<vmem>>
    %dma_start3A_29 = tpu.memref_squeeze %dma_start3A_28 : memref<1x128xi32, #tpu.memory_space<vmem>> -> memref<128xi32, #tpu.memory_space<vmem>>
    %dma_start3A_30 = arith.constant 0 : i32
    %dma_start3A_31 = arith.constant 0 : i32
    %dma_start3A_32 = tpu.memref_slice %arg10[%dma_start3A_30, %dma_start3A_31] : memref<10048x64xf32, #tpu.memory_space<vmem_shared>> -> memref<10048x64xf32, #tpu.memory_space<vmem_shared>>
    tpu.enqueue_indirect_dma source(%dma_start3A_32 : memref<10048x64xf32, #tpu.memory_space<vmem_shared>>) target(%dma_start3A_26 : memref<128x64xf32, #tpu.memory_space<vmem>>) offsets(%dma_start3A_29 : memref<128xi32, #tpu.memory_space<vmem>>) semaphore(%arg13 : memref<!tpu.dma_semaphore, #tpu.memory_space<semaphore_mem>>)
    %dma_start3A_33 = arith.constant 1 : i32
    %dma_start3A_34 = arith.constant 1 : i32
    %dma_start3A_35 = arith.constant 0 : i32
    %dma_start3A_36 = arith.constant 0 : i32
    %dma_start3A_37 = tpu.memref_slice %arg9[%dma_start3A_34, %dma_start3A_35, %dma_start3A_36] : memref<4x128x64xf32, #tpu.memory_space<vmem>> -> memref<1x128x64xf32, #tpu.memory_space<vmem>>
    %dma_start3A_38 = tpu.memref_squeeze %dma_start3A_37 : memref<1x128x64xf32, #tpu.memory_space<vmem>> -> memref<128x64xf32, #tpu.memory_space<vmem>>
    %dma_start3A_39 = arith.constant 0 : i32
    %dma_start3A_40 = tpu.memref_slice %arg7[%dma_start3A_33, %dma_start3A_39] : memref<40x128xi32, #tpu.memory_space<vmem>> -> memref<1x128xi32, #tpu.memory_space<vmem>>
    %dma_start3A_41 = tpu.memref_squeeze %dma_start3A_40 : memref<1x128xi32, #tpu.memory_space<vmem>> -> memref<128xi32, #tpu.memory_space<vmem>>
    %dma_start3A_42 = arith.constant 0 : i32
    %dma_start3A_43 = arith.constant 0 : i32
    %dma_start3A_44 = tpu.memref_slice %arg10[%dma_start3A_42, %dma_start3A_43] : memref<10048x64xf32, #tpu.memory_space<vmem_shared>> -> memref<10048x64xf32, #tpu.memory_space<vmem_shared>>
    tpu.enqueue_indirect_dma source(%dma_start3A_44 : memref<10048x64xf32, #tpu.memory_space<vmem_shared>>) target(%dma_start3A_38 : memref<128x64xf32, #tpu.memory_space<vmem>>) offsets(%dma_start3A_41 : memref<128xi32, #tpu.memory_space<vmem>>) semaphore(%arg14 : memref<!tpu.dma_semaphore, #tpu.memory_space<semaphore_mem>>)
    %dma_start3A_45 = arith.constant 2 : i32
    %dma_start3A_46 = arith.constant 2 : i32
    %dma_start3A_47 = arith.constant 0 : i32
    %dma_start3A_48 = arith.constant 0 : i32
    %dma_start3A_49 = tpu.memref_slice %arg9[%dma_start3A_46, %dma_start3A_47, %dma_start3A_48] : memref<4x128x64xf32, #tpu.memory_space<vmem>> -> memref<1x128x64xf32, #tpu.memory_space<vmem>>
    %dma_start3A_50 = tpu.memref_squeeze %dma_start3A_49 : memref<1x128x64xf32, #tpu.memory_space<vmem>> -> memref<128x64xf32, #tpu.memory_space<vmem>>
    %dma_start3A_51 = arith.constant 0 : i32
    %dma_start3A_52 = tpu.memref_slice %arg7[%dma_start3A_45, %dma_start3A_51] : memref<40x128xi32, #tpu.memory_space<vmem>> -> memref<1x128xi32, #tpu.memory_space<vmem>>
    %dma_start3A_53 = tpu.memref_squeeze %dma_start3A_52 : memref<1x128xi32, #tpu.memory_space<vmem>> -> memref<128xi32, #tpu.memory_space<vmem>>
    %dma_start3A_54 = arith.constant 0 : i32
    %dma_start3A_55 = arith.constant 0 : i32
    %dma_start3A_56 = tpu.memref_slice %arg10[%dma_start3A_54, %dma_start3A_55] : memref<10048x64xf32, #tpu.memory_space<vmem_shared>> -> memref<10048x64xf32, #tpu.memory_space<vmem_shared>>
    tpu.enqueue_indirect_dma source(%dma_start3A_56 : memref<10048x64xf32, #tpu.memory_space<vmem_shared>>) target(%dma_start3A_50 : memref<128x64xf32, #tpu.memory_space<vmem>>) offsets(%dma_start3A_53 : memref<128xi32, #tpu.memory_space<vmem>>) semaphore(%arg15 : memref<!tpu.dma_semaphore, #tpu.memory_space<semaphore_mem>>)
    %dma_start3A_57 = arith.constant 3 : i32
    %dma_start3A_58 = arith.constant 3 : i32
    %dma_start3A_59 = arith.constant 0 : i32
    %dma_start3A_60 = arith.constant 0 : i32
    %dma_start3A_61 = tpu.memref_slice %arg9[%dma_start3A_58, %dma_start3A_59, %dma_start3A_60] : memref<4x128x64xf32, #tpu.memory_space<vmem>> -> memref<1x128x64xf32, #tpu.memory_space<vmem>>
    %dma_start3A_62 = tpu.memref_squeeze %dma_start3A_61 : memref<1x128x64xf32, #tpu.memory_space<vmem>> -> memref<128x64xf32, #tpu.memory_space<vmem>>
    %dma_start3A_63 = arith.constant 0 : i32
    %dma_start3A_64 = tpu.memref_slice %arg7[%dma_start3A_57, %dma_start3A_63] : memref<40x128xi32, #tpu.memory_space<vmem>> -> memref<1x128xi32, #tpu.memory_space<vmem>>
    %dma_start3A_65 = tpu.memref_squeeze %dma_start3A_64 : memref<1x128xi32, #tpu.memory_space<vmem>> -> memref<128xi32, #tpu.memory_space<vmem>>
    %dma_start3A_66 = arith.constant 0 : i32
    %dma_start3A_67 = arith.constant 0 : i32
    %dma_start3A_68 = tpu.memref_slice %arg10[%dma_start3A_66, %dma_start3A_67] : memref<10048x64xf32, #tpu.memory_space<vmem_shared>> -> memref<10048x64xf32, #tpu.memory_space<vmem_shared>>
    tpu.enqueue_indirect_dma source(%dma_start3A_68 : memref<10048x64xf32, #tpu.memory_space<vmem_shared>>) target(%dma_start3A_62 : memref<128x64xf32, #tpu.memory_space<vmem>>) offsets(%dma_start3A_65 : memref<128xi32, #tpu.memory_space<vmem>>) semaphore(%arg16 : memref<!tpu.dma_semaphore, #tpu.memory_space<semaphore_mem>>)
    %scan3A = arith.constant 0 : i32
    %scan3A_69 = arith.constant 9 : i32
    %scan3A_70 = arith.addi %scan3A, %scan3A_69 : i32
    %scan3A_71 = arith.constant 1 : i32
    scf.for %scan3A_423 = %scan3A to %scan3A_70 step %scan3A_71  : i32 {
      %mul3A_424 = arith.constant 4 : i32
      %mul3A_425 = arith.muli %scan3A_423, %mul3A_424 : i32
      %add3A_426 = arith.constant 0 : i32
      %add3A_427 = arith.addi %mul3A_425, %add3A_426 : i32
      %dma_wait3A_428 = arith.constant 0 : i32
      %dma_wait3A_429 = arith.constant 0 : i32
      %dma_wait3A_430 = arith.constant 0 : i32
      %dma_wait3A_431 = tpu.memref_slice %arg9[%dma_wait3A_428, %dma_wait3A_429, %dma_wait3A_430] : memref<4x128x64xf32, #tpu.memory_space<vmem>> -> memref<1x128x64xf32, #tpu.memory_space<vmem>>
      %dma_wait3A_432 = tpu.memref_squeeze %dma_wait3A_431 : memref<1x128x64xf32, #tpu.memory_space<vmem>> -> memref<128x64xf32, #tpu.memory_space<vmem>>
      %dma_wait3A_433 = arith.constant 0 : i32
      %dma_wait3A_434 = tpu.memref_slice %arg7[%add3A_427, %dma_wait3A_433] : memref<40x128xi32, #tpu.memory_space<vmem>> -> memref<1x128xi32, #tpu.memory_space<vmem>>
      %dma_wait3A_435 = tpu.memref_squeeze %dma_wait3A_434 : memref<1x128xi32, #tpu.memory_space<vmem>> -> memref<128xi32, #tpu.memory_space<vmem>>
      %dma_wait3A_436 = arith.constant 0 : i32
      %dma_wait3A_437 = arith.constant 0 : i32
      %dma_wait3A_438 = tpu.memref_slice %arg10[%dma_wait3A_436, %dma_wait3A_437] : memref<10048x64xf32, #tpu.memory_space<vmem_shared>> -> memref<10048x64xf32, #tpu.memory_space<vmem_shared>>
      tpu.wait_indirect_dma semaphore(%arg13 : memref<!tpu.dma_semaphore, #tpu.memory_space<semaphore_mem>>) src(%dma_wait3A_438 : memref<10048x64xf32, #tpu.memory_space<vmem_shared>>) dst(%dma_wait3A_432 : memref<128x64xf32, #tpu.memory_space<vmem>>)
      %add3A_439 = arith.constant 0 : i32
      %add3A_440 = arith.addi %mul3A_425, %add3A_439 : i32
      %dma_start3A_441 = arith.constant 0 : i32
      %dma_start3A_442 = arith.constant 0 : i32
      %dma_start3A_443 = arith.constant 0 : i32
      %dma_start3A_444 = tpu.memref_slice %arg9[%dma_start3A_441, %dma_start3A_442, %dma_start3A_443] : memref<4x128x64xf32, #tpu.memory_space<vmem>> -> memref<1x128x64xf32, #tpu.memory_space<vmem>>
      %dma_start3A_445 = tpu.memref_squeeze %dma_start3A_444 : memref<1x128x64xf32, #tpu.memory_space<vmem>> -> memref<128x64xf32, #tpu.memory_space<vmem>>
      %dma_start3A_446 = arith.constant 0 : i32
      %dma_start3A_447 = tpu.memref_slice %arg8[%add3A_440, %dma_start3A_446] : memref<40x128xi32, #tpu.memory_space<vmem>> -> memref<1x128xi32, #tpu.memory_space<vmem>>
      %dma_start3A_448 = tpu.memref_squeeze %dma_start3A_447 : memref<1x128xi32, #tpu.memory_space<vmem>> -> memref<128xi32, #tpu.memory_space<vmem>>
      %dma_start3A_449 = arith.constant 0 : i32
      %dma_start3A_450 = arith.constant 0 : i32
      %dma_start3A_451 = tpu.memref_slice %arg11[%dma_start3A_449, %dma_start3A_450] : memref<10048x64xf32, #tpu.memory_space<vmem_shared>> -> memref<10048x64xf32, #tpu.memory_space<vmem_shared>>
      tpu.enqueue_indirect_dma source(%dma_start3A_445 : memref<128x64xf32, #tpu.memory_space<vmem>>) target(%dma_start3A_451 : memref<10048x64xf32, #tpu.memory_space<vmem_shared>>) offsets(%dma_start3A_448 : memref<128xi32, #tpu.memory_space<vmem>>) semaphore(%arg17 : memref<!tpu.dma_semaphore, #tpu.memory_space<semaphore_mem>>) {add = true}
      %add3A_452 = arith.constant 1 : i32
      %add3A_453 = arith.addi %mul3A_425, %add3A_452 : i32
      %dma_wait3A_454 = arith.constant 1 : i32
      %dma_wait3A_455 = arith.constant 0 : i32
      %dma_wait3A_456 = arith.constant 0 : i32
      %dma_wait3A_457 = tpu.memref_slice %arg9[%dma_wait3A_454, %dma_wait3A_455, %dma_wait3A_456] : memref<4x128x64xf32, #tpu.memory_space<vmem>> -> memref<1x128x64xf32, #tpu.memory_space<vmem>>
      %dma_wait3A_458 = tpu.memref_squeeze %dma_wait3A_457 : memref<1x128x64xf32, #tpu.memory_space<vmem>> -> memref<128x64xf32, #tpu.memory_space<vmem>>
      %dma_wait3A_459 = arith.constant 0 : i32
      %dma_wait3A_460 = tpu.memref_slice %arg7[%add3A_453, %dma_wait3A_459] : memref<40x128xi32, #tpu.memory_space<vmem>> -> memref<1x128xi32, #tpu.memory_space<vmem>>
      %dma_wait3A_461 = tpu.memref_squeeze %dma_wait3A_460 : memref<1x128xi32, #tpu.memory_space<vmem>> -> memref<128xi32, #tpu.memory_space<vmem>>
      %dma_wait3A_462 = arith.constant 0 : i32
      %dma_wait3A_463 = arith.constant 0 : i32
      %dma_wait3A_464 = tpu.memref_slice %arg10[%dma_wait3A_462, %dma_wait3A_463] : memref<10048x64xf32, #tpu.memory_space<vmem_shared>> -> memref<10048x64xf32, #tpu.memory_space<vmem_shared>>
      tpu.wait_indirect_dma semaphore(%arg14 : memref<!tpu.dma_semaphore, #tpu.memory_space<semaphore_mem>>) src(%dma_wait3A_464 : memref<10048x64xf32, #tpu.memory_space<vmem_shared>>) dst(%dma_wait3A_458 : memref<128x64xf32, #tpu.memory_space<vmem>>)
      %add3A_465 = arith.constant 1 : i32
      %add3A_466 = arith.addi %mul3A_425, %add3A_465 : i32
      %dma_start3A_467 = arith.constant 1 : i32
      %dma_start3A_468 = arith.constant 0 : i32
      %dma_start3A_469 = arith.constant 0 : i32
      %dma_start3A_470 = tpu.memref_slice %arg9[%dma_start3A_467, %dma_start3A_468, %dma_start3A_469] : memref<4x128x64xf32, #tpu.memory_space<vmem>> -> memref<1x128x64xf32, #tpu.memory_space<vmem>>
      %dma_start3A_471 = tpu.memref_squeeze %dma_start3A_470 : memref<1x128x64xf32, #tpu.memory_space<vmem>> -> memref<128x64xf32, #tpu.memory_space<vmem>>
      %dma_start3A_472 = arith.constant 0 : i32
      %dma_start3A_473 = tpu.memref_slice %arg8[%add3A_466, %dma_start3A_472] : memref<40x128xi32, #tpu.memory_space<vmem>> -> memref<1x128xi32, #tpu.memory_space<vmem>>
      %dma_start3A_474 = tpu.memref_squeeze %dma_start3A_473 : memref<1x128xi32, #tpu.memory_space<vmem>> -> memref<128xi32, #tpu.memory_space<vmem>>
      %dma_start3A_475 = arith.constant 0 : i32
      %dma_start3A_476 = arith.constant 0 : i32
      %dma_start3A_477 = tpu.memref_slice %arg11[%dma_start3A_475, %dma_start3A_476] : memref<10048x64xf32, #tpu.memory_space<vmem_shared>> -> memref<10048x64xf32, #tpu.memory_space<vmem_shared>>
      tpu.enqueue_indirect_dma source(%dma_start3A_471 : memref<128x64xf32, #tpu.memory_space<vmem>>) target(%dma_start3A_477 : memref<10048x64xf32, #tpu.memory_space<vmem_shared>>) offsets(%dma_start3A_474 : memref<128xi32, #tpu.memory_space<vmem>>) semaphore(%arg18 : memref<!tpu.dma_semaphore, #tpu.memory_space<semaphore_mem>>) {add = true}
      %add3A_478 = arith.constant 2 : i32
      %add3A_479 = arith.addi %mul3A_425, %add3A_478 : i32
      %dma_wait3A_480 = arith.constant 2 : i32
      %dma_wait3A_481 = arith.constant 0 : i32
      %dma_wait3A_482 = arith.constant 0 : i32
      %dma_wait3A_483 = tpu.memref_slice %arg9[%dma_wait3A_480, %dma_wait3A_481, %dma_wait3A_482] : memref<4x128x64xf32, #tpu.memory_space<vmem>> -> memref<1x128x64xf32, #tpu.memory_space<vmem>>
      %dma_wait3A_484 = tpu.memref_squeeze %dma_wait3A_483 : memref<1x128x64xf32, #tpu.memory_space<vmem>> -> memref<128x64xf32, #tpu.memory_space<vmem>>
      %dma_wait3A_485 = arith.constant 0 : i32
      %dma_wait3A_486 = tpu.memref_slice %arg7[%add3A_479, %dma_wait3A_485] : memref<40x128xi32, #tpu.memory_space<vmem>> -> memref<1x128xi32, #tpu.memory_space<vmem>>
      %dma_wait3A_487 = tpu.memref_squeeze %dma_wait3A_486 : memref<1x128xi32, #tpu.memory_space<vmem>> -> memref<128xi32, #tpu.memory_space<vmem>>
      %dma_wait3A_488 = arith.constant 0 : i32
      %dma_wait3A_489 = arith.constant 0 : i32
      %dma_wait3A_490 = tpu.memref_slice %arg10[%dma_wait3A_488, %dma_wait3A_489] : memref<10048x64xf32, #tpu.memory_space<vmem_shared>> -> memref<10048x64xf32, #tpu.memory_space<vmem_shared>>
      tpu.wait_indirect_dma semaphore(%arg15 : memref<!tpu.dma_semaphore, #tpu.memory_space<semaphore_mem>>) src(%dma_wait3A_490 : memref<10048x64xf32, #tpu.memory_space<vmem_shared>>) dst(%dma_wait3A_484 : memref<128x64xf32, #tpu.memory_space<vmem>>)
      %add3A_491 = arith.constant 2 : i32
      %add3A_492 = arith.addi %mul3A_425, %add3A_491 : i32
      %dma_start3A_493 = arith.constant 2 : i32
      %dma_start3A_494 = arith.constant 0 : i32
      %dma_start3A_495 = arith.constant 0 : i32
      %dma_start3A_496 = tpu.memref_slice %arg9[%dma_start3A_493, %dma_start3A_494, %dma_start3A_495] : memref<4x128x64xf32, #tpu.memory_space<vmem>> -> memref<1x128x64xf32, #tpu.memory_space<vmem>>
      %dma_start3A_497 = tpu.memref_squeeze %dma_start3A_496 : memref<1x128x64xf32, #tpu.memory_space<vmem>> -> memref<128x64xf32, #tpu.memory_space<vmem>>
      %dma_start3A_498 = arith.constant 0 : i32
      %dma_start3A_499 = tpu.memref_slice %arg8[%add3A_492, %dma_start3A_498] : memref<40x128xi32, #tpu.memory_space<vmem>> -> memref<1x128xi32, #tpu.memory_space<vmem>>
      %dma_start3A_500 = tpu.memref_squeeze %dma_start3A_499 : memref<1x128xi32, #tpu.memory_space<vmem>> -> memref<128xi32, #tpu.memory_space<vmem>>
      %dma_start3A_501 = arith.constant 0 : i32
      %dma_start3A_502 = arith.constant 0 : i32
      %dma_start3A_503 = tpu.memref_slice %arg11[%dma_start3A_501, %dma_start3A_502] : memref<10048x64xf32, #tpu.memory_space<vmem_shared>> -> memref<10048x64xf32, #tpu.memory_space<vmem_shared>>
      tpu.enqueue_indirect_dma source(%dma_start3A_497 : memref<128x64xf32, #tpu.memory_space<vmem>>) target(%dma_start3A_503 : memref<10048x64xf32, #tpu.memory_space<vmem_shared>>) offsets(%dma_start3A_500 : memref<128xi32, #tpu.memory_space<vmem>>) semaphore(%arg19 : memref<!tpu.dma_semaphore, #tpu.memory_space<semaphore_mem>>) {add = true}
      %add3A_504 = arith.constant 3 : i32
      %add3A_505 = arith.addi %mul3A_425, %add3A_504 : i32
      %dma_wait3A_506 = arith.constant 3 : i32
      %dma_wait3A_507 = arith.constant 0 : i32
      %dma_wait3A_508 = arith.constant 0 : i32
      %dma_wait3A_509 = tpu.memref_slice %arg9[%dma_wait3A_506, %dma_wait3A_507, %dma_wait3A_508] : memref<4x128x64xf32, #tpu.memory_space<vmem>> -> memref<1x128x64xf32, #tpu.memory_space<vmem>>
      %dma_wait3A_510 = tpu.memref_squeeze %dma_wait3A_509 : memref<1x128x64xf32, #tpu.memory_space<vmem>> -> memref<128x64xf32, #tpu.memory_space<vmem>>
      %dma_wait3A_511 = arith.constant 0 : i32
      %dma_wait3A_512 = tpu.memref_slice %arg7[%add3A_505, %dma_wait3A_511] : memref<40x128xi32, #tpu.memory_space<vmem>> -> memref<1x128xi32, #tpu.memory_space<vmem>>
      %dma_wait3A_513 = tpu.memref_squeeze %dma_wait3A_512 : memref<1x128xi32, #tpu.memory_space<vmem>> -> memref<128xi32, #tpu.memory_space<vmem>>
      %dma_wait3A_514 = arith.constant 0 : i32
      %dma_wait3A_515 = arith.constant 0 : i32
      %dma_wait3A_516 = tpu.memref_slice %arg10[%dma_wait3A_514, %dma_wait3A_515] : memref<10048x64xf32, #tpu.memory_space<vmem_shared>> -> memref<10048x64xf32, #tpu.memory_space<vmem_shared>>
      tpu.wait_indirect_dma semaphore(%arg16 : memref<!tpu.dma_semaphore, #tpu.memory_space<semaphore_mem>>) src(%dma_wait3A_516 : memref<10048x64xf32, #tpu.memory_space<vmem_shared>>) dst(%dma_wait3A_510 : memref<128x64xf32, #tpu.memory_space<vmem>>)
      %add3A_517 = arith.constant 3 : i32
      %add3A_518 = arith.addi %mul3A_425, %add3A_517 : i32
      %dma_start3A_519 = arith.constant 3 : i32
      %dma_start3A_520 = arith.constant 0 : i32
      %dma_start3A_521 = arith.constant 0 : i32
      %dma_start3A_522 = tpu.memref_slice %arg9[%dma_start3A_519, %dma_start3A_520, %dma_start3A_521] : memref<4x128x64xf32, #tpu.memory_space<vmem>> -> memref<1x128x64xf32, #tpu.memory_space<vmem>>
      %dma_start3A_523 = tpu.memref_squeeze %dma_start3A_522 : memref<1x128x64xf32, #tpu.memory_space<vmem>> -> memref<128x64xf32, #tpu.memory_space<vmem>>
      %dma_start3A_524 = arith.constant 0 : i32
      %dma_start3A_525 = tpu.memref_slice %arg8[%add3A_518, %dma_start3A_524] : memref<40x128xi32, #tpu.memory_space<vmem>> -> memref<1x128xi32, #tpu.memory_space<vmem>>
      %dma_start3A_526 = tpu.memref_squeeze %dma_start3A_525 : memref<1x128xi32, #tpu.memory_space<vmem>> -> memref<128xi32, #tpu.memory_space<vmem>>
      %dma_start3A_527 = arith.constant 0 : i32
      %dma_start3A_528 = arith.constant 0 : i32
      %dma_start3A_529 = tpu.memref_slice %arg11[%dma_start3A_527, %dma_start3A_528] : memref<10048x64xf32, #tpu.memory_space<vmem_shared>> -> memref<10048x64xf32, #tpu.memory_space<vmem_shared>>
      tpu.enqueue_indirect_dma source(%dma_start3A_523 : memref<128x64xf32, #tpu.memory_space<vmem>>) target(%dma_start3A_529 : memref<10048x64xf32, #tpu.memory_space<vmem_shared>>) offsets(%dma_start3A_526 : memref<128xi32, #tpu.memory_space<vmem>>) semaphore(%arg20 : memref<!tpu.dma_semaphore, #tpu.memory_space<semaphore_mem>>) {add = true}
      %add3A_530 = arith.constant 0 : i32
      %add3A_531 = arith.addi %mul3A_425, %add3A_530 : i32
      %dma_wait3A_532 = arith.constant 0 : i32
      %dma_wait3A_533 = arith.constant 0 : i32
      %dma_wait3A_534 = arith.constant 0 : i32
      %dma_wait3A_535 = tpu.memref_slice %arg9[%dma_wait3A_532, %dma_wait3A_533, %dma_wait3A_534] : memref<4x128x64xf32, #tpu.memory_space<vmem>> -> memref<1x128x64xf32, #tpu.memory_space<vmem>>
      %dma_wait3A_536 = tpu.memref_squeeze %dma_wait3A_535 : memref<1x128x64xf32, #tpu.memory_space<vmem>> -> memref<128x64xf32, #tpu.memory_space<vmem>>
      %dma_wait3A_537 = arith.constant 0 : i32
      %dma_wait3A_538 = tpu.memref_slice %arg8[%add3A_531, %dma_wait3A_537] : memref<40x128xi32, #tpu.memory_space<vmem>> -> memref<1x128xi32, #tpu.memory_space<vmem>>
      %dma_wait3A_539 = tpu.memref_squeeze %dma_wait3A_538 : memref<1x128xi32, #tpu.memory_space<vmem>> -> memref<128xi32, #tpu.memory_space<vmem>>
      %dma_wait3A_540 = arith.constant 0 : i32
      %dma_wait3A_541 = arith.constant 0 : i32
      %dma_wait3A_542 = tpu.memref_slice %arg11[%dma_wait3A_540, %dma_wait3A_541] : memref<10048x64xf32, #tpu.memory_space<vmem_shared>> -> memref<10048x64xf32, #tpu.memory_space<vmem_shared>>
      tpu.wait_indirect_dma semaphore(%arg17 : memref<!tpu.dma_semaphore, #tpu.memory_space<semaphore_mem>>) src(%dma_wait3A_536 : memref<128x64xf32, #tpu.memory_space<vmem>>) dst(%dma_wait3A_542 : memref<10048x64xf32, #tpu.memory_space<vmem_shared>>)
      %add3A_543 = arith.constant 4 : i32
      %add3A_544 = arith.addi %mul3A_425, %add3A_543 : i32
      %add3A_545 = arith.constant 0 : i32
      %add3A_546 = arith.addi %add3A_544, %add3A_545 : i32
      %dma_start3A_547 = arith.constant 0 : i32
      %dma_start3A_548 = arith.constant 0 : i32
      %dma_start3A_549 = arith.constant 0 : i32
      %dma_start3A_550 = tpu.memref_slice %arg9[%dma_start3A_547, %dma_start3A_548, %dma_start3A_549] : memref<4x128x64xf32, #tpu.memory_space<vmem>> -> memref<1x128x64xf32, #tpu.memory_space<vmem>>
      %dma_start3A_551 = tpu.memref_squeeze %dma_start3A_550 : memref<1x128x64xf32, #tpu.memory_space<vmem>> -> memref<128x64xf32, #tpu.memory_space<vmem>>
      %dma_start3A_552 = arith.constant 0 : i32
      %dma_start3A_553 = tpu.memref_slice %arg7[%add3A_546, %dma_start3A_552] : memref<40x128xi32, #tpu.memory_space<vmem>> -> memref<1x128xi32, #tpu.memory_space<vmem>>
      %dma_start3A_554 = tpu.memref_squeeze %dma_start3A_553 : memref<1x128xi32, #tpu.memory_space<vmem>> -> memref<128xi32, #tpu.memory_space<vmem>>
      %dma_start3A_555 = arith.constant 0 : i32
      %dma_start3A_556 = arith.constant 0 : i32
      %dma_start3A_557 = tpu.memref_slice %arg10[%dma_start3A_555, %dma_start3A_556] : memref<10048x64xf32, #tpu.memory_space<vmem_shared>> -> memref<10048x64xf32, #tpu.memory_space<vmem_shared>>
      tpu.enqueue_indirect_dma source(%dma_start3A_557 : memref<10048x64xf32, #tpu.memory_space<vmem_shared>>) target(%dma_start3A_551 : memref<128x64xf32, #tpu.memory_space<vmem>>) offsets(%dma_start3A_554 : memref<128xi32, #tpu.memory_space<vmem>>) semaphore(%arg13 : memref<!tpu.dma_semaphore, #tpu.memory_space<semaphore_mem>>)
      %add3A_558 = arith.constant 1 : i32
      %add3A_559 = arith.addi %mul3A_425, %add3A_558 : i32
      %dma_wait3A_560 = arith.constant 1 : i32
      %dma_wait3A_561 = arith.constant 0 : i32
      %dma_wait3A_562 = arith.constant 0 : i32
      %dma_wait3A_563 = tpu.memref_slice %arg9[%dma_wait3A_560, %dma_wait3A_561, %dma_wait3A_562] : memref<4x128x64xf32, #tpu.memory_space<vmem>> -> memref<1x128x64xf32, #tpu.memory_space<vmem>>
      %dma_wait3A_564 = tpu.memref_squeeze %dma_wait3A_563 : memref<1x128x64xf32, #tpu.memory_space<vmem>> -> memref<128x64xf32, #tpu.memory_space<vmem>>
      %dma_wait3A_565 = arith.constant 0 : i32
      %dma_wait3A_566 = tpu.memref_slice %arg8[%add3A_559, %dma_wait3A_565] : memref<40x128xi32, #tpu.memory_space<vmem>> -> memref<1x128xi32, #tpu.memory_space<vmem>>
      %dma_wait3A_567 = tpu.memref_squeeze %dma_wait3A_566 : memref<1x128xi32, #tpu.memory_space<vmem>> -> memref<128xi32, #tpu.memory_space<vmem>>
      %dma_wait3A_568 = arith.constant 0 : i32
      %dma_wait3A_569 = arith.constant 0 : i32
      %dma_wait3A_570 = tpu.memref_slice %arg11[%dma_wait3A_568, %dma_wait3A_569] : memref<10048x64xf32, #tpu.memory_space<vmem_shared>> -> memref<10048x64xf32, #tpu.memory_space<vmem_shared>>
      tpu.wait_indirect_dma semaphore(%arg18 : memref<!tpu.dma_semaphore, #tpu.memory_space<semaphore_mem>>) src(%dma_wait3A_564 : memref<128x64xf32, #tpu.memory_space<vmem>>) dst(%dma_wait3A_570 : memref<10048x64xf32, #tpu.memory_space<vmem_shared>>)
      %add3A_571 = arith.constant 4 : i32
      %add3A_572 = arith.addi %mul3A_425, %add3A_571 : i32
      %add3A_573 = arith.constant 1 : i32
      %add3A_574 = arith.addi %add3A_572, %add3A_573 : i32
      %dma_start3A_575 = arith.constant 1 : i32
      %dma_start3A_576 = arith.constant 0 : i32
      %dma_start3A_577 = arith.constant 0 : i32
      %dma_start3A_578 = tpu.memref_slice %arg9[%dma_start3A_575, %dma_start3A_576, %dma_start3A_577] : memref<4x128x64xf32, #tpu.memory_space<vmem>> -> memref<1x128x64xf32, #tpu.memory_space<vmem>>
      %dma_start3A_579 = tpu.memref_squeeze %dma_start3A_578 : memref<1x128x64xf32, #tpu.memory_space<vmem>> -> memref<128x64xf32, #tpu.memory_space<vmem>>
      %dma_start3A_580 = arith.constant 0 : i32
      %dma_start3A_581 = tpu.memref_slice %arg7[%add3A_574, %dma_start3A_580] : memref<40x128xi32, #tpu.memory_space<vmem>> -> memref<1x128xi32, #tpu.memory_space<vmem>>
      %dma_start3A_582 = tpu.memref_squeeze %dma_start3A_581 : memref<1x128xi32, #tpu.memory_space<vmem>> -> memref<128xi32, #tpu.memory_space<vmem>>
      %dma_start3A_583 = arith.constant 0 : i32
      %dma_start3A_584 = arith.constant 0 : i32
      %dma_start3A_585 = tpu.memref_slice %arg10[%dma_start3A_583, %dma_start3A_584] : memref<10048x64xf32, #tpu.memory_space<vmem_shared>> -> memref<10048x64xf32, #tpu.memory_space<vmem_shared>>
      tpu.enqueue_indirect_dma source(%dma_start3A_585 : memref<10048x64xf32, #tpu.memory_space<vmem_shared>>) target(%dma_start3A_579 : memref<128x64xf32, #tpu.memory_space<vmem>>) offsets(%dma_start3A_582 : memref<128xi32, #tpu.memory_space<vmem>>) semaphore(%arg14 : memref<!tpu.dma_semaphore, #tpu.memory_space<semaphore_mem>>)
      %add3A_586 = arith.constant 2 : i32
      %add3A_587 = arith.addi %mul3A_425, %add3A_586 : i32
      %dma_wait3A_588 = arith.constant 2 : i32
      %dma_wait3A_589 = arith.constant 0 : i32
      %dma_wait3A_590 = arith.constant 0 : i32
      %dma_wait3A_591 = tpu.memref_slice %arg9[%dma_wait3A_588, %dma_wait3A_589, %dma_wait3A_590] : memref<4x128x64xf32, #tpu.memory_space<vmem>> -> memref<1x128x64xf32, #tpu.memory_space<vmem>>
      %dma_wait3A_592 = tpu.memref_squeeze %dma_wait3A_591 : memref<1x128x64xf32, #tpu.memory_space<vmem>> -> memref<128x64xf32, #tpu.memory_space<vmem>>
      %dma_wait3A_593 = arith.constant 0 : i32
      %dma_wait3A_594 = tpu.memref_slice %arg8[%add3A_587, %dma_wait3A_593] : memref<40x128xi32, #tpu.memory_space<vmem>> -> memref<1x128xi32, #tpu.memory_space<vmem>>
      %dma_wait3A_595 = tpu.memref_squeeze %dma_wait3A_594 : memref<1x128xi32, #tpu.memory_space<vmem>> -> memref<128xi32, #tpu.memory_space<vmem>>
      %dma_wait3A_596 = arith.constant 0 : i32
      %dma_wait3A_597 = arith.constant 0 : i32
      %dma_wait3A_598 = tpu.memref_slice %arg11[%dma_wait3A_596, %dma_wait3A_597] : memref<10048x64xf32, #tpu.memory_space<vmem_shared>> -> memref<10048x64xf32, #tpu.memory_space<vmem_shared>>
      tpu.wait_indirect_dma semaphore(%arg19 : memref<!tpu.dma_semaphore, #tpu.memory_space<semaphore_mem>>) src(%dma_wait3A_592 : memref<128x64xf32, #tpu.memory_space<vmem>>) dst(%dma_wait3A_598 : memref<10048x64xf32, #tpu.memory_space<vmem_shared>>)
      %add3A_599 = arith.constant 4 : i32
      %add3A_600 = arith.addi %mul3A_425, %add3A_599 : i32
      %add3A_601 = arith.constant 2 : i32
      %add3A_602 = arith.addi %add3A_600, %add3A_601 : i32
      %dma_start3A_603 = arith.constant 2 : i32
      %dma_start3A_604 = arith.constant 0 : i32
      %dma_start3A_605 = arith.constant 0 : i32
      %dma_start3A_606 = tpu.memref_slice %arg9[%dma_start3A_603, %dma_start3A_604, %dma_start3A_605] : memref<4x128x64xf32, #tpu.memory_space<vmem>> -> memref<1x128x64xf32, #tpu.memory_space<vmem>>
      %dma_start3A_607 = tpu.memref_squeeze %dma_start3A_606 : memref<1x128x64xf32, #tpu.memory_space<vmem>> -> memref<128x64xf32, #tpu.memory_space<vmem>>
      %dma_start3A_608 = arith.constant 0 : i32
      %dma_start3A_609 = tpu.memref_slice %arg7[%add3A_602, %dma_start3A_608] : memref<40x128xi32, #tpu.memory_space<vmem>> -> memref<1x128xi32, #tpu.memory_space<vmem>>
      %dma_start3A_610 = tpu.memref_squeeze %dma_start3A_609 : memref<1x128xi32, #tpu.memory_space<vmem>> -> memref<128xi32, #tpu.memory_space<vmem>>
      %dma_start3A_611 = arith.constant 0 : i32
      %dma_start3A_612 = arith.constant 0 : i32
      %dma_start3A_613 = tpu.memref_slice %arg10[%dma_start3A_611, %dma_start3A_612] : memref<10048x64xf32, #tpu.memory_space<vmem_shared>> -> memref<10048x64xf32, #tpu.memory_space<vmem_shared>>
      tpu.enqueue_indirect_dma source(%dma_start3A_613 : memref<10048x64xf32, #tpu.memory_space<vmem_shared>>) target(%dma_start3A_607 : memref<128x64xf32, #tpu.memory_space<vmem>>) offsets(%dma_start3A_610 : memref<128xi32, #tpu.memory_space<vmem>>) semaphore(%arg15 : memref<!tpu.dma_semaphore, #tpu.memory_space<semaphore_mem>>)
      %add3A_614 = arith.constant 3 : i32
      %add3A_615 = arith.addi %mul3A_425, %add3A_614 : i32
      %dma_wait3A_616 = arith.constant 3 : i32
      %dma_wait3A_617 = arith.constant 0 : i32
      %dma_wait3A_618 = arith.constant 0 : i32
      %dma_wait3A_619 = tpu.memref_slice %arg9[%dma_wait3A_616, %dma_wait3A_617, %dma_wait3A_618] : memref<4x128x64xf32, #tpu.memory_space<vmem>> -> memref<1x128x64xf32, #tpu.memory_space<vmem>>
      %dma_wait3A_620 = tpu.memref_squeeze %dma_wait3A_619 : memref<1x128x64xf32, #tpu.memory_space<vmem>> -> memref<128x64xf32, #tpu.memory_space<vmem>>
      %dma_wait3A_621 = arith.constant 0 : i32
      %dma_wait3A_622 = tpu.memref_slice %arg8[%add3A_615, %dma_wait3A_621] : memref<40x128xi32, #tpu.memory_space<vmem>> -> memref<1x128xi32, #tpu.memory_space<vmem>>
      %dma_wait3A_623 = tpu.memref_squeeze %dma_wait3A_622 : memref<1x128xi32, #tpu.memory_space<vmem>> -> memref<128xi32, #tpu.memory_space<vmem>>
      %dma_wait3A_624 = arith.constant 0 : i32
      %dma_wait3A_625 = arith.constant 0 : i32
      %dma_wait3A_626 = tpu.memref_slice %arg11[%dma_wait3A_624, %dma_wait3A_625] : memref<10048x64xf32, #tpu.memory_space<vmem_shared>> -> memref<10048x64xf32, #tpu.memory_space<vmem_shared>>
      tpu.wait_indirect_dma semaphore(%arg20 : memref<!tpu.dma_semaphore, #tpu.memory_space<semaphore_mem>>) src(%dma_wait3A_620 : memref<128x64xf32, #tpu.memory_space<vmem>>) dst(%dma_wait3A_626 : memref<10048x64xf32, #tpu.memory_space<vmem_shared>>)
      %add3A_627 = arith.constant 4 : i32
      %add3A_628 = arith.addi %mul3A_425, %add3A_627 : i32
      %add3A_629 = arith.constant 3 : i32
      %add3A_630 = arith.addi %add3A_628, %add3A_629 : i32
      %dma_start3A_631 = arith.constant 3 : i32
      %dma_start3A_632 = arith.constant 0 : i32
      %dma_start3A_633 = arith.constant 0 : i32
      %dma_start3A_634 = tpu.memref_slice %arg9[%dma_start3A_631, %dma_start3A_632, %dma_start3A_633] : memref<4x128x64xf32, #tpu.memory_space<vmem>> -> memref<1x128x64xf32, #tpu.memory_space<vmem>>
      %dma_start3A_635 = tpu.memref_squeeze %dma_start3A_634 : memref<1x128x64xf32, #tpu.memory_space<vmem>> -> memref<128x64xf32, #tpu.memory_space<vmem>>
      %dma_start3A_636 = arith.constant 0 : i32
      %dma_start3A_637 = tpu.memref_slice %arg7[%add3A_630, %dma_start3A_636] : memref<40x128xi32, #tpu.memory_space<vmem>> -> memref<1x128xi32, #tpu.memory_space<vmem>>
      %dma_start3A_638 = tpu.memref_squeeze %dma_start3A_637 : memref<1x128xi32, #tpu.memory_space<vmem>> -> memref<128xi32, #tpu.memory_space<vmem>>
      %dma_start3A_639 = arith.constant 0 : i32
      %dma_start3A_640 = arith.constant 0 : i32
      %dma_start3A_641 = tpu.memref_slice %arg10[%dma_start3A_639, %dma_start3A_640] : memref<10048x64xf32, #tpu.memory_space<vmem_shared>> -> memref<10048x64xf32, #tpu.memory_space<vmem_shared>>
      tpu.enqueue_indirect_dma source(%dma_start3A_641 : memref<10048x64xf32, #tpu.memory_space<vmem_shared>>) target(%dma_start3A_635 : memref<128x64xf32, #tpu.memory_space<vmem>>) offsets(%dma_start3A_638 : memref<128xi32, #tpu.memory_space<vmem>>) semaphore(%arg16 : memref<!tpu.dma_semaphore, #tpu.memory_space<semaphore_mem>>)
    }
    %scan3A_72 = arith.constant 9 : i32
    %dma_wait3A_73 = arith.constant 36 : i32
    %dma_wait3A_74 = arith.constant 0 : i32
    %dma_wait3A_75 = arith.constant 0 : i32
    %dma_wait3A_76 = arith.constant 0 : i32
    %dma_wait3A_77 = tpu.memref_slice %arg9[%dma_wait3A_74, %dma_wait3A_75, %dma_wait3A_76] : memref<4x128x64xf32, #tpu.memory_space<vmem>> -> memref<1x128x64xf32, #tpu.memory_space<vmem>>
    %dma_wait3A_78 = tpu.memref_squeeze %dma_wait3A_77 : memref<1x128x64xf32, #tpu.memory_space<vmem>> -> memref<128x64xf32, #tpu.memory_space<vmem>>
    %dma_wait3A_79 = arith.constant 0 : i32
    %dma_wait3A_80 = tpu.memref_slice %arg7[%dma_wait3A_73, %dma_wait3A_79] : memref<40x128xi32, #tpu.memory_space<vmem>> -> memref<1x128xi32, #tpu.memory_space<vmem>>
    %dma_wait3A_81 = tpu.memref_squeeze %dma_wait3A_80 : memref<1x128xi32, #tpu.memory_space<vmem>> -> memref<128xi32, #tpu.memory_space<vmem>>
    %dma_wait3A_82 = arith.constant 0 : i32
    %dma_wait3A_83 = arith.constant 0 : i32
    %dma_wait3A_84 = tpu.memref_slice %arg10[%dma_wait3A_82, %dma_wait3A_83] : memref<10048x64xf32, #tpu.memory_space<vmem_shared>> -> memref<10048x64xf32, #tpu.memory_space<vmem_shared>>
    tpu.wait_indirect_dma semaphore(%arg13 : memref<!tpu.dma_semaphore, #tpu.memory_space<semaphore_mem>>) src(%dma_wait3A_84 : memref<10048x64xf32, #tpu.memory_space<vmem_shared>>) dst(%dma_wait3A_78 : memref<128x64xf32, #tpu.memory_space<vmem>>)
    %dma_start3A_85 = arith.constant 0 : i32
    %dma_start3A_86 = arith.constant 36 : i32
    %dma_start3A_87 = arith.constant 0 : i32
    %dma_start3A_88 = arith.constant 0 : i32
    %dma_start3A_89 = tpu.memref_slice %arg9[%dma_start3A_85, %dma_start3A_87, %dma_start3A_88] : memref<4x128x64xf32, #tpu.memory_space<vmem>> -> memref<1x128x64xf32, #tpu.memory_space<vmem>>
    %dma_start3A_90 = tpu.memref_squeeze %dma_start3A_89 : memref<1x128x64xf32, #tpu.memory_space<vmem>> -> memref<128x64xf32, #tpu.memory_space<vmem>>
    %dma_start3A_91 = arith.constant 0 : i32
    %dma_start3A_92 = tpu.memref_slice %arg8[%dma_start3A_86, %dma_start3A_91] : memref<40x128xi32, #tpu.memory_space<vmem>> -> memref<1x128xi32, #tpu.memory_space<vmem>>
    %dma_start3A_93 = tpu.memref_squeeze %dma_start3A_92 : memref<1x128xi32, #tpu.memory_space<vmem>> -> memref<128xi32, #tpu.memory_space<vmem>>
    %dma_start3A_94 = arith.constant 0 : i32
    %dma_start3A_95 = arith.constant 0 : i32
    %dma_start3A_96 = tpu.memref_slice %arg11[%dma_start3A_94, %dma_start3A_95] : memref<10048x64xf32, #tpu.memory_space<vmem_shared>> -> memref<10048x64xf32, #tpu.memory_space<vmem_shared>>
    tpu.enqueue_indirect_dma source(%dma_start3A_90 : memref<128x64xf32, #tpu.memory_space<vmem>>) target(%dma_start3A_96 : memref<10048x64xf32, #tpu.memory_space<vmem_shared>>) offsets(%dma_start3A_93 : memref<128xi32, #tpu.memory_space<vmem>>) semaphore(%arg17 : memref<!tpu.dma_semaphore, #tpu.memory_space<semaphore_mem>>) {add = true}
    %dma_wait3A_97 = arith.constant 37 : i32
    %dma_wait3A_98 = arith.constant 1 : i32
    %dma_wait3A_99 = arith.constant 0 : i32
    %dma_wait3A_100 = arith.constant 0 : i32
    %dma_wait3A_101 = tpu.memref_slice %arg9[%dma_wait3A_98, %dma_wait3A_99, %dma_wait3A_100] : memref<4x128x64xf32, #tpu.memory_space<vmem>> -> memref<1x128x64xf32, #tpu.memory_space<vmem>>
    %dma_wait3A_102 = tpu.memref_squeeze %dma_wait3A_101 : memref<1x128x64xf32, #tpu.memory_space<vmem>> -> memref<128x64xf32, #tpu.memory_space<vmem>>
    %dma_wait3A_103 = arith.constant 0 : i32
    %dma_wait3A_104 = tpu.memref_slice %arg7[%dma_wait3A_97, %dma_wait3A_103] : memref<40x128xi32, #tpu.memory_space<vmem>> -> memref<1x128xi32, #tpu.memory_space<vmem>>
    %dma_wait3A_105 = tpu.memref_squeeze %dma_wait3A_104 : memref<1x128xi32, #tpu.memory_space<vmem>> -> memref<128xi32, #tpu.memory_space<vmem>>
    %dma_wait3A_106 = arith.constant 0 : i32
    %dma_wait3A_107 = arith.constant 0 : i32
    %dma_wait3A_108 = tpu.memref_slice %arg10[%dma_wait3A_106, %dma_wait3A_107] : memref<10048x64xf32, #tpu.memory_space<vmem_shared>> -> memref<10048x64xf32, #tpu.memory_space<vmem_shared>>
    tpu.wait_indirect_dma semaphore(%arg14 : memref<!tpu.dma_semaphore, #tpu.memory_space<semaphore_mem>>) src(%dma_wait3A_108 : memref<10048x64xf32, #tpu.memory_space<vmem_shared>>) dst(%dma_wait3A_102 : memref<128x64xf32, #tpu.memory_space<vmem>>)
    %dma_start3A_109 = arith.constant 1 : i32
    %dma_start3A_110 = arith.constant 37 : i32
    %dma_start3A_111 = arith.constant 0 : i32
    %dma_start3A_112 = arith.constant 0 : i32
    %dma_start3A_113 = tpu.memref_slice %arg9[%dma_start3A_109, %dma_start3A_111, %dma_start3A_112] : memref<4x128x64xf32, #tpu.memory_space<vmem>> -> memref<1x128x64xf32, #tpu.memory_space<vmem>>
    %dma_start3A_114 = tpu.memref_squeeze %dma_start3A_113 : memref<1x128x64xf32, #tpu.memory_space<vmem>> -> memref<128x64xf32, #tpu.memory_space<vmem>>
    %dma_start3A_115 = arith.constant 0 : i32
    %dma_start3A_116 = tpu.memref_slice %arg8[%dma_start3A_110, %dma_start3A_115] : memref<40x128xi32, #tpu.memory_space<vmem>> -> memref<1x128xi32, #tpu.memory_space<vmem>>
    %dma_start3A_117 = tpu.memref_squeeze %dma_start3A_116 : memref<1x128xi32, #tpu.memory_space<vmem>> -> memref<128xi32, #tpu.memory_space<vmem>>
    %dma_start3A_118 = arith.constant 0 : i32
    %dma_start3A_119 = arith.constant 0 : i32
    %dma_start3A_120 = tpu.memref_slice %arg11[%dma_start3A_118, %dma_start3A_119] : memref<10048x64xf32, #tpu.memory_space<vmem_shared>> -> memref<10048x64xf32, #tpu.memory_space<vmem_shared>>
    tpu.enqueue_indirect_dma source(%dma_start3A_114 : memref<128x64xf32, #tpu.memory_space<vmem>>) target(%dma_start3A_120 : memref<10048x64xf32, #tpu.memory_space<vmem_shared>>) offsets(%dma_start3A_117 : memref<128xi32, #tpu.memory_space<vmem>>) semaphore(%arg18 : memref<!tpu.dma_semaphore, #tpu.memory_space<semaphore_mem>>) {add = true}
    %dma_wait3A_121 = arith.constant 38 : i32
    %dma_wait3A_122 = arith.constant 2 : i32
    %dma_wait3A_123 = arith.constant 0 : i32
    %dma_wait3A_124 = arith.constant 0 : i32
    %dma_wait3A_125 = tpu.memref_slice %arg9[%dma_wait3A_122, %dma_wait3A_123, %dma_wait3A_124] : memref<4x128x64xf32, #tpu.memory_space<vmem>> -> memref<1x128x64xf32, #tpu.memory_space<vmem>>
    %dma_wait3A_126 = tpu.memref_squeeze %dma_wait3A_125 : memref<1x128x64xf32, #tpu.memory_space<vmem>> -> memref<128x64xf32, #tpu.memory_space<vmem>>
    %dma_wait3A_127 = arith.constant 0 : i32
    %dma_wait3A_128 = tpu.memref_slice %arg7[%dma_wait3A_121, %dma_wait3A_127] : memref<40x128xi32, #tpu.memory_space<vmem>> -> memref<1x128xi32, #tpu.memory_space<vmem>>
    %dma_wait3A_129 = tpu.memref_squeeze %dma_wait3A_128 : memref<1x128xi32, #tpu.memory_space<vmem>> -> memref<128xi32, #tpu.memory_space<vmem>>
    %dma_wait3A_130 = arith.constant 0 : i32
    %dma_wait3A_131 = arith.constant 0 : i32
    %dma_wait3A_132 = tpu.memref_slice %arg10[%dma_wait3A_130, %dma_wait3A_131] : memref<10048x64xf32, #tpu.memory_space<vmem_shared>> -> memref<10048x64xf32, #tpu.memory_space<vmem_shared>>
    tpu.wait_indirect_dma semaphore(%arg15 : memref<!tpu.dma_semaphore, #tpu.memory_space<semaphore_mem>>) src(%dma_wait3A_132 : memref<10048x64xf32, #tpu.memory_space<vmem_shared>>) dst(%dma_wait3A_126 : memref<128x64xf32, #tpu.memory_space<vmem>>)
    %dma_start3A_133 = arith.constant 2 : i32
    %dma_start3A_134 = arith.constant 38 : i32
    %dma_start3A_135 = arith.constant 0 : i32
    %dma_start3A_136 = arith.constant 0 : i32
    %dma_start3A_137 = tpu.memref_slice %arg9[%dma_start3A_133, %dma_start3A_135, %dma_start3A_136] : memref<4x128x64xf32, #tpu.memory_space<vmem>> -> memref<1x128x64xf32, #tpu.memory_space<vmem>>
    %dma_start3A_138 = tpu.memref_squeeze %dma_start3A_137 : memref<1x128x64xf32, #tpu.memory_space<vmem>> -> memref<128x64xf32, #tpu.memory_space<vmem>>
    %dma_start3A_139 = arith.constant 0 : i32
    %dma_start3A_140 = tpu.memref_slice %arg8[%dma_start3A_134, %dma_start3A_139] : memref<40x128xi32, #tpu.memory_space<vmem>> -> memref<1x128xi32, #tpu.memory_space<vmem>>
    %dma_start3A_141 = tpu.memref_squeeze %dma_start3A_140 : memref<1x128xi32, #tpu.memory_space<vmem>> -> memref<128xi32, #tpu.memory_space<vmem>>
    %dma_start3A_142 = arith.constant 0 : i32
    %dma_start3A_143 = arith.constant 0 : i32
    %dma_start3A_144 = tpu.memref_slice %arg11[%dma_start3A_142, %dma_start3A_143] : memref<10048x64xf32, #tpu.memory_space<vmem_shared>> -> memref<10048x64xf32, #tpu.memory_space<vmem_shared>>
    tpu.enqueue_indirect_dma source(%dma_start3A_138 : memref<128x64xf32, #tpu.memory_space<vmem>>) target(%dma_start3A_144 : memref<10048x64xf32, #tpu.memory_space<vmem_shared>>) offsets(%dma_start3A_141 : memref<128xi32, #tpu.memory_space<vmem>>) semaphore(%arg19 : memref<!tpu.dma_semaphore, #tpu.memory_space<semaphore_mem>>) {add = true}
    %dma_wait3A_145 = arith.constant 39 : i32
    %dma_wait3A_146 = arith.constant 3 : i32
    %dma_wait3A_147 = arith.constant 0 : i32
    %dma_wait3A_148 = arith.constant 0 : i32
    %dma_wait3A_149 = tpu.memref_slice %arg9[%dma_wait3A_146, %dma_wait3A_147, %dma_wait3A_148] : memref<4x128x64xf32, #tpu.memory_space<vmem>> -> memref<1x128x64xf32, #tpu.memory_space<vmem>>
    %dma_wait3A_150 = tpu.memref_squeeze %dma_wait3A_149 : memref<1x128x64xf32, #tpu.memory_space<vmem>> -> memref<128x64xf32, #tpu.memory_space<vmem>>
    %dma_wait3A_151 = arith.constant 0 : i32
    %dma_wait3A_152 = tpu.memref_slice %arg7[%dma_wait3A_145, %dma_wait3A_151] : memref<40x128xi32, #tpu.memory_space<vmem>> -> memref<1x128xi32, #tpu.memory_space<vmem>>
    %dma_wait3A_153 = tpu.memref_squeeze %dma_wait3A_152 : memref<1x128xi32, #tpu.memory_space<vmem>> -> memref<128xi32, #tpu.memory_space<vmem>>
    %dma_wait3A_154 = arith.constant 0 : i32
    %dma_wait3A_155 = arith.constant 0 : i32
    %dma_wait3A_156 = tpu.memref_slice %arg10[%dma_wait3A_154, %dma_wait3A_155] : memref<10048x64xf32, #tpu.memory_space<vmem_shared>> -> memref<10048x64xf32, #tpu.memory_space<vmem_shared>>
    tpu.wait_indirect_dma semaphore(%arg16 : memref<!tpu.dma_semaphore, #tpu.memory_space<semaphore_mem>>) src(%dma_wait3A_156 : memref<10048x64xf32, #tpu.memory_space<vmem_shared>>) dst(%dma_wait3A_150 : memref<128x64xf32, #tpu.memory_space<vmem>>)
    %dma_start3A_157 = arith.constant 3 : i32
    %dma_start3A_158 = arith.constant 39 : i32
    %dma_start3A_159 = arith.constant 0 : i32
    %dma_start3A_160 = arith.constant 0 : i32
    %dma_start3A_161 = tpu.memref_slice %arg9[%dma_start3A_157, %dma_start3A_159, %dma_start3A_160] : memref<4x128x64xf32, #tpu.memory_space<vmem>> -> memref<1x128x64xf32, #tpu.memory_space<vmem>>
    %dma_start3A_162 = tpu.memref_squeeze %dma_start3A_161 : memref<1x128x64xf32, #tpu.memory_space<vmem>> -> memref<128x64xf32, #tpu.memory_space<vmem>>
    %dma_start3A_163 = arith.constant 0 : i32
    %dma_start3A_164 = tpu.memref_slice %arg8[%dma_start3A_158, %dma_start3A_163] : memref<40x128xi32, #tpu.memory_space<vmem>> -> memref<1x128xi32, #tpu.memory_space<vmem>>
    %dma_start3A_165 = tpu.memref_squeeze %dma_start3A_164 : memref<1x128xi32, #tpu.memory_space<vmem>> -> memref<128xi32, #tpu.memory_space<vmem>>
    %dma_start3A_166 = arith.constant 0 : i32
    %dma_start3A_167 = arith.constant 0 : i32
    %dma_start3A_168 = tpu.memref_slice %arg11[%dma_start3A_166, %dma_start3A_167] : memref<10048x64xf32, #tpu.memory_space<vmem_shared>> -> memref<10048x64xf32, #tpu.memory_space<vmem_shared>>
    tpu.enqueue_indirect_dma source(%dma_start3A_162 : memref<128x64xf32, #tpu.memory_space<vmem>>) target(%dma_start3A_168 : memref<10048x64xf32, #tpu.memory_space<vmem_shared>>) offsets(%dma_start3A_165 : memref<128xi32, #tpu.memory_space<vmem>>) semaphore(%arg20 : memref<!tpu.dma_semaphore, #tpu.memory_space<semaphore_mem>>) {add = true}
    %dma_wait3A_169 = arith.constant 0 : i32
    %dma_wait3A_170 = arith.constant 36 : i32
    %dma_wait3A_171 = arith.constant 0 : i32
    %dma_wait3A_172 = arith.constant 0 : i32
    %dma_wait3A_173 = tpu.memref_slice %arg9[%dma_wait3A_169, %dma_wait3A_171, %dma_wait3A_172] : memref<4x128x64xf32, #tpu.memory_space<vmem>> -> memref<1x128x64xf32, #tpu.memory_space<vmem>>
    %dma_wait3A_174 = tpu.memref_squeeze %dma_wait3A_173 : memref<1x128x64xf32, #tpu.memory_space<vmem>> -> memref<128x64xf32, #tpu.memory_space<vmem>>
    %dma_wait3A_175 = arith.constant 0 : i32
    %dma_wait3A_176 = tpu.memref_slice %arg8[%dma_wait3A_170, %dma_wait3A_175] : memref<40x128xi32, #tpu.memory_space<vmem>> -> memref<1x128xi32, #tpu.memory_space<vmem>>
    %dma_wait3A_177 = tpu.memref_squeeze %dma_wait3A_176 : memref<1x128xi32, #tpu.memory_space<vmem>> -> memref<128xi32, #tpu.memory_space<vmem>>
    %dma_wait3A_178 = arith.constant 0 : i32
    %dma_wait3A_179 = arith.constant 0 : i32
    %dma_wait3A_180 = tpu.memref_slice %arg11[%dma_wait3A_178, %dma_wait3A_179] : memref<10048x64xf32, #tpu.memory_space<vmem_shared>> -> memref<10048x64xf32, #tpu.memory_space<vmem_shared>>
    tpu.wait_indirect_dma semaphore(%arg17 : memref<!tpu.dma_semaphore, #tpu.memory_space<semaphore_mem>>) src(%dma_wait3A_174 : memref<128x64xf32, #tpu.memory_space<vmem>>) dst(%dma_wait3A_180 : memref<10048x64xf32, #tpu.memory_space<vmem_shared>>)
    %dma_wait3A_181 = arith.constant 1 : i32
    %dma_wait3A_182 = arith.constant 37 : i32
    %dma_wait3A_183 = arith.constant 0 : i32
    %dma_wait3A_184 = arith.constant 0 : i32
    %dma_wait3A_185 = tpu.memref_slice %arg9[%dma_wait3A_181, %dma_wait3A_183, %dma_wait3A_184] : memref<4x128x64xf32, #tpu.memory_space<vmem>> -> memref<1x128x64xf32, #tpu.memory_space<vmem>>
    %dma_wait3A_186 = tpu.memref_squeeze %dma_wait3A_185 : memref<1x128x64xf32, #tpu.memory_space<vmem>> -> memref<128x64xf32, #tpu.memory_space<vmem>>
    %dma_wait3A_187 = arith.constant 0 : i32
    %dma_wait3A_188 = tpu.memref_slice %arg8[%dma_wait3A_182, %dma_wait3A_187] : memref<40x128xi32, #tpu.memory_space<vmem>> -> memref<1x128xi32, #tpu.memory_space<vmem>>
    %dma_wait3A_189 = tpu.memref_squeeze %dma_wait3A_188 : memref<1x128xi32, #tpu.memory_space<vmem>> -> memref<128xi32, #tpu.memory_space<vmem>>
    %dma_wait3A_190 = arith.constant 0 : i32
    %dma_wait3A_191 = arith.constant 0 : i32
    %dma_wait3A_192 = tpu.memref_slice %arg11[%dma_wait3A_190, %dma_wait3A_191] : memref<10048x64xf32, #tpu.memory_space<vmem_shared>> -> memref<10048x64xf32, #tpu.memory_space<vmem_shared>>
    tpu.wait_indirect_dma semaphore(%arg18 : memref<!tpu.dma_semaphore, #tpu.memory_space<semaphore_mem>>) src(%dma_wait3A_186 : memref<128x64xf32, #tpu.memory_space<vmem>>) dst(%dma_wait3A_192 : memref<10048x64xf32, #tpu.memory_space<vmem_shared>>)
    %dma_wait3A_193 = arith.constant 2 : i32
    %dma_wait3A_194 = arith.constant 38 : i32
    %dma_wait3A_195 = arith.constant 0 : i32
    %dma_wait3A_196 = arith.constant 0 : i32
    %dma_wait3A_197 = tpu.memref_slice %arg9[%dma_wait3A_193, %dma_wait3A_195, %dma_wait3A_196] : memref<4x128x64xf32, #tpu.memory_space<vmem>> -> memref<1x128x64xf32, #tpu.memory_space<vmem>>
    %dma_wait3A_198 = tpu.memref_squeeze %dma_wait3A_197 : memref<1x128x64xf32, #tpu.memory_space<vmem>> -> memref<128x64xf32, #tpu.memory_space<vmem>>
    %dma_wait3A_199 = arith.constant 0 : i32
    %dma_wait3A_200 = tpu.memref_slice %arg8[%dma_wait3A_194, %dma_wait3A_199] : memref<40x128xi32, #tpu.memory_space<vmem>> -> memref<1x128xi32, #tpu.memory_space<vmem>>
    %dma_wait3A_201 = tpu.memref_squeeze %dma_wait3A_200 : memref<1x128xi32, #tpu.memory_space<vmem>> -> memref<128xi32, #tpu.memory_space<vmem>>
    %dma_wait3A_202 = arith.constant 0 : i32
    %dma_wait3A_203 = arith.constant 0 : i32
    %dma_wait3A_204 = tpu.memref_slice %arg11[%dma_wait3A_202, %dma_wait3A_203] : memref<10048x64xf32, #tpu.memory_space<vmem_shared>> -> memref<10048x64xf32, #tpu.memory_space<vmem_shared>>
    tpu.wait_indirect_dma semaphore(%arg19 : memref<!tpu.dma_semaphore, #tpu.memory_space<semaphore_mem>>) src(%dma_wait3A_198 : memref<128x64xf32, #tpu.memory_space<vmem>>) dst(%dma_wait3A_204 : memref<10048x64xf32, #tpu.memory_space<vmem_shared>>)
    %dma_wait3A_205 = arith.constant 3 : i32
    %dma_wait3A_206 = arith.constant 39 : i32
    %dma_wait3A_207 = arith.constant 0 : i32
    %dma_wait3A_208 = arith.constant 0 : i32
    %dma_wait3A_209 = tpu.memref_slice %arg9[%dma_wait3A_205, %dma_wait3A_207, %dma_wait3A_208] : memref<4x128x64xf32, #tpu.memory_space<vmem>> -> memref<1x128x64xf32, #tpu.memory_space<vmem>>
    %dma_wait3A_210 = tpu.memref_squeeze %dma_wait3A_209 : memref<1x128x64xf32, #tpu.memory_space<vmem>> -> memref<128x64xf32, #tpu.memory_space<vmem>>
    %dma_wait3A_211 = arith.constant 0 : i32
    %dma_wait3A_212 = tpu.memref_slice %arg8[%dma_wait3A_206, %dma_wait3A_211] : memref<40x128xi32, #tpu.memory_space<vmem>> -> memref<1x128xi32, #tpu.memory_space<vmem>>
    %dma_wait3A_213 = tpu.memref_squeeze %dma_wait3A_212 : memref<1x128xi32, #tpu.memory_space<vmem>> -> memref<128xi32, #tpu.memory_space<vmem>>
    %dma_wait3A_214 = arith.constant 0 : i32
    %dma_wait3A_215 = arith.constant 0 : i32
    %dma_wait3A_216 = tpu.memref_slice %arg11[%dma_wait3A_214, %dma_wait3A_215] : memref<10048x64xf32, #tpu.memory_space<vmem_shared>> -> memref<10048x64xf32, #tpu.memory_space<vmem_shared>>
    tpu.wait_indirect_dma semaphore(%arg20 : memref<!tpu.dma_semaphore, #tpu.memory_space<semaphore_mem>>) src(%dma_wait3A_210 : memref<128x64xf32, #tpu.memory_space<vmem>>) dst(%dma_wait3A_216 : memref<10048x64xf32, #tpu.memory_space<vmem_shared>>)
    %mul3A_217 = arith.constant 80 : i32
    %mul3A_218 = arith.muli %add3A, %mul3A_217 : i32
    %add3A_219 = arith.constant 40 : i32
    %add3A_220 = arith.addi %mul3A_218, %add3A_219 : i32
    "tpu.region"() ({
      %run_scoped3A = tpu.sem_alloc : memref<!tpu.dma_semaphore, #tpu.memory_space<semaphore_mem>>
      %dma_start3A_423 = arith.constant 0 : i32
      %dma_start3A_424 = tpu.memref_slice %arg3[%add3A_220, %dma_start3A_423] : memref<2560x128xi32, #tpu.memory_space<hbm>> -> memref<40x128xi32, #tpu.memory_space<hbm>>
      %dma_start3A_425 = arith.constant 0 : i32
      %dma_start3A_426 = tpu.memref_slice %arg3[%add3A_220, %dma_start3A_425] : memref<2560x128xi32, #tpu.memory_space<hbm>> -> memref<40x128xi32, #tpu.memory_space<hbm>>
      tpu.enqueue_dma source(%dma_start3A_426 : memref<40x128xi32, #tpu.memory_space<hbm>>) target(%arg7 : memref<40x128xi32, #tpu.memory_space<vmem>>) target_semaphore(%run_scoped3A : memref<!tpu.dma_semaphore, #tpu.memory_space<semaphore_mem>>)
      %dma_wait3A_427 = arith.constant 0 : i32
      %dma_wait3A_428 = tpu.memref_slice %arg3[%add3A_220, %dma_wait3A_427] : memref<2560x128xi32, #tpu.memory_space<hbm>> -> memref<40x128xi32, #tpu.memory_space<hbm>>
      %dma_wait3A_429 = arith.constant 0 : i32
      %dma_wait3A_430 = tpu.memref_slice %arg3[%add3A_220, %dma_wait3A_429] : memref<2560x128xi32, #tpu.memory_space<hbm>> -> memref<40x128xi32, #tpu.memory_space<hbm>>
      tpu.wait_dma2 semaphore(%run_scoped3A : memref<!tpu.dma_semaphore, #tpu.memory_space<semaphore_mem>>) src(%dma_wait3A_430 : memref<40x128xi32, #tpu.memory_space<hbm>>) dst(%arg7 : memref<40x128xi32, #tpu.memory_space<vmem>>)
      tpu.yield
    }) : () -> ()
    %mul3A_221 = arith.constant 80 : i32
    %mul3A_222 = arith.muli %add3A, %mul3A_221 : i32
    %add3A_223 = arith.constant 40 : i32
    %add3A_224 = arith.addi %mul3A_222, %add3A_223 : i32
    "tpu.region"() ({
      %run_scoped3A = tpu.sem_alloc : memref<!tpu.dma_semaphore, #tpu.memory_space<semaphore_mem>>
      %dma_start3A_423 = arith.constant 0 : i32
      %dma_start3A_424 = tpu.memref_slice %arg4[%add3A_224, %dma_start3A_423] : memref<2560x128xi32, #tpu.memory_space<hbm>> -> memref<40x128xi32, #tpu.memory_space<hbm>>
      %dma_start3A_425 = arith.constant 0 : i32
      %dma_start3A_426 = tpu.memref_slice %arg4[%add3A_224, %dma_start3A_425] : memref<2560x128xi32, #tpu.memory_space<hbm>> -> memref<40x128xi32, #tpu.memory_space<hbm>>
      tpu.enqueue_dma source(%dma_start3A_426 : memref<40x128xi32, #tpu.memory_space<hbm>>) target(%arg8 : memref<40x128xi32, #tpu.memory_space<vmem>>) target_semaphore(%run_scoped3A : memref<!tpu.dma_semaphore, #tpu.memory_space<semaphore_mem>>)
      %dma_wait3A_427 = arith.constant 0 : i32
      %dma_wait3A_428 = tpu.memref_slice %arg4[%add3A_224, %dma_wait3A_427] : memref<2560x128xi32, #tpu.memory_space<hbm>> -> memref<40x128xi32, #tpu.memory_space<hbm>>
      %dma_wait3A_429 = arith.constant 0 : i32
      %dma_wait3A_430 = tpu.memref_slice %arg4[%add3A_224, %dma_wait3A_429] : memref<2560x128xi32, #tpu.memory_space<hbm>> -> memref<40x128xi32, #tpu.memory_space<hbm>>
      tpu.wait_dma2 semaphore(%run_scoped3A : memref<!tpu.dma_semaphore, #tpu.memory_space<semaphore_mem>>) src(%dma_wait3A_430 : memref<40x128xi32, #tpu.memory_space<hbm>>) dst(%arg8 : memref<40x128xi32, #tpu.memory_space<vmem>>)
      tpu.yield
    }) : () -> ()
    %dma_start3A_225 = arith.constant 0 : i32
    %dma_start3A_226 = arith.constant 0 : i32
    %dma_start3A_227 = arith.constant 0 : i32
    %dma_start3A_228 = arith.constant 0 : i32
    %dma_start3A_229 = tpu.memref_slice %arg9[%dma_start3A_226, %dma_start3A_227, %dma_start3A_228] : memref<4x128x64xf32, #tpu.memory_space<vmem>> -> memref<1x128x64xf32, #tpu.memory_space<vmem>>
    %dma_start3A_230 = tpu.memref_squeeze %dma_start3A_229 : memref<1x128x64xf32, #tpu.memory_space<vmem>> -> memref<128x64xf32, #tpu.memory_space<vmem>>
    %dma_start3A_231 = arith.constant 0 : i32
    %dma_start3A_232 = tpu.memref_slice %arg7[%dma_start3A_225, %dma_start3A_231] : memref<40x128xi32, #tpu.memory_space<vmem>> -> memref<1x128xi32, #tpu.memory_space<vmem>>
    %dma_start3A_233 = tpu.memref_squeeze %dma_start3A_232 : memref<1x128xi32, #tpu.memory_space<vmem>> -> memref<128xi32, #tpu.memory_space<vmem>>
    %dma_start3A_234 = arith.constant 0 : i32
    %dma_start3A_235 = arith.constant 0 : i32
    %dma_start3A_236 = tpu.memref_slice %arg10[%dma_start3A_234, %dma_start3A_235] : memref<10048x64xf32, #tpu.memory_space<vmem_shared>> -> memref<10048x64xf32, #tpu.memory_space<vmem_shared>>
    tpu.enqueue_indirect_dma source(%dma_start3A_236 : memref<10048x64xf32, #tpu.memory_space<vmem_shared>>) target(%dma_start3A_230 : memref<128x64xf32, #tpu.memory_space<vmem>>) offsets(%dma_start3A_233 : memref<128xi32, #tpu.memory_space<vmem>>) semaphore(%arg13 : memref<!tpu.dma_semaphore, #tpu.memory_space<semaphore_mem>>)
    %dma_start3A_237 = arith.constant 1 : i32
    %dma_start3A_238 = arith.constant 1 : i32
    %dma_start3A_239 = arith.constant 0 : i32
    %dma_start3A_240 = arith.constant 0 : i32
    %dma_start3A_241 = tpu.memref_slice %arg9[%dma_start3A_238, %dma_start3A_239, %dma_start3A_240] : memref<4x128x64xf32, #tpu.memory_space<vmem>> -> memref<1x128x64xf32, #tpu.memory_space<vmem>>
    %dma_start3A_242 = tpu.memref_squeeze %dma_start3A_241 : memref<1x128x64xf32, #tpu.memory_space<vmem>> -> memref<128x64xf32, #tpu.memory_space<vmem>>
    %dma_start3A_243 = arith.constant 0 : i32
    %dma_start3A_244 = tpu.memref_slice %arg7[%dma_start3A_237, %dma_start3A_243] : memref<40x128xi32, #tpu.memory_space<vmem>> -> memref<1x128xi32, #tpu.memory_space<vmem>>
    %dma_start3A_245 = tpu.memref_squeeze %dma_start3A_244 : memref<1x128xi32, #tpu.memory_space<vmem>> -> memref<128xi32, #tpu.memory_space<vmem>>
    %dma_start3A_246 = arith.constant 0 : i32
    %dma_start3A_247 = arith.constant 0 : i32
    %dma_start3A_248 = tpu.memref_slice %arg10[%dma_start3A_246, %dma_start3A_247] : memref<10048x64xf32, #tpu.memory_space<vmem_shared>> -> memref<10048x64xf32, #tpu.memory_space<vmem_shared>>
    tpu.enqueue_indirect_dma source(%dma_start3A_248 : memref<10048x64xf32, #tpu.memory_space<vmem_shared>>) target(%dma_start3A_242 : memref<128x64xf32, #tpu.memory_space<vmem>>) offsets(%dma_start3A_245 : memref<128xi32, #tpu.memory_space<vmem>>) semaphore(%arg14 : memref<!tpu.dma_semaphore, #tpu.memory_space<semaphore_mem>>)
    %dma_start3A_249 = arith.constant 2 : i32
    %dma_start3A_250 = arith.constant 2 : i32
    %dma_start3A_251 = arith.constant 0 : i32
    %dma_start3A_252 = arith.constant 0 : i32
    %dma_start3A_253 = tpu.memref_slice %arg9[%dma_start3A_250, %dma_start3A_251, %dma_start3A_252] : memref<4x128x64xf32, #tpu.memory_space<vmem>> -> memref<1x128x64xf32, #tpu.memory_space<vmem>>
    %dma_start3A_254 = tpu.memref_squeeze %dma_start3A_253 : memref<1x128x64xf32, #tpu.memory_space<vmem>> -> memref<128x64xf32, #tpu.memory_space<vmem>>
    %dma_start3A_255 = arith.constant 0 : i32
    %dma_start3A_256 = tpu.memref_slice %arg7[%dma_start3A_249, %dma_start3A_255] : memref<40x128xi32, #tpu.memory_space<vmem>> -> memref<1x128xi32, #tpu.memory_space<vmem>>
    %dma_start3A_257 = tpu.memref_squeeze %dma_start3A_256 : memref<1x128xi32, #tpu.memory_space<vmem>> -> memref<128xi32, #tpu.memory_space<vmem>>
    %dma_start3A_258 = arith.constant 0 : i32
    %dma_start3A_259 = arith.constant 0 : i32
    %dma_start3A_260 = tpu.memref_slice %arg10[%dma_start3A_258, %dma_start3A_259] : memref<10048x64xf32, #tpu.memory_space<vmem_shared>> -> memref<10048x64xf32, #tpu.memory_space<vmem_shared>>
    tpu.enqueue_indirect_dma source(%dma_start3A_260 : memref<10048x64xf32, #tpu.memory_space<vmem_shared>>) target(%dma_start3A_254 : memref<128x64xf32, #tpu.memory_space<vmem>>) offsets(%dma_start3A_257 : memref<128xi32, #tpu.memory_space<vmem>>) semaphore(%arg15 : memref<!tpu.dma_semaphore, #tpu.memory_space<semaphore_mem>>)
    %dma_start3A_261 = arith.constant 3 : i32
    %dma_start3A_262 = arith.constant 3 : i32
    %dma_start3A_263 = arith.constant 0 : i32
    %dma_start3A_264 = arith.constant 0 : i32
    %dma_start3A_265 = tpu.memref_slice %arg9[%dma_start3A_262, %dma_start3A_263, %dma_start3A_264] : memref<4x128x64xf32, #tpu.memory_space<vmem>> -> memref<1x128x64xf32, #tpu.memory_space<vmem>>
    %dma_start3A_266 = tpu.memref_squeeze %dma_start3A_265 : memref<1x128x64xf32, #tpu.memory_space<vmem>> -> memref<128x64xf32, #tpu.memory_space<vmem>>
    %dma_start3A_267 = arith.constant 0 : i32
    %dma_start3A_268 = tpu.memref_slice %arg7[%dma_start3A_261, %dma_start3A_267] : memref<40x128xi32, #tpu.memory_space<vmem>> -> memref<1x128xi32, #tpu.memory_space<vmem>>
    %dma_start3A_269 = tpu.memref_squeeze %dma_start3A_268 : memref<1x128xi32, #tpu.memory_space<vmem>> -> memref<128xi32, #tpu.memory_space<vmem>>
    %dma_start3A_270 = arith.constant 0 : i32
    %dma_start3A_271 = arith.constant 0 : i32
    %dma_start3A_272 = tpu.memref_slice %arg10[%dma_start3A_270, %dma_start3A_271] : memref<10048x64xf32, #tpu.memory_space<vmem_shared>> -> memref<10048x64xf32, #tpu.memory_space<vmem_shared>>
    tpu.enqueue_indirect_dma source(%dma_start3A_272 : memref<10048x64xf32, #tpu.memory_space<vmem_shared>>) target(%dma_start3A_266 : memref<128x64xf32, #tpu.memory_space<vmem>>) offsets(%dma_start3A_269 : memref<128xi32, #tpu.memory_space<vmem>>) semaphore(%arg16 : memref<!tpu.dma_semaphore, #tpu.memory_space<semaphore_mem>>)
    %scan3A_273 = arith.constant 0 : i32
    %scan3A_274 = arith.constant 9 : i32
    %scan3A_275 = arith.addi %scan3A_273, %scan3A_274 : i32
    %scan3A_276 = arith.constant 1 : i32
    scf.for %scan3A_423 = %scan3A_273 to %scan3A_275 step %scan3A_276  : i32 {
      %mul3A_424 = arith.constant 4 : i32
      %mul3A_425 = arith.muli %scan3A_423, %mul3A_424 : i32
      %add3A_426 = arith.constant 0 : i32
      %add3A_427 = arith.addi %mul3A_425, %add3A_426 : i32
      %dma_wait3A_428 = arith.constant 0 : i32
      %dma_wait3A_429 = arith.constant 0 : i32
      %dma_wait3A_430 = arith.constant 0 : i32
      %dma_wait3A_431 = tpu.memref_slice %arg9[%dma_wait3A_428, %dma_wait3A_429, %dma_wait3A_430] : memref<4x128x64xf32, #tpu.memory_space<vmem>> -> memref<1x128x64xf32, #tpu.memory_space<vmem>>
      %dma_wait3A_432 = tpu.memref_squeeze %dma_wait3A_431 : memref<1x128x64xf32, #tpu.memory_space<vmem>> -> memref<128x64xf32, #tpu.memory_space<vmem>>
      %dma_wait3A_433 = arith.constant 0 : i32
      %dma_wait3A_434 = tpu.memref_slice %arg7[%add3A_427, %dma_wait3A_433] : memref<40x128xi32, #tpu.memory_space<vmem>> -> memref<1x128xi32, #tpu.memory_space<vmem>>
      %dma_wait3A_435 = tpu.memref_squeeze %dma_wait3A_434 : memref<1x128xi32, #tpu.memory_space<vmem>> -> memref<128xi32, #tpu.memory_space<vmem>>
      %dma_wait3A_436 = arith.constant 0 : i32
      %dma_wait3A_437 = arith.constant 0 : i32
      %dma_wait3A_438 = tpu.memref_slice %arg10[%dma_wait3A_436, %dma_wait3A_437] : memref<10048x64xf32, #tpu.memory_space<vmem_shared>> -> memref<10048x64xf32, #tpu.memory_space<vmem_shared>>
      tpu.wait_indirect_dma semaphore(%arg13 : memref<!tpu.dma_semaphore, #tpu.memory_space<semaphore_mem>>) src(%dma_wait3A_438 : memref<10048x64xf32, #tpu.memory_space<vmem_shared>>) dst(%dma_wait3A_432 : memref<128x64xf32, #tpu.memory_space<vmem>>)
      %add3A_439 = arith.constant 0 : i32
      %add3A_440 = arith.addi %mul3A_425, %add3A_439 : i32
      %dma_start3A_441 = arith.constant 0 : i32
      %dma_start3A_442 = arith.constant 0 : i32
      %dma_start3A_443 = arith.constant 0 : i32
      %dma_start3A_444 = tpu.memref_slice %arg9[%dma_start3A_441, %dma_start3A_442, %dma_start3A_443] : memref<4x128x64xf32, #tpu.memory_space<vmem>> -> memref<1x128x64xf32, #tpu.memory_space<vmem>>
      %dma_start3A_445 = tpu.memref_squeeze %dma_start3A_444 : memref<1x128x64xf32, #tpu.memory_space<vmem>> -> memref<128x64xf32, #tpu.memory_space<vmem>>
      %dma_start3A_446 = arith.constant 0 : i32
      %dma_start3A_447 = tpu.memref_slice %arg8[%add3A_440, %dma_start3A_446] : memref<40x128xi32, #tpu.memory_space<vmem>> -> memref<1x128xi32, #tpu.memory_space<vmem>>
      %dma_start3A_448 = tpu.memref_squeeze %dma_start3A_447 : memref<1x128xi32, #tpu.memory_space<vmem>> -> memref<128xi32, #tpu.memory_space<vmem>>
      %dma_start3A_449 = arith.constant 0 : i32
      %dma_start3A_450 = arith.constant 0 : i32
      %dma_start3A_451 = tpu.memref_slice %arg11[%dma_start3A_449, %dma_start3A_450] : memref<10048x64xf32, #tpu.memory_space<vmem_shared>> -> memref<10048x64xf32, #tpu.memory_space<vmem_shared>>
      tpu.enqueue_indirect_dma source(%dma_start3A_445 : memref<128x64xf32, #tpu.memory_space<vmem>>) target(%dma_start3A_451 : memref<10048x64xf32, #tpu.memory_space<vmem_shared>>) offsets(%dma_start3A_448 : memref<128xi32, #tpu.memory_space<vmem>>) semaphore(%arg17 : memref<!tpu.dma_semaphore, #tpu.memory_space<semaphore_mem>>) {add = true}
      %add3A_452 = arith.constant 1 : i32
      %add3A_453 = arith.addi %mul3A_425, %add3A_452 : i32
      %dma_wait3A_454 = arith.constant 1 : i32
      %dma_wait3A_455 = arith.constant 0 : i32
      %dma_wait3A_456 = arith.constant 0 : i32
      %dma_wait3A_457 = tpu.memref_slice %arg9[%dma_wait3A_454, %dma_wait3A_455, %dma_wait3A_456] : memref<4x128x64xf32, #tpu.memory_space<vmem>> -> memref<1x128x64xf32, #tpu.memory_space<vmem>>
      %dma_wait3A_458 = tpu.memref_squeeze %dma_wait3A_457 : memref<1x128x64xf32, #tpu.memory_space<vmem>> -> memref<128x64xf32, #tpu.memory_space<vmem>>
      %dma_wait3A_459 = arith.constant 0 : i32
      %dma_wait3A_460 = tpu.memref_slice %arg7[%add3A_453, %dma_wait3A_459] : memref<40x128xi32, #tpu.memory_space<vmem>> -> memref<1x128xi32, #tpu.memory_space<vmem>>
      %dma_wait3A_461 = tpu.memref_squeeze %dma_wait3A_460 : memref<1x128xi32, #tpu.memory_space<vmem>> -> memref<128xi32, #tpu.memory_space<vmem>>
      %dma_wait3A_462 = arith.constant 0 : i32
      %dma_wait3A_463 = arith.constant 0 : i32
      %dma_wait3A_464 = tpu.memref_slice %arg10[%dma_wait3A_462, %dma_wait3A_463] : memref<10048x64xf32, #tpu.memory_space<vmem_shared>> -> memref<10048x64xf32, #tpu.memory_space<vmem_shared>>
      tpu.wait_indirect_dma semaphore(%arg14 : memref<!tpu.dma_semaphore, #tpu.memory_space<semaphore_mem>>) src(%dma_wait3A_464 : memref<10048x64xf32, #tpu.memory_space<vmem_shared>>) dst(%dma_wait3A_458 : memref<128x64xf32, #tpu.memory_space<vmem>>)
      %add3A_465 = arith.constant 1 : i32
      %add3A_466 = arith.addi %mul3A_425, %add3A_465 : i32
      %dma_start3A_467 = arith.constant 1 : i32
      %dma_start3A_468 = arith.constant 0 : i32
      %dma_start3A_469 = arith.constant 0 : i32
      %dma_start3A_470 = tpu.memref_slice %arg9[%dma_start3A_467, %dma_start3A_468, %dma_start3A_469] : memref<4x128x64xf32, #tpu.memory_space<vmem>> -> memref<1x128x64xf32, #tpu.memory_space<vmem>>
      %dma_start3A_471 = tpu.memref_squeeze %dma_start3A_470 : memref<1x128x64xf32, #tpu.memory_space<vmem>> -> memref<128x64xf32, #tpu.memory_space<vmem>>
      %dma_start3A_472 = arith.constant 0 : i32
      %dma_start3A_473 = tpu.memref_slice %arg8[%add3A_466, %dma_start3A_472] : memref<40x128xi32, #tpu.memory_space<vmem>> -> memref<1x128xi32, #tpu.memory_space<vmem>>
      %dma_start3A_474 = tpu.memref_squeeze %dma_start3A_473 : memref<1x128xi32, #tpu.memory_space<vmem>> -> memref<128xi32, #tpu.memory_space<vmem>>
      %dma_start3A_475 = arith.constant 0 : i32
      %dma_start3A_476 = arith.constant 0 : i32
      %dma_start3A_477 = tpu.memref_slice %arg11[%dma_start3A_475, %dma_start3A_476] : memref<10048x64xf32, #tpu.memory_space<vmem_shared>> -> memref<10048x64xf32, #tpu.memory_space<vmem_shared>>
      tpu.enqueue_indirect_dma source(%dma_start3A_471 : memref<128x64xf32, #tpu.memory_space<vmem>>) target(%dma_start3A_477 : memref<10048x64xf32, #tpu.memory_space<vmem_shared>>) offsets(%dma_start3A_474 : memref<128xi32, #tpu.memory_space<vmem>>) semaphore(%arg18 : memref<!tpu.dma_semaphore, #tpu.memory_space<semaphore_mem>>) {add = true}
      %add3A_478 = arith.constant 2 : i32
      %add3A_479 = arith.addi %mul3A_425, %add3A_478 : i32
      %dma_wait3A_480 = arith.constant 2 : i32
      %dma_wait3A_481 = arith.constant 0 : i32
      %dma_wait3A_482 = arith.constant 0 : i32
      %dma_wait3A_483 = tpu.memref_slice %arg9[%dma_wait3A_480, %dma_wait3A_481, %dma_wait3A_482] : memref<4x128x64xf32, #tpu.memory_space<vmem>> -> memref<1x128x64xf32, #tpu.memory_space<vmem>>
      %dma_wait3A_484 = tpu.memref_squeeze %dma_wait3A_483 : memref<1x128x64xf32, #tpu.memory_space<vmem>> -> memref<128x64xf32, #tpu.memory_space<vmem>>
      %dma_wait3A_485 = arith.constant 0 : i32
      %dma_wait3A_486 = tpu.memref_slice %arg7[%add3A_479, %dma_wait3A_485] : memref<40x128xi32, #tpu.memory_space<vmem>> -> memref<1x128xi32, #tpu.memory_space<vmem>>
      %dma_wait3A_487 = tpu.memref_squeeze %dma_wait3A_486 : memref<1x128xi32, #tpu.memory_space<vmem>> -> memref<128xi32, #tpu.memory_space<vmem>>
      %dma_wait3A_488 = arith.constant 0 : i32
      %dma_wait3A_489 = arith.constant 0 : i32
      %dma_wait3A_490 = tpu.memref_slice %arg10[%dma_wait3A_488, %dma_wait3A_489] : memref<10048x64xf32, #tpu.memory_space<vmem_shared>> -> memref<10048x64xf32, #tpu.memory_space<vmem_shared>>
      tpu.wait_indirect_dma semaphore(%arg15 : memref<!tpu.dma_semaphore, #tpu.memory_space<semaphore_mem>>) src(%dma_wait3A_490 : memref<10048x64xf32, #tpu.memory_space<vmem_shared>>) dst(%dma_wait3A_484 : memref<128x64xf32, #tpu.memory_space<vmem>>)
      %add3A_491 = arith.constant 2 : i32
      %add3A_492 = arith.addi %mul3A_425, %add3A_491 : i32
      %dma_start3A_493 = arith.constant 2 : i32
      %dma_start3A_494 = arith.constant 0 : i32
      %dma_start3A_495 = arith.constant 0 : i32
      %dma_start3A_496 = tpu.memref_slice %arg9[%dma_start3A_493, %dma_start3A_494, %dma_start3A_495] : memref<4x128x64xf32, #tpu.memory_space<vmem>> -> memref<1x128x64xf32, #tpu.memory_space<vmem>>
      %dma_start3A_497 = tpu.memref_squeeze %dma_start3A_496 : memref<1x128x64xf32, #tpu.memory_space<vmem>> -> memref<128x64xf32, #tpu.memory_space<vmem>>
      %dma_start3A_498 = arith.constant 0 : i32
      %dma_start3A_499 = tpu.memref_slice %arg8[%add3A_492, %dma_start3A_498] : memref<40x128xi32, #tpu.memory_space<vmem>> -> memref<1x128xi32, #tpu.memory_space<vmem>>
      %dma_start3A_500 = tpu.memref_squeeze %dma_start3A_499 : memref<1x128xi32, #tpu.memory_space<vmem>> -> memref<128xi32, #tpu.memory_space<vmem>>
      %dma_start3A_501 = arith.constant 0 : i32
      %dma_start3A_502 = arith.constant 0 : i32
      %dma_start3A_503 = tpu.memref_slice %arg11[%dma_start3A_501, %dma_start3A_502] : memref<10048x64xf32, #tpu.memory_space<vmem_shared>> -> memref<10048x64xf32, #tpu.memory_space<vmem_shared>>
      tpu.enqueue_indirect_dma source(%dma_start3A_497 : memref<128x64xf32, #tpu.memory_space<vmem>>) target(%dma_start3A_503 : memref<10048x64xf32, #tpu.memory_space<vmem_shared>>) offsets(%dma_start3A_500 : memref<128xi32, #tpu.memory_space<vmem>>) semaphore(%arg19 : memref<!tpu.dma_semaphore, #tpu.memory_space<semaphore_mem>>) {add = true}
      %add3A_504 = arith.constant 3 : i32
      %add3A_505 = arith.addi %mul3A_425, %add3A_504 : i32
      %dma_wait3A_506 = arith.constant 3 : i32
      %dma_wait3A_507 = arith.constant 0 : i32
      %dma_wait3A_508 = arith.constant 0 : i32
      %dma_wait3A_509 = tpu.memref_slice %arg9[%dma_wait3A_506, %dma_wait3A_507, %dma_wait3A_508] : memref<4x128x64xf32, #tpu.memory_space<vmem>> -> memref<1x128x64xf32, #tpu.memory_space<vmem>>
      %dma_wait3A_510 = tpu.memref_squeeze %dma_wait3A_509 : memref<1x128x64xf32, #tpu.memory_space<vmem>> -> memref<128x64xf32, #tpu.memory_space<vmem>>
      %dma_wait3A_511 = arith.constant 0 : i32
      %dma_wait3A_512 = tpu.memref_slice %arg7[%add3A_505, %dma_wait3A_511] : memref<40x128xi32, #tpu.memory_space<vmem>> -> memref<1x128xi32, #tpu.memory_space<vmem>>
      %dma_wait3A_513 = tpu.memref_squeeze %dma_wait3A_512 : memref<1x128xi32, #tpu.memory_space<vmem>> -> memref<128xi32, #tpu.memory_space<vmem>>
      %dma_wait3A_514 = arith.constant 0 : i32
      %dma_wait3A_515 = arith.constant 0 : i32
      %dma_wait3A_516 = tpu.memref_slice %arg10[%dma_wait3A_514, %dma_wait3A_515] : memref<10048x64xf32, #tpu.memory_space<vmem_shared>> -> memref<10048x64xf32, #tpu.memory_space<vmem_shared>>
      tpu.wait_indirect_dma semaphore(%arg16 : memref<!tpu.dma_semaphore, #tpu.memory_space<semaphore_mem>>) src(%dma_wait3A_516 : memref<10048x64xf32, #tpu.memory_space<vmem_shared>>) dst(%dma_wait3A_510 : memref<128x64xf32, #tpu.memory_space<vmem>>)
      %add3A_517 = arith.constant 3 : i32
      %add3A_518 = arith.addi %mul3A_425, %add3A_517 : i32
      %dma_start3A_519 = arith.constant 3 : i32
      %dma_start3A_520 = arith.constant 0 : i32
      %dma_start3A_521 = arith.constant 0 : i32
      %dma_start3A_522 = tpu.memref_slice %arg9[%dma_start3A_519, %dma_start3A_520, %dma_start3A_521] : memref<4x128x64xf32, #tpu.memory_space<vmem>> -> memref<1x128x64xf32, #tpu.memory_space<vmem>>
      %dma_start3A_523 = tpu.memref_squeeze %dma_start3A_522 : memref<1x128x64xf32, #tpu.memory_space<vmem>> -> memref<128x64xf32, #tpu.memory_space<vmem>>
      %dma_start3A_524 = arith.constant 0 : i32
      %dma_start3A_525 = tpu.memref_slice %arg8[%add3A_518, %dma_start3A_524] : memref<40x128xi32, #tpu.memory_space<vmem>> -> memref<1x128xi32, #tpu.memory_space<vmem>>
      %dma_start3A_526 = tpu.memref_squeeze %dma_start3A_525 : memref<1x128xi32, #tpu.memory_space<vmem>> -> memref<128xi32, #tpu.memory_space<vmem>>
      %dma_start3A_527 = arith.constant 0 : i32
      %dma_start3A_528 = arith.constant 0 : i32
      %dma_start3A_529 = tpu.memref_slice %arg11[%dma_start3A_527, %dma_start3A_528] : memref<10048x64xf32, #tpu.memory_space<vmem_shared>> -> memref<10048x64xf32, #tpu.memory_space<vmem_shared>>
      tpu.enqueue_indirect_dma source(%dma_start3A_523 : memref<128x64xf32, #tpu.memory_space<vmem>>) target(%dma_start3A_529 : memref<10048x64xf32, #tpu.memory_space<vmem_shared>>) offsets(%dma_start3A_526 : memref<128xi32, #tpu.memory_space<vmem>>) semaphore(%arg20 : memref<!tpu.dma_semaphore, #tpu.memory_space<semaphore_mem>>) {add = true}
      %add3A_530 = arith.constant 0 : i32
      %add3A_531 = arith.addi %mul3A_425, %add3A_530 : i32
      %dma_wait3A_532 = arith.constant 0 : i32
      %dma_wait3A_533 = arith.constant 0 : i32
      %dma_wait3A_534 = arith.constant 0 : i32
      %dma_wait3A_535 = tpu.memref_slice %arg9[%dma_wait3A_532, %dma_wait3A_533, %dma_wait3A_534] : memref<4x128x64xf32, #tpu.memory_space<vmem>> -> memref<1x128x64xf32, #tpu.memory_space<vmem>>
      %dma_wait3A_536 = tpu.memref_squeeze %dma_wait3A_535 : memref<1x128x64xf32, #tpu.memory_space<vmem>> -> memref<128x64xf32, #tpu.memory_space<vmem>>
      %dma_wait3A_537 = arith.constant 0 : i32
      %dma_wait3A_538 = tpu.memref_slice %arg8[%add3A_531, %dma_wait3A_537] : memref<40x128xi32, #tpu.memory_space<vmem>> -> memref<1x128xi32, #tpu.memory_space<vmem>>
      %dma_wait3A_539 = tpu.memref_squeeze %dma_wait3A_538 : memref<1x128xi32, #tpu.memory_space<vmem>> -> memref<128xi32, #tpu.memory_space<vmem>>
      %dma_wait3A_540 = arith.constant 0 : i32
      %dma_wait3A_541 = arith.constant 0 : i32
      %dma_wait3A_542 = tpu.memref_slice %arg11[%dma_wait3A_540, %dma_wait3A_541] : memref<10048x64xf32, #tpu.memory_space<vmem_shared>> -> memref<10048x64xf32, #tpu.memory_space<vmem_shared>>
      tpu.wait_indirect_dma semaphore(%arg17 : memref<!tpu.dma_semaphore, #tpu.memory_space<semaphore_mem>>) src(%dma_wait3A_536 : memref<128x64xf32, #tpu.memory_space<vmem>>) dst(%dma_wait3A_542 : memref<10048x64xf32, #tpu.memory_space<vmem_shared>>)
      %add3A_543 = arith.constant 4 : i32
      %add3A_544 = arith.addi %mul3A_425, %add3A_543 : i32
      %add3A_545 = arith.constant 0 : i32
      %add3A_546 = arith.addi %add3A_544, %add3A_545 : i32
      %dma_start3A_547 = arith.constant 0 : i32
      %dma_start3A_548 = arith.constant 0 : i32
      %dma_start3A_549 = arith.constant 0 : i32
      %dma_start3A_550 = tpu.memref_slice %arg9[%dma_start3A_547, %dma_start3A_548, %dma_start3A_549] : memref<4x128x64xf32, #tpu.memory_space<vmem>> -> memref<1x128x64xf32, #tpu.memory_space<vmem>>
      %dma_start3A_551 = tpu.memref_squeeze %dma_start3A_550 : memref<1x128x64xf32, #tpu.memory_space<vmem>> -> memref<128x64xf32, #tpu.memory_space<vmem>>
      %dma_start3A_552 = arith.constant 0 : i32
      %dma_start3A_553 = tpu.memref_slice %arg7[%add3A_546, %dma_start3A_552] : memref<40x128xi32, #tpu.memory_space<vmem>> -> memref<1x128xi32, #tpu.memory_space<vmem>>
      %dma_start3A_554 = tpu.memref_squeeze %dma_start3A_553 : memref<1x128xi32, #tpu.memory_space<vmem>> -> memref<128xi32, #tpu.memory_space<vmem>>
      %dma_start3A_555 = arith.constant 0 : i32
      %dma_start3A_556 = arith.constant 0 : i32
      %dma_start3A_557 = tpu.memref_slice %arg10[%dma_start3A_555, %dma_start3A_556] : memref<10048x64xf32, #tpu.memory_space<vmem_shared>> -> memref<10048x64xf32, #tpu.memory_space<vmem_shared>>
      tpu.enqueue_indirect_dma source(%dma_start3A_557 : memref<10048x64xf32, #tpu.memory_space<vmem_shared>>) target(%dma_start3A_551 : memref<128x64xf32, #tpu.memory_space<vmem>>) offsets(%dma_start3A_554 : memref<128xi32, #tpu.memory_space<vmem>>) semaphore(%arg13 : memref<!tpu.dma_semaphore, #tpu.memory_space<semaphore_mem>>)
      %add3A_558 = arith.constant 1 : i32
      %add3A_559 = arith.addi %mul3A_425, %add3A_558 : i32
      %dma_wait3A_560 = arith.constant 1 : i32
      %dma_wait3A_561 = arith.constant 0 : i32
      %dma_wait3A_562 = arith.constant 0 : i32
      %dma_wait3A_563 = tpu.memref_slice %arg9[%dma_wait3A_560, %dma_wait3A_561, %dma_wait3A_562] : memref<4x128x64xf32, #tpu.memory_space<vmem>> -> memref<1x128x64xf32, #tpu.memory_space<vmem>>
      %dma_wait3A_564 = tpu.memref_squeeze %dma_wait3A_563 : memref<1x128x64xf32, #tpu.memory_space<vmem>> -> memref<128x64xf32, #tpu.memory_space<vmem>>
      %dma_wait3A_565 = arith.constant 0 : i32
      %dma_wait3A_566 = tpu.memref_slice %arg8[%add3A_559, %dma_wait3A_565] : memref<40x128xi32, #tpu.memory_space<vmem>> -> memref<1x128xi32, #tpu.memory_space<vmem>>
      %dma_wait3A_567 = tpu.memref_squeeze %dma_wait3A_566 : memref<1x128xi32, #tpu.memory_space<vmem>> -> memref<128xi32, #tpu.memory_space<vmem>>
      %dma_wait3A_568 = arith.constant 0 : i32
      %dma_wait3A_569 = arith.constant 0 : i32
      %dma_wait3A_570 = tpu.memref_slice %arg11[%dma_wait3A_568, %dma_wait3A_569] : memref<10048x64xf32, #tpu.memory_space<vmem_shared>> -> memref<10048x64xf32, #tpu.memory_space<vmem_shared>>
      tpu.wait_indirect_dma semaphore(%arg18 : memref<!tpu.dma_semaphore, #tpu.memory_space<semaphore_mem>>) src(%dma_wait3A_564 : memref<128x64xf32, #tpu.memory_space<vmem>>) dst(%dma_wait3A_570 : memref<10048x64xf32, #tpu.memory_space<vmem_shared>>)
      %add3A_571 = arith.constant 4 : i32
      %add3A_572 = arith.addi %mul3A_425, %add3A_571 : i32
      %add3A_573 = arith.constant 1 : i32
      %add3A_574 = arith.addi %add3A_572, %add3A_573 : i32
      %dma_start3A_575 = arith.constant 1 : i32
      %dma_start3A_576 = arith.constant 0 : i32
      %dma_start3A_577 = arith.constant 0 : i32
      %dma_start3A_578 = tpu.memref_slice %arg9[%dma_start3A_575, %dma_start3A_576, %dma_start3A_577] : memref<4x128x64xf32, #tpu.memory_space<vmem>> -> memref<1x128x64xf32, #tpu.memory_space<vmem>>
      %dma_start3A_579 = tpu.memref_squeeze %dma_start3A_578 : memref<1x128x64xf32, #tpu.memory_space<vmem>> -> memref<128x64xf32, #tpu.memory_space<vmem>>
      %dma_start3A_580 = arith.constant 0 : i32
      %dma_start3A_581 = tpu.memref_slice %arg7[%add3A_574, %dma_start3A_580] : memref<40x128xi32, #tpu.memory_space<vmem>> -> memref<1x128xi32, #tpu.memory_space<vmem>>
      %dma_start3A_582 = tpu.memref_squeeze %dma_start3A_581 : memref<1x128xi32, #tpu.memory_space<vmem>> -> memref<128xi32, #tpu.memory_space<vmem>>
      %dma_start3A_583 = arith.constant 0 : i32
      %dma_start3A_584 = arith.constant 0 : i32
      %dma_start3A_585 = tpu.memref_slice %arg10[%dma_start3A_583, %dma_start3A_584] : memref<10048x64xf32, #tpu.memory_space<vmem_shared>> -> memref<10048x64xf32, #tpu.memory_space<vmem_shared>>
      tpu.enqueue_indirect_dma source(%dma_start3A_585 : memref<10048x64xf32, #tpu.memory_space<vmem_shared>>) target(%dma_start3A_579 : memref<128x64xf32, #tpu.memory_space<vmem>>) offsets(%dma_start3A_582 : memref<128xi32, #tpu.memory_space<vmem>>) semaphore(%arg14 : memref<!tpu.dma_semaphore, #tpu.memory_space<semaphore_mem>>)
      %add3A_586 = arith.constant 2 : i32
      %add3A_587 = arith.addi %mul3A_425, %add3A_586 : i32
      %dma_wait3A_588 = arith.constant 2 : i32
      %dma_wait3A_589 = arith.constant 0 : i32
      %dma_wait3A_590 = arith.constant 0 : i32
      %dma_wait3A_591 = tpu.memref_slice %arg9[%dma_wait3A_588, %dma_wait3A_589, %dma_wait3A_590] : memref<4x128x64xf32, #tpu.memory_space<vmem>> -> memref<1x128x64xf32, #tpu.memory_space<vmem>>
      %dma_wait3A_592 = tpu.memref_squeeze %dma_wait3A_591 : memref<1x128x64xf32, #tpu.memory_space<vmem>> -> memref<128x64xf32, #tpu.memory_space<vmem>>
      %dma_wait3A_593 = arith.constant 0 : i32
      %dma_wait3A_594 = tpu.memref_slice %arg8[%add3A_587, %dma_wait3A_593] : memref<40x128xi32, #tpu.memory_space<vmem>> -> memref<1x128xi32, #tpu.memory_space<vmem>>
      %dma_wait3A_595 = tpu.memref_squeeze %dma_wait3A_594 : memref<1x128xi32, #tpu.memory_space<vmem>> -> memref<128xi32, #tpu.memory_space<vmem>>
      %dma_wait3A_596 = arith.constant 0 : i32
      %dma_wait3A_597 = arith.constant 0 : i32
      %dma_wait3A_598 = tpu.memref_slice %arg11[%dma_wait3A_596, %dma_wait3A_597] : memref<10048x64xf32, #tpu.memory_space<vmem_shared>> -> memref<10048x64xf32, #tpu.memory_space<vmem_shared>>
      tpu.wait_indirect_dma semaphore(%arg19 : memref<!tpu.dma_semaphore, #tpu.memory_space<semaphore_mem>>) src(%dma_wait3A_592 : memref<128x64xf32, #tpu.memory_space<vmem>>) dst(%dma_wait3A_598 : memref<10048x64xf32, #tpu.memory_space<vmem_shared>>)
      %add3A_599 = arith.constant 4 : i32
      %add3A_600 = arith.addi %mul3A_425, %add3A_599 : i32
      %add3A_601 = arith.constant 2 : i32
      %add3A_602 = arith.addi %add3A_600, %add3A_601 : i32
      %dma_start3A_603 = arith.constant 2 : i32
      %dma_start3A_604 = arith.constant 0 : i32
      %dma_start3A_605 = arith.constant 0 : i32
      %dma_start3A_606 = tpu.memref_slice %arg9[%dma_start3A_603, %dma_start3A_604, %dma_start3A_605] : memref<4x128x64xf32, #tpu.memory_space<vmem>> -> memref<1x128x64xf32, #tpu.memory_space<vmem>>
      %dma_start3A_607 = tpu.memref_squeeze %dma_start3A_606 : memref<1x128x64xf32, #tpu.memory_space<vmem>> -> memref<128x64xf32, #tpu.memory_space<vmem>>
      %dma_start3A_608 = arith.constant 0 : i32
      %dma_start3A_609 = tpu.memref_slice %arg7[%add3A_602, %dma_start3A_608] : memref<40x128xi32, #tpu.memory_space<vmem>> -> memref<1x128xi32, #tpu.memory_space<vmem>>
      %dma_start3A_610 = tpu.memref_squeeze %dma_start3A_609 : memref<1x128xi32, #tpu.memory_space<vmem>> -> memref<128xi32, #tpu.memory_space<vmem>>
      %dma_start3A_611 = arith.constant 0 : i32
      %dma_start3A_612 = arith.constant 0 : i32
      %dma_start3A_613 = tpu.memref_slice %arg10[%dma_start3A_611, %dma_start3A_612] : memref<10048x64xf32, #tpu.memory_space<vmem_shared>> -> memref<10048x64xf32, #tpu.memory_space<vmem_shared>>
      tpu.enqueue_indirect_dma source(%dma_start3A_613 : memref<10048x64xf32, #tpu.memory_space<vmem_shared>>) target(%dma_start3A_607 : memref<128x64xf32, #tpu.memory_space<vmem>>) offsets(%dma_start3A_610 : memref<128xi32, #tpu.memory_space<vmem>>) semaphore(%arg15 : memref<!tpu.dma_semaphore, #tpu.memory_space<semaphore_mem>>)
      %add3A_614 = arith.constant 3 : i32
      %add3A_615 = arith.addi %mul3A_425, %add3A_614 : i32
      %dma_wait3A_616 = arith.constant 3 : i32
      %dma_wait3A_617 = arith.constant 0 : i32
      %dma_wait3A_618 = arith.constant 0 : i32
      %dma_wait3A_619 = tpu.memref_slice %arg9[%dma_wait3A_616, %dma_wait3A_617, %dma_wait3A_618] : memref<4x128x64xf32, #tpu.memory_space<vmem>> -> memref<1x128x64xf32, #tpu.memory_space<vmem>>
      %dma_wait3A_620 = tpu.memref_squeeze %dma_wait3A_619 : memref<1x128x64xf32, #tpu.memory_space<vmem>> -> memref<128x64xf32, #tpu.memory_space<vmem>>
      %dma_wait3A_621 = arith.constant 0 : i32
      %dma_wait3A_622 = tpu.memref_slice %arg8[%add3A_615, %dma_wait3A_621] : memref<40x128xi32, #tpu.memory_space<vmem>> -> memref<1x128xi32, #tpu.memory_space<vmem>>
      %dma_wait3A_623 = tpu.memref_squeeze %dma_wait3A_622 : memref<1x128xi32, #tpu.memory_space<vmem>> -> memref<128xi32, #tpu.memory_space<vmem>>
      %dma_wait3A_624 = arith.constant 0 : i32
      %dma_wait3A_625 = arith.constant 0 : i32
      %dma_wait3A_626 = tpu.memref_slice %arg11[%dma_wait3A_624, %dma_wait3A_625] : memref<10048x64xf32, #tpu.memory_space<vmem_shared>> -> memref<10048x64xf32, #tpu.memory_space<vmem_shared>>
      tpu.wait_indirect_dma semaphore(%arg20 : memref<!tpu.dma_semaphore, #tpu.memory_space<semaphore_mem>>) src(%dma_wait3A_620 : memref<128x64xf32, #tpu.memory_space<vmem>>) dst(%dma_wait3A_626 : memref<10048x64xf32, #tpu.memory_space<vmem_shared>>)
      %add3A_627 = arith.constant 4 : i32
      %add3A_628 = arith.addi %mul3A_425, %add3A_627 : i32
      %add3A_629 = arith.constant 3 : i32
      %add3A_630 = arith.addi %add3A_628, %add3A_629 : i32
      %dma_start3A_631 = arith.constant 3 : i32
      %dma_start3A_632 = arith.constant 0 : i32
      %dma_start3A_633 = arith.constant 0 : i32
      %dma_start3A_634 = tpu.memref_slice %arg9[%dma_start3A_631, %dma_start3A_632, %dma_start3A_633] : memref<4x128x64xf32, #tpu.memory_space<vmem>> -> memref<1x128x64xf32, #tpu.memory_space<vmem>>
      %dma_start3A_635 = tpu.memref_squeeze %dma_start3A_634 : memref<1x128x64xf32, #tpu.memory_space<vmem>> -> memref<128x64xf32, #tpu.memory_space<vmem>>
      %dma_start3A_636 = arith.constant 0 : i32
      %dma_start3A_637 = tpu.memref_slice %arg7[%add3A_630, %dma_start3A_636] : memref<40x128xi32, #tpu.memory_space<vmem>> -> memref<1x128xi32, #tpu.memory_space<vmem>>
      %dma_start3A_638 = tpu.memref_squeeze %dma_start3A_637 : memref<1x128xi32, #tpu.memory_space<vmem>> -> memref<128xi32, #tpu.memory_space<vmem>>
      %dma_start3A_639 = arith.constant 0 : i32
      %dma_start3A_640 = arith.constant 0 : i32
      %dma_start3A_641 = tpu.memref_slice %arg10[%dma_start3A_639, %dma_start3A_640] : memref<10048x64xf32, #tpu.memory_space<vmem_shared>> -> memref<10048x64xf32, #tpu.memory_space<vmem_shared>>
      tpu.enqueue_indirect_dma source(%dma_start3A_641 : memref<10048x64xf32, #tpu.memory_space<vmem_shared>>) target(%dma_start3A_635 : memref<128x64xf32, #tpu.memory_space<vmem>>) offsets(%dma_start3A_638 : memref<128xi32, #tpu.memory_space<vmem>>) semaphore(%arg16 : memref<!tpu.dma_semaphore, #tpu.memory_space<semaphore_mem>>)
    }
    %scan3A_277 = arith.constant 9 : i32
    %dma_wait3A_278 = arith.constant 36 : i32
    %dma_wait3A_279 = arith.constant 0 : i32
    %dma_wait3A_280 = arith.constant 0 : i32
    %dma_wait3A_281 = arith.constant 0 : i32
    %dma_wait3A_282 = tpu.memref_slice %arg9[%dma_wait3A_279, %dma_wait3A_280, %dma_wait3A_281] : memref<4x128x64xf32, #tpu.memory_space<vmem>> -> memref<1x128x64xf32, #tpu.memory_space<vmem>>
    %dma_wait3A_283 = tpu.memref_squeeze %dma_wait3A_282 : memref<1x128x64xf32, #tpu.memory_space<vmem>> -> memref<128x64xf32, #tpu.memory_space<vmem>>
    %dma_wait3A_284 = arith.constant 0 : i32
    %dma_wait3A_285 = tpu.memref_slice %arg7[%dma_wait3A_278, %dma_wait3A_284] : memref<40x128xi32, #tpu.memory_space<vmem>> -> memref<1x128xi32, #tpu.memory_space<vmem>>
    %dma_wait3A_286 = tpu.memref_squeeze %dma_wait3A_285 : memref<1x128xi32, #tpu.memory_space<vmem>> -> memref<128xi32, #tpu.memory_space<vmem>>
    %dma_wait3A_287 = arith.constant 0 : i32
    %dma_wait3A_288 = arith.constant 0 : i32
    %dma_wait3A_289 = tpu.memref_slice %arg10[%dma_wait3A_287, %dma_wait3A_288] : memref<10048x64xf32, #tpu.memory_space<vmem_shared>> -> memref<10048x64xf32, #tpu.memory_space<vmem_shared>>
    tpu.wait_indirect_dma semaphore(%arg13 : memref<!tpu.dma_semaphore, #tpu.memory_space<semaphore_mem>>) src(%dma_wait3A_289 : memref<10048x64xf32, #tpu.memory_space<vmem_shared>>) dst(%dma_wait3A_283 : memref<128x64xf32, #tpu.memory_space<vmem>>)
    %dma_start3A_290 = arith.constant 0 : i32
    %dma_start3A_291 = arith.constant 36 : i32
    %dma_start3A_292 = arith.constant 0 : i32
    %dma_start3A_293 = arith.constant 0 : i32
    %dma_start3A_294 = tpu.memref_slice %arg9[%dma_start3A_290, %dma_start3A_292, %dma_start3A_293] : memref<4x128x64xf32, #tpu.memory_space<vmem>> -> memref<1x128x64xf32, #tpu.memory_space<vmem>>
    %dma_start3A_295 = tpu.memref_squeeze %dma_start3A_294 : memref<1x128x64xf32, #tpu.memory_space<vmem>> -> memref<128x64xf32, #tpu.memory_space<vmem>>
    %dma_start3A_296 = arith.constant 0 : i32
    %dma_start3A_297 = tpu.memref_slice %arg8[%dma_start3A_291, %dma_start3A_296] : memref<40x128xi32, #tpu.memory_space<vmem>> -> memref<1x128xi32, #tpu.memory_space<vmem>>
    %dma_start3A_298 = tpu.memref_squeeze %dma_start3A_297 : memref<1x128xi32, #tpu.memory_space<vmem>> -> memref<128xi32, #tpu.memory_space<vmem>>
    %dma_start3A_299 = arith.constant 0 : i32
    %dma_start3A_300 = arith.constant 0 : i32
    %dma_start3A_301 = tpu.memref_slice %arg11[%dma_start3A_299, %dma_start3A_300] : memref<10048x64xf32, #tpu.memory_space<vmem_shared>> -> memref<10048x64xf32, #tpu.memory_space<vmem_shared>>
    tpu.enqueue_indirect_dma source(%dma_start3A_295 : memref<128x64xf32, #tpu.memory_space<vmem>>) target(%dma_start3A_301 : memref<10048x64xf32, #tpu.memory_space<vmem_shared>>) offsets(%dma_start3A_298 : memref<128xi32, #tpu.memory_space<vmem>>) semaphore(%arg17 : memref<!tpu.dma_semaphore, #tpu.memory_space<semaphore_mem>>) {add = true}
    %dma_wait3A_302 = arith.constant 37 : i32
    %dma_wait3A_303 = arith.constant 1 : i32
    %dma_wait3A_304 = arith.constant 0 : i32
    %dma_wait3A_305 = arith.constant 0 : i32
    %dma_wait3A_306 = tpu.memref_slice %arg9[%dma_wait3A_303, %dma_wait3A_304, %dma_wait3A_305] : memref<4x128x64xf32, #tpu.memory_space<vmem>> -> memref<1x128x64xf32, #tpu.memory_space<vmem>>
    %dma_wait3A_307 = tpu.memref_squeeze %dma_wait3A_306 : memref<1x128x64xf32, #tpu.memory_space<vmem>> -> memref<128x64xf32, #tpu.memory_space<vmem>>
    %dma_wait3A_308 = arith.constant 0 : i32
    %dma_wait3A_309 = tpu.memref_slice %arg7[%dma_wait3A_302, %dma_wait3A_308] : memref<40x128xi32, #tpu.memory_space<vmem>> -> memref<1x128xi32, #tpu.memory_space<vmem>>
    %dma_wait3A_310 = tpu.memref_squeeze %dma_wait3A_309 : memref<1x128xi32, #tpu.memory_space<vmem>> -> memref<128xi32, #tpu.memory_space<vmem>>
    %dma_wait3A_311 = arith.constant 0 : i32
    %dma_wait3A_312 = arith.constant 0 : i32
    %dma_wait3A_313 = tpu.memref_slice %arg10[%dma_wait3A_311, %dma_wait3A_312] : memref<10048x64xf32, #tpu.memory_space<vmem_shared>> -> memref<10048x64xf32, #tpu.memory_space<vmem_shared>>
    tpu.wait_indirect_dma semaphore(%arg14 : memref<!tpu.dma_semaphore, #tpu.memory_space<semaphore_mem>>) src(%dma_wait3A_313 : memref<10048x64xf32, #tpu.memory_space<vmem_shared>>) dst(%dma_wait3A_307 : memref<128x64xf32, #tpu.memory_space<vmem>>)
    %dma_start3A_314 = arith.constant 1 : i32
    %dma_start3A_315 = arith.constant 37 : i32
    %dma_start3A_316 = arith.constant 0 : i32
    %dma_start3A_317 = arith.constant 0 : i32
    %dma_start3A_318 = tpu.memref_slice %arg9[%dma_start3A_314, %dma_start3A_316, %dma_start3A_317] : memref<4x128x64xf32, #tpu.memory_space<vmem>> -> memref<1x128x64xf32, #tpu.memory_space<vmem>>
    %dma_start3A_319 = tpu.memref_squeeze %dma_start3A_318 : memref<1x128x64xf32, #tpu.memory_space<vmem>> -> memref<128x64xf32, #tpu.memory_space<vmem>>
    %dma_start3A_320 = arith.constant 0 : i32
    %dma_start3A_321 = tpu.memref_slice %arg8[%dma_start3A_315, %dma_start3A_320] : memref<40x128xi32, #tpu.memory_space<vmem>> -> memref<1x128xi32, #tpu.memory_space<vmem>>
    %dma_start3A_322 = tpu.memref_squeeze %dma_start3A_321 : memref<1x128xi32, #tpu.memory_space<vmem>> -> memref<128xi32, #tpu.memory_space<vmem>>
    %dma_start3A_323 = arith.constant 0 : i32
    %dma_start3A_324 = arith.constant 0 : i32
    %dma_start3A_325 = tpu.memref_slice %arg11[%dma_start3A_323, %dma_start3A_324] : memref<10048x64xf32, #tpu.memory_space<vmem_shared>> -> memref<10048x64xf32, #tpu.memory_space<vmem_shared>>
    tpu.enqueue_indirect_dma source(%dma_start3A_319 : memref<128x64xf32, #tpu.memory_space<vmem>>) target(%dma_start3A_325 : memref<10048x64xf32, #tpu.memory_space<vmem_shared>>) offsets(%dma_start3A_322 : memref<128xi32, #tpu.memory_space<vmem>>) semaphore(%arg18 : memref<!tpu.dma_semaphore, #tpu.memory_space<semaphore_mem>>) {add = true}
    %dma_wait3A_326 = arith.constant 38 : i32
    %dma_wait3A_327 = arith.constant 2 : i32
    %dma_wait3A_328 = arith.constant 0 : i32
    %dma_wait3A_329 = arith.constant 0 : i32
    %dma_wait3A_330 = tpu.memref_slice %arg9[%dma_wait3A_327, %dma_wait3A_328, %dma_wait3A_329] : memref<4x128x64xf32, #tpu.memory_space<vmem>> -> memref<1x128x64xf32, #tpu.memory_space<vmem>>
    %dma_wait3A_331 = tpu.memref_squeeze %dma_wait3A_330 : memref<1x128x64xf32, #tpu.memory_space<vmem>> -> memref<128x64xf32, #tpu.memory_space<vmem>>
    %dma_wait3A_332 = arith.constant 0 : i32
    %dma_wait3A_333 = tpu.memref_slice %arg7[%dma_wait3A_326, %dma_wait3A_332] : memref<40x128xi32, #tpu.memory_space<vmem>> -> memref<1x128xi32, #tpu.memory_space<vmem>>
    %dma_wait3A_334 = tpu.memref_squeeze %dma_wait3A_333 : memref<1x128xi32, #tpu.memory_space<vmem>> -> memref<128xi32, #tpu.memory_space<vmem>>
    %dma_wait3A_335 = arith.constant 0 : i32
    %dma_wait3A_336 = arith.constant 0 : i32
    %dma_wait3A_337 = tpu.memref_slice %arg10[%dma_wait3A_335, %dma_wait3A_336] : memref<10048x64xf32, #tpu.memory_space<vmem_shared>> -> memref<10048x64xf32, #tpu.memory_space<vmem_shared>>
    tpu.wait_indirect_dma semaphore(%arg15 : memref<!tpu.dma_semaphore, #tpu.memory_space<semaphore_mem>>) src(%dma_wait3A_337 : memref<10048x64xf32, #tpu.memory_space<vmem_shared>>) dst(%dma_wait3A_331 : memref<128x64xf32, #tpu.memory_space<vmem>>)
    %dma_start3A_338 = arith.constant 2 : i32
    %dma_start3A_339 = arith.constant 38 : i32
    %dma_start3A_340 = arith.constant 0 : i32
    %dma_start3A_341 = arith.constant 0 : i32
    %dma_start3A_342 = tpu.memref_slice %arg9[%dma_start3A_338, %dma_start3A_340, %dma_start3A_341] : memref<4x128x64xf32, #tpu.memory_space<vmem>> -> memref<1x128x64xf32, #tpu.memory_space<vmem>>
    %dma_start3A_343 = tpu.memref_squeeze %dma_start3A_342 : memref<1x128x64xf32, #tpu.memory_space<vmem>> -> memref<128x64xf32, #tpu.memory_space<vmem>>
    %dma_start3A_344 = arith.constant 0 : i32
    %dma_start3A_345 = tpu.memref_slice %arg8[%dma_start3A_339, %dma_start3A_344] : memref<40x128xi32, #tpu.memory_space<vmem>> -> memref<1x128xi32, #tpu.memory_space<vmem>>
    %dma_start3A_346 = tpu.memref_squeeze %dma_start3A_345 : memref<1x128xi32, #tpu.memory_space<vmem>> -> memref<128xi32, #tpu.memory_space<vmem>>
    %dma_start3A_347 = arith.constant 0 : i32
    %dma_start3A_348 = arith.constant 0 : i32
    %dma_start3A_349 = tpu.memref_slice %arg11[%dma_start3A_347, %dma_start3A_348] : memref<10048x64xf32, #tpu.memory_space<vmem_shared>> -> memref<10048x64xf32, #tpu.memory_space<vmem_shared>>
    tpu.enqueue_indirect_dma source(%dma_start3A_343 : memref<128x64xf32, #tpu.memory_space<vmem>>) target(%dma_start3A_349 : memref<10048x64xf32, #tpu.memory_space<vmem_shared>>) offsets(%dma_start3A_346 : memref<128xi32, #tpu.memory_space<vmem>>) semaphore(%arg19 : memref<!tpu.dma_semaphore, #tpu.memory_space<semaphore_mem>>) {add = true}
    %dma_wait3A_350 = arith.constant 39 : i32
    %dma_wait3A_351 = arith.constant 3 : i32
    %dma_wait3A_352 = arith.constant 0 : i32
    %dma_wait3A_353 = arith.constant 0 : i32
    %dma_wait3A_354 = tpu.memref_slice %arg9[%dma_wait3A_351, %dma_wait3A_352, %dma_wait3A_353] : memref<4x128x64xf32, #tpu.memory_space<vmem>> -> memref<1x128x64xf32, #tpu.memory_space<vmem>>
    %dma_wait3A_355 = tpu.memref_squeeze %dma_wait3A_354 : memref<1x128x64xf32, #tpu.memory_space<vmem>> -> memref<128x64xf32, #tpu.memory_space<vmem>>
    %dma_wait3A_356 = arith.constant 0 : i32
    %dma_wait3A_357 = tpu.memref_slice %arg7[%dma_wait3A_350, %dma_wait3A_356] : memref<40x128xi32, #tpu.memory_space<vmem>> -> memref<1x128xi32, #tpu.memory_space<vmem>>
    %dma_wait3A_358 = tpu.memref_squeeze %dma_wait3A_357 : memref<1x128xi32, #tpu.memory_space<vmem>> -> memref<128xi32, #tpu.memory_space<vmem>>
    %dma_wait3A_359 = arith.constant 0 : i32
    %dma_wait3A_360 = arith.constant 0 : i32
    %dma_wait3A_361 = tpu.memref_slice %arg10[%dma_wait3A_359, %dma_wait3A_360] : memref<10048x64xf32, #tpu.memory_space<vmem_shared>> -> memref<10048x64xf32, #tpu.memory_space<vmem_shared>>
    tpu.wait_indirect_dma semaphore(%arg16 : memref<!tpu.dma_semaphore, #tpu.memory_space<semaphore_mem>>) src(%dma_wait3A_361 : memref<10048x64xf32, #tpu.memory_space<vmem_shared>>) dst(%dma_wait3A_355 : memref<128x64xf32, #tpu.memory_space<vmem>>)
    %dma_start3A_362 = arith.constant 3 : i32
    %dma_start3A_363 = arith.constant 39 : i32
    %dma_start3A_364 = arith.constant 0 : i32
    %dma_start3A_365 = arith.constant 0 : i32
    %dma_start3A_366 = tpu.memref_slice %arg9[%dma_start3A_362, %dma_start3A_364, %dma_start3A_365] : memref<4x128x64xf32, #tpu.memory_space<vmem>> -> memref<1x128x64xf32, #tpu.memory_space<vmem>>
    %dma_start3A_367 = tpu.memref_squeeze %dma_start3A_366 : memref<1x128x64xf32, #tpu.memory_space<vmem>> -> memref<128x64xf32, #tpu.memory_space<vmem>>
    %dma_start3A_368 = arith.constant 0 : i32
    %dma_start3A_369 = tpu.memref_slice %arg8[%dma_start3A_363, %dma_start3A_368] : memref<40x128xi32, #tpu.memory_space<vmem>> -> memref<1x128xi32, #tpu.memory_space<vmem>>
    %dma_start3A_370 = tpu.memref_squeeze %dma_start3A_369 : memref<1x128xi32, #tpu.memory_space<vmem>> -> memref<128xi32, #tpu.memory_space<vmem>>
    %dma_start3A_371 = arith.constant 0 : i32
    %dma_start3A_372 = arith.constant 0 : i32
    %dma_start3A_373 = tpu.memref_slice %arg11[%dma_start3A_371, %dma_start3A_372] : memref<10048x64xf32, #tpu.memory_space<vmem_shared>> -> memref<10048x64xf32, #tpu.memory_space<vmem_shared>>
    tpu.enqueue_indirect_dma source(%dma_start3A_367 : memref<128x64xf32, #tpu.memory_space<vmem>>) target(%dma_start3A_373 : memref<10048x64xf32, #tpu.memory_space<vmem_shared>>) offsets(%dma_start3A_370 : memref<128xi32, #tpu.memory_space<vmem>>) semaphore(%arg20 : memref<!tpu.dma_semaphore, #tpu.memory_space<semaphore_mem>>) {add = true}
    %dma_wait3A_374 = arith.constant 0 : i32
    %dma_wait3A_375 = arith.constant 36 : i32
    %dma_wait3A_376 = arith.constant 0 : i32
    %dma_wait3A_377 = arith.constant 0 : i32
    %dma_wait3A_378 = tpu.memref_slice %arg9[%dma_wait3A_374, %dma_wait3A_376, %dma_wait3A_377] : memref<4x128x64xf32, #tpu.memory_space<vmem>> -> memref<1x128x64xf32, #tpu.memory_space<vmem>>
    %dma_wait3A_379 = tpu.memref_squeeze %dma_wait3A_378 : memref<1x128x64xf32, #tpu.memory_space<vmem>> -> memref<128x64xf32, #tpu.memory_space<vmem>>
    %dma_wait3A_380 = arith.constant 0 : i32
    %dma_wait3A_381 = tpu.memref_slice %arg8[%dma_wait3A_375, %dma_wait3A_380] : memref<40x128xi32, #tpu.memory_space<vmem>> -> memref<1x128xi32, #tpu.memory_space<vmem>>
    %dma_wait3A_382 = tpu.memref_squeeze %dma_wait3A_381 : memref<1x128xi32, #tpu.memory_space<vmem>> -> memref<128xi32, #tpu.memory_space<vmem>>
    %dma_wait3A_383 = arith.constant 0 : i32
    %dma_wait3A_384 = arith.constant 0 : i32
    %dma_wait3A_385 = tpu.memref_slice %arg11[%dma_wait3A_383, %dma_wait3A_384] : memref<10048x64xf32, #tpu.memory_space<vmem_shared>> -> memref<10048x64xf32, #tpu.memory_space<vmem_shared>>
    tpu.wait_indirect_dma semaphore(%arg17 : memref<!tpu.dma_semaphore, #tpu.memory_space<semaphore_mem>>) src(%dma_wait3A_379 : memref<128x64xf32, #tpu.memory_space<vmem>>) dst(%dma_wait3A_385 : memref<10048x64xf32, #tpu.memory_space<vmem_shared>>)
    %dma_wait3A_386 = arith.constant 1 : i32
    %dma_wait3A_387 = arith.constant 37 : i32
    %dma_wait3A_388 = arith.constant 0 : i32
    %dma_wait3A_389 = arith.constant 0 : i32
    %dma_wait3A_390 = tpu.memref_slice %arg9[%dma_wait3A_386, %dma_wait3A_388, %dma_wait3A_389] : memref<4x128x64xf32, #tpu.memory_space<vmem>> -> memref<1x128x64xf32, #tpu.memory_space<vmem>>
    %dma_wait3A_391 = tpu.memref_squeeze %dma_wait3A_390 : memref<1x128x64xf32, #tpu.memory_space<vmem>> -> memref<128x64xf32, #tpu.memory_space<vmem>>
    %dma_wait3A_392 = arith.constant 0 : i32
    %dma_wait3A_393 = tpu.memref_slice %arg8[%dma_wait3A_387, %dma_wait3A_392] : memref<40x128xi32, #tpu.memory_space<vmem>> -> memref<1x128xi32, #tpu.memory_space<vmem>>
    %dma_wait3A_394 = tpu.memref_squeeze %dma_wait3A_393 : memref<1x128xi32, #tpu.memory_space<vmem>> -> memref<128xi32, #tpu.memory_space<vmem>>
    %dma_wait3A_395 = arith.constant 0 : i32
    %dma_wait3A_396 = arith.constant 0 : i32
    %dma_wait3A_397 = tpu.memref_slice %arg11[%dma_wait3A_395, %dma_wait3A_396] : memref<10048x64xf32, #tpu.memory_space<vmem_shared>> -> memref<10048x64xf32, #tpu.memory_space<vmem_shared>>
    tpu.wait_indirect_dma semaphore(%arg18 : memref<!tpu.dma_semaphore, #tpu.memory_space<semaphore_mem>>) src(%dma_wait3A_391 : memref<128x64xf32, #tpu.memory_space<vmem>>) dst(%dma_wait3A_397 : memref<10048x64xf32, #tpu.memory_space<vmem_shared>>)
    %dma_wait3A_398 = arith.constant 2 : i32
    %dma_wait3A_399 = arith.constant 38 : i32
    %dma_wait3A_400 = arith.constant 0 : i32
    %dma_wait3A_401 = arith.constant 0 : i32
    %dma_wait3A_402 = tpu.memref_slice %arg9[%dma_wait3A_398, %dma_wait3A_400, %dma_wait3A_401] : memref<4x128x64xf32, #tpu.memory_space<vmem>> -> memref<1x128x64xf32, #tpu.memory_space<vmem>>
    %dma_wait3A_403 = tpu.memref_squeeze %dma_wait3A_402 : memref<1x128x64xf32, #tpu.memory_space<vmem>> -> memref<128x64xf32, #tpu.memory_space<vmem>>
    %dma_wait3A_404 = arith.constant 0 : i32
    %dma_wait3A_405 = tpu.memref_slice %arg8[%dma_wait3A_399, %dma_wait3A_404] : memref<40x128xi32, #tpu.memory_space<vmem>> -> memref<1x128xi32, #tpu.memory_space<vmem>>
    %dma_wait3A_406 = tpu.memref_squeeze %dma_wait3A_405 : memref<1x128xi32, #tpu.memory_space<vmem>> -> memref<128xi32, #tpu.memory_space<vmem>>
    %dma_wait3A_407 = arith.constant 0 : i32
    %dma_wait3A_408 = arith.constant 0 : i32
    %dma_wait3A_409 = tpu.memref_slice %arg11[%dma_wait3A_407, %dma_wait3A_408] : memref<10048x64xf32, #tpu.memory_space<vmem_shared>> -> memref<10048x64xf32, #tpu.memory_space<vmem_shared>>
    tpu.wait_indirect_dma semaphore(%arg19 : memref<!tpu.dma_semaphore, #tpu.memory_space<semaphore_mem>>) src(%dma_wait3A_403 : memref<128x64xf32, #tpu.memory_space<vmem>>) dst(%dma_wait3A_409 : memref<10048x64xf32, #tpu.memory_space<vmem_shared>>)
    %dma_wait3A_410 = arith.constant 3 : i32
    %dma_wait3A_411 = arith.constant 39 : i32
    %dma_wait3A_412 = arith.constant 0 : i32
    %dma_wait3A_413 = arith.constant 0 : i32
    %dma_wait3A_414 = tpu.memref_slice %arg9[%dma_wait3A_410, %dma_wait3A_412, %dma_wait3A_413] : memref<4x128x64xf32, #tpu.memory_space<vmem>> -> memref<1x128x64xf32, #tpu.memory_space<vmem>>
    %dma_wait3A_415 = tpu.memref_squeeze %dma_wait3A_414 : memref<1x128x64xf32, #tpu.memory_space<vmem>> -> memref<128x64xf32, #tpu.memory_space<vmem>>
    %dma_wait3A_416 = arith.constant 0 : i32
    %dma_wait3A_417 = tpu.memref_slice %arg8[%dma_wait3A_411, %dma_wait3A_416] : memref<40x128xi32, #tpu.memory_space<vmem>> -> memref<1x128xi32, #tpu.memory_space<vmem>>
    %dma_wait3A_418 = tpu.memref_squeeze %dma_wait3A_417 : memref<1x128xi32, #tpu.memory_space<vmem>> -> memref<128xi32, #tpu.memory_space<vmem>>
    %dma_wait3A_419 = arith.constant 0 : i32
    %dma_wait3A_420 = arith.constant 0 : i32
    %dma_wait3A_421 = tpu.memref_slice %arg11[%dma_wait3A_419, %dma_wait3A_420] : memref<10048x64xf32, #tpu.memory_space<vmem_shared>> -> memref<10048x64xf32, #tpu.memory_space<vmem_shared>>
    tpu.wait_indirect_dma semaphore(%arg20 : memref<!tpu.dma_semaphore, #tpu.memory_space<semaphore_mem>>) src(%dma_wait3A_415 : memref<128x64xf32, #tpu.memory_space<vmem>>) dst(%dma_wait3A_421 : memref<10048x64xf32, #tpu.memory_space<vmem_shared>>)
    %barrier3A_422 = arith.constant 0 : index
    tpu.barrier barrier_id(%barrier3A_422)
    "tpu.region"() ({
      %run_scoped3A = tpu.sem_alloc : memref<!tpu.dma_semaphore, #tpu.memory_space<semaphore_mem>>
      %dma_start3A_423 = arith.constant 0 : i32
      %dma_start3A_424 = tpu.memref_slice %arg6[%arg0, %mul3A_2, %dma_start3A_423] : memref<2x10048x64xf32, #tpu.memory_space<hbm>> -> memref<1x628x64xf32, #tpu.memory_space<hbm>>
      %dma_start3A_425 = tpu.memref_squeeze %dma_start3A_424 : memref<1x628x64xf32, #tpu.memory_space<hbm>> -> memref<628x64xf32, #tpu.memory_space<hbm>>
      %dma_start3A_426 = arith.constant 0 : i32
      %dma_start3A_427 = tpu.memref_slice %arg11[%mul3A_2, %dma_start3A_426] : memref<10048x64xf32, #tpu.memory_space<vmem_shared>> -> memref<628x64xf32, #tpu.memory_space<vmem_shared>>
      tpu.enqueue_dma source(%dma_start3A_427 : memref<628x64xf32, #tpu.memory_space<vmem_shared>>) target(%dma_start3A_425 : memref<628x64xf32, #tpu.memory_space<hbm>>) target_semaphore(%run_scoped3A : memref<!tpu.dma_semaphore, #tpu.memory_space<semaphore_mem>>)
      %dma_wait3A_428 = arith.constant 0 : i32
      %dma_wait3A_429 = tpu.memref_slice %arg6[%arg0, %mul3A_2, %dma_wait3A_428] : memref<2x10048x64xf32, #tpu.memory_space<hbm>> -> memref<1x628x64xf32, #tpu.memory_space<hbm>>
      %dma_wait3A_430 = tpu.memref_squeeze %dma_wait3A_429 : memref<1x628x64xf32, #tpu.memory_space<hbm>> -> memref<628x64xf32, #tpu.memory_space<hbm>>
      %dma_wait3A_431 = arith.constant 0 : i32
      %dma_wait3A_432 = tpu.memref_slice %arg11[%mul3A_2, %dma_wait3A_431] : memref<10048x64xf32, #tpu.memory_space<vmem_shared>> -> memref<628x64xf32, #tpu.memory_space<vmem_shared>>
      tpu.wait_dma2 semaphore(%run_scoped3A : memref<!tpu.dma_semaphore, #tpu.memory_space<semaphore_mem>>) src(%dma_wait3A_432 : memref<628x64xf32, #tpu.memory_space<vmem_shared>>) dst(%dma_wait3A_430 : memref<628x64xf32, #tpu.memory_space<hbm>>)
      tpu.yield
    }) : () -> ()
    return
  }
}

#map = affine_map<(d0, d1) -> (0, 0, 0)>
#map1 = affine_map<(d0, d1) -> (0, 0)>
module attributes {stable_mosaic.version = 14 : i64} {
  func.func @sage_segsum_d72(%arg0: i32, %arg1: i32, %arg2: memref<2x10048x72xf32, #tpu.memory_space<hbm>>, %arg3: memref<2560x128xi32, #tpu.memory_space<hbm>>, %arg4: memref<2560x128xi32, #tpu.memory_space<hbm>>, %arg5: memref<628x72xf32, #tpu.memory_space<hbm>>, %arg6: memref<2x10048x72xf32, #tpu.memory_space<hbm>>, %arg7: memref<80x128xi32, #tpu.memory_space<vmem>>, %arg8: memref<80x128xi32, #tpu.memory_space<vmem>>, %arg9: memref<2x128x72xf32, #tpu.memory_space<vmem>>, %arg10: memref<10048x72xf32, #tpu.memory_space<vmem_shared>>, %arg11: memref<10048x72xf32, #tpu.memory_space<vmem_shared>>, %arg12: memref<!tpu.dma_semaphore, #tpu.memory_space<semaphore_mem>>, %arg13: memref<!tpu.dma_semaphore, #tpu.memory_space<semaphore_mem>>, %arg14: memref<!tpu.dma_semaphore, #tpu.memory_space<semaphore_mem>>, %arg15: memref<!tpu.dma_semaphore, #tpu.memory_space<semaphore_mem>>, %arg16: memref<!tpu.dma_semaphore, #tpu.memory_space<semaphore_mem>>) attributes {dimension_semantics = [#tpu.dimension_semantics<core_parallel>, #tpu.dimension_semantics<subcore_parallel>], iteration_bounds = array<i64: 2, 16>, scalar_prefetch = 0 : i64, scratch_operands = 10 : i64, tpu.core_type = #tpu.core_type<sc_vector_subcore>, window_params = [{transform_indices = #map}, {transform_indices = #map1}, {transform_indices = #map1}, {transform_indices = #map1}, {transform_indices = #map}]} {
    %mul3A = arith.constant 628 : i32
    %mul3A_0 = arith.muli %arg1, %mul3A : i32
    %mul3A_1 = arith.constant 160 : i32
    %mul3A_2 = arith.muli %arg1, %mul3A_1 : i32
    %dma_start3A = arith.constant 0 : i32
    %dma_start3A_3 = tpu.memref_slice %arg3[%mul3A_2, %dma_start3A] : memref<2560x128xi32, #tpu.memory_space<hbm>> -> memref<80x128xi32, #tpu.memory_space<hbm>>
    %dma_start3A_4 = arith.constant 0 : i32
    %dma_start3A_5 = tpu.memref_slice %arg3[%mul3A_2, %dma_start3A_4] : memref<2560x128xi32, #tpu.memory_space<hbm>> -> memref<80x128xi32, #tpu.memory_space<hbm>>
    tpu.enqueue_dma source(%dma_start3A_5 : memref<80x128xi32, #tpu.memory_space<hbm>>) target(%arg7 : memref<80x128xi32, #tpu.memory_space<vmem>>) target_semaphore(%arg12 : memref<!tpu.dma_semaphore, #tpu.memory_space<semaphore_mem>>)
    %mul3A_6 = arith.constant 160 : i32
    %mul3A_7 = arith.muli %arg1, %mul3A_6 : i32
    %dma_start3A_8 = arith.constant 0 : i32
    %dma_start3A_9 = tpu.memref_slice %arg4[%mul3A_7, %dma_start3A_8] : memref<2560x128xi32, #tpu.memory_space<hbm>> -> memref<80x128xi32, #tpu.memory_space<hbm>>
    %dma_start3A_10 = arith.constant 0 : i32
    %dma_start3A_11 = tpu.memref_slice %arg4[%mul3A_7, %dma_start3A_10] : memref<2560x128xi32, #tpu.memory_space<hbm>> -> memref<80x128xi32, #tpu.memory_space<hbm>>
    tpu.enqueue_dma source(%dma_start3A_11 : memref<80x128xi32, #tpu.memory_space<hbm>>) target(%arg8 : memref<80x128xi32, #tpu.memory_space<vmem>>) target_semaphore(%arg12 : memref<!tpu.dma_semaphore, #tpu.memory_space<semaphore_mem>>)
    "tpu.region"() ({
      %run_scoped3A = tpu.sem_alloc : memref<!tpu.dma_semaphore, #tpu.memory_space<semaphore_mem>>
      %dma_start3A_228 = arith.constant 0 : i32
      %dma_start3A_229 = tpu.memref_slice %arg10[%mul3A_0, %dma_start3A_228] : memref<10048x72xf32, #tpu.memory_space<vmem_shared>> -> memref<628x72xf32, #tpu.memory_space<vmem_shared>>
      %dma_start3A_230 = arith.constant 0 : i32
      %dma_start3A_231 = tpu.memref_slice %arg2[%arg0, %mul3A_0, %dma_start3A_230] : memref<2x10048x72xf32, #tpu.memory_space<hbm>> -> memref<1x628x72xf32, #tpu.memory_space<hbm>>
      %dma_start3A_232 = tpu.memref_squeeze %dma_start3A_231 : memref<1x628x72xf32, #tpu.memory_space<hbm>> -> memref<628x72xf32, #tpu.memory_space<hbm>>
      tpu.enqueue_dma source(%dma_start3A_232 : memref<628x72xf32, #tpu.memory_space<hbm>>) target(%dma_start3A_229 : memref<628x72xf32, #tpu.memory_space<vmem_shared>>) target_semaphore(%run_scoped3A : memref<!tpu.dma_semaphore, #tpu.memory_space<semaphore_mem>>)
      %dma_wait3A_233 = arith.constant 0 : i32
      %dma_wait3A_234 = tpu.memref_slice %arg10[%mul3A_0, %dma_wait3A_233] : memref<10048x72xf32, #tpu.memory_space<vmem_shared>> -> memref<628x72xf32, #tpu.memory_space<vmem_shared>>
      %dma_wait3A_235 = arith.constant 0 : i32
      %dma_wait3A_236 = tpu.memref_slice %arg2[%arg0, %mul3A_0, %dma_wait3A_235] : memref<2x10048x72xf32, #tpu.memory_space<hbm>> -> memref<1x628x72xf32, #tpu.memory_space<hbm>>
      %dma_wait3A_237 = tpu.memref_squeeze %dma_wait3A_236 : memref<1x628x72xf32, #tpu.memory_space<hbm>> -> memref<628x72xf32, #tpu.memory_space<hbm>>
      tpu.wait_dma2 semaphore(%run_scoped3A : memref<!tpu.dma_semaphore, #tpu.memory_space<semaphore_mem>>) src(%dma_wait3A_237 : memref<628x72xf32, #tpu.memory_space<hbm>>) dst(%dma_wait3A_234 : memref<628x72xf32, #tpu.memory_space<vmem_shared>>)
      tpu.yield
    }) : () -> ()
    "tpu.region"() ({
      %run_scoped3A = tpu.sem_alloc : memref<!tpu.dma_semaphore, #tpu.memory_space<semaphore_mem>>
      %dma_start3A_228 = arith.constant 0 : i32
      %dma_start3A_229 = tpu.memref_slice %arg11[%mul3A_0, %dma_start3A_228] : memref<10048x72xf32, #tpu.memory_space<vmem_shared>> -> memref<628x72xf32, #tpu.memory_space<vmem_shared>>
      tpu.enqueue_dma source(%arg5 : memref<628x72xf32, #tpu.memory_space<hbm>>) target(%dma_start3A_229 : memref<628x72xf32, #tpu.memory_space<vmem_shared>>) target_semaphore(%run_scoped3A : memref<!tpu.dma_semaphore, #tpu.memory_space<semaphore_mem>>)
      %dma_wait3A_230 = arith.constant 0 : i32
      %dma_wait3A_231 = tpu.memref_slice %arg11[%mul3A_0, %dma_wait3A_230] : memref<10048x72xf32, #tpu.memory_space<vmem_shared>> -> memref<628x72xf32, #tpu.memory_space<vmem_shared>>
      tpu.wait_dma2 semaphore(%run_scoped3A : memref<!tpu.dma_semaphore, #tpu.memory_space<semaphore_mem>>) src(%arg5 : memref<628x72xf32, #tpu.memory_space<hbm>>) dst(%dma_wait3A_231 : memref<628x72xf32, #tpu.memory_space<vmem_shared>>)
      tpu.yield
    }) : () -> ()
    %dma_wait3A = arith.constant 0 : i32
    %dma_wait3A_12 = tpu.memref_slice %arg3[%mul3A_2, %dma_wait3A] : memref<2560x128xi32, #tpu.memory_space<hbm>> -> memref<80x128xi32, #tpu.memory_space<hbm>>
    %dma_wait3A_13 = arith.constant 0 : i32
    %dma_wait3A_14 = tpu.memref_slice %arg3[%mul3A_2, %dma_wait3A_13] : memref<2560x128xi32, #tpu.memory_space<hbm>> -> memref<80x128xi32, #tpu.memory_space<hbm>>
    tpu.wait_dma2 semaphore(%arg12 : memref<!tpu.dma_semaphore, #tpu.memory_space<semaphore_mem>>) src(%dma_wait3A_14 : memref<80x128xi32, #tpu.memory_space<hbm>>) dst(%arg7 : memref<80x128xi32, #tpu.memory_space<vmem>>)
    %dma_wait3A_15 = arith.constant 0 : i32
    %dma_wait3A_16 = tpu.memref_slice %arg4[%mul3A_7, %dma_wait3A_15] : memref<2560x128xi32, #tpu.memory_space<hbm>> -> memref<80x128xi32, #tpu.memory_space<hbm>>
    %dma_wait3A_17 = arith.constant 0 : i32
    %dma_wait3A_18 = tpu.memref_slice %arg4[%mul3A_7, %dma_wait3A_17] : memref<2560x128xi32, #tpu.memory_space<hbm>> -> memref<80x128xi32, #tpu.memory_space<hbm>>
    tpu.wait_dma2 semaphore(%arg12 : memref<!tpu.dma_semaphore, #tpu.memory_space<semaphore_mem>>) src(%dma_wait3A_18 : memref<80x128xi32, #tpu.memory_space<hbm>>) dst(%arg8 : memref<80x128xi32, #tpu.memory_space<vmem>>)
    %barrier3A = arith.constant 0 : index
    tpu.barrier barrier_id(%barrier3A)
    %dma_start3A_19 = arith.constant 0 : i32
    %dma_start3A_20 = arith.constant 0 : i32
    %dma_start3A_21 = arith.constant 0 : i32
    %dma_start3A_22 = arith.constant 0 : i32
    %dma_start3A_23 = tpu.memref_slice %arg9[%dma_start3A_20, %dma_start3A_21, %dma_start3A_22] : memref<2x128x72xf32, #tpu.memory_space<vmem>> -> memref<1x128x72xf32, #tpu.memory_space<vmem>>
    %dma_start3A_24 = tpu.memref_squeeze %dma_start3A_23 : memref<1x128x72xf32, #tpu.memory_space<vmem>> -> memref<128x72xf32, #tpu.memory_space<vmem>>
    %dma_start3A_25 = arith.constant 0 : i32
    %dma_start3A_26 = tpu.memref_slice %arg7[%dma_start3A_19, %dma_start3A_25] : memref<80x128xi32, #tpu.memory_space<vmem>> -> memref<1x128xi32, #tpu.memory_space<vmem>>
    %dma_start3A_27 = tpu.memref_squeeze %dma_start3A_26 : memref<1x128xi32, #tpu.memory_space<vmem>> -> memref<128xi32, #tpu.memory_space<vmem>>
    %dma_start3A_28 = arith.constant 0 : i32
    %dma_start3A_29 = arith.constant 0 : i32
    %dma_start3A_30 = tpu.memref_slice %arg10[%dma_start3A_28, %dma_start3A_29] : memref<10048x72xf32, #tpu.memory_space<vmem_shared>> -> memref<10048x72xf32, #tpu.memory_space<vmem_shared>>
    tpu.enqueue_indirect_dma source(%dma_start3A_30 : memref<10048x72xf32, #tpu.memory_space<vmem_shared>>) target(%dma_start3A_24 : memref<128x72xf32, #tpu.memory_space<vmem>>) offsets(%dma_start3A_27 : memref<128xi32, #tpu.memory_space<vmem>>) semaphore(%arg13 : memref<!tpu.dma_semaphore, #tpu.memory_space<semaphore_mem>>)
    %dma_start3A_31 = arith.constant 1 : i32
    %dma_start3A_32 = arith.constant 1 : i32
    %dma_start3A_33 = arith.constant 0 : i32
    %dma_start3A_34 = arith.constant 0 : i32
    %dma_start3A_35 = tpu.memref_slice %arg9[%dma_start3A_32, %dma_start3A_33, %dma_start3A_34] : memref<2x128x72xf32, #tpu.memory_space<vmem>> -> memref<1x128x72xf32, #tpu.memory_space<vmem>>
    %dma_start3A_36 = tpu.memref_squeeze %dma_start3A_35 : memref<1x128x72xf32, #tpu.memory_space<vmem>> -> memref<128x72xf32, #tpu.memory_space<vmem>>
    %dma_start3A_37 = arith.constant 0 : i32
    %dma_start3A_38 = tpu.memref_slice %arg7[%dma_start3A_31, %dma_start3A_37] : memref<80x128xi32, #tpu.memory_space<vmem>> -> memref<1x128xi32, #tpu.memory_space<vmem>>
    %dma_start3A_39 = tpu.memref_squeeze %dma_start3A_38 : memref<1x128xi32, #tpu.memory_space<vmem>> -> memref<128xi32, #tpu.memory_space<vmem>>
    %dma_start3A_40 = arith.constant 0 : i32
    %dma_start3A_41 = arith.constant 0 : i32
    %dma_start3A_42 = tpu.memref_slice %arg10[%dma_start3A_40, %dma_start3A_41] : memref<10048x72xf32, #tpu.memory_space<vmem_shared>> -> memref<10048x72xf32, #tpu.memory_space<vmem_shared>>
    tpu.enqueue_indirect_dma source(%dma_start3A_42 : memref<10048x72xf32, #tpu.memory_space<vmem_shared>>) target(%dma_start3A_36 : memref<128x72xf32, #tpu.memory_space<vmem>>) offsets(%dma_start3A_39 : memref<128xi32, #tpu.memory_space<vmem>>) semaphore(%arg14 : memref<!tpu.dma_semaphore, #tpu.memory_space<semaphore_mem>>)
    %scan3A = arith.constant 0 : i32
    %scan3A_43 = arith.constant 39 : i32
    %scan3A_44 = arith.addi %scan3A, %scan3A_43 : i32
    %scan3A_45 = arith.constant 1 : i32
    scf.for %scan3A_228 = %scan3A to %scan3A_44 step %scan3A_45  : i32 {
      %mul3A_229 = arith.constant 2 : i32
      %mul3A_230 = arith.muli %scan3A_228, %mul3A_229 : i32
      %add3A_231 = arith.constant 0 : i32
      %add3A_232 = arith.addi %mul3A_230, %add3A_231 : i32
      %dma_wait3A_233 = arith.constant 0 : i32
      %dma_wait3A_234 = arith.constant 0 : i32
      %dma_wait3A_235 = arith.constant 0 : i32
      %dma_wait3A_236 = tpu.memref_slice %arg9[%dma_wait3A_233, %dma_wait3A_234, %dma_wait3A_235] : memref<2x128x72xf32, #tpu.memory_space<vmem>> -> memref<1x128x72xf32, #tpu.memory_space<vmem>>
      %dma_wait3A_237 = tpu.memref_squeeze %dma_wait3A_236 : memref<1x128x72xf32, #tpu.memory_space<vmem>> -> memref<128x72xf32, #tpu.memory_space<vmem>>
      %dma_wait3A_238 = arith.constant 0 : i32
      %dma_wait3A_239 = tpu.memref_slice %arg7[%add3A_232, %dma_wait3A_238] : memref<80x128xi32, #tpu.memory_space<vmem>> -> memref<1x128xi32, #tpu.memory_space<vmem>>
      %dma_wait3A_240 = tpu.memref_squeeze %dma_wait3A_239 : memref<1x128xi32, #tpu.memory_space<vmem>> -> memref<128xi32, #tpu.memory_space<vmem>>
      %dma_wait3A_241 = arith.constant 0 : i32
      %dma_wait3A_242 = arith.constant 0 : i32
      %dma_wait3A_243 = tpu.memref_slice %arg10[%dma_wait3A_241, %dma_wait3A_242] : memref<10048x72xf32, #tpu.memory_space<vmem_shared>> -> memref<10048x72xf32, #tpu.memory_space<vmem_shared>>
      tpu.wait_indirect_dma semaphore(%arg13 : memref<!tpu.dma_semaphore, #tpu.memory_space<semaphore_mem>>) src(%dma_wait3A_243 : memref<10048x72xf32, #tpu.memory_space<vmem_shared>>) dst(%dma_wait3A_237 : memref<128x72xf32, #tpu.memory_space<vmem>>)
      %add3A_244 = arith.constant 0 : i32
      %add3A_245 = arith.addi %mul3A_230, %add3A_244 : i32
      %dma_start3A_246 = arith.constant 0 : i32
      %dma_start3A_247 = arith.constant 0 : i32
      %dma_start3A_248 = arith.constant 0 : i32
      %dma_start3A_249 = tpu.memref_slice %arg9[%dma_start3A_246, %dma_start3A_247, %dma_start3A_248] : memref<2x128x72xf32, #tpu.memory_space<vmem>> -> memref<1x128x72xf32, #tpu.memory_space<vmem>>
      %dma_start3A_250 = tpu.memref_squeeze %dma_start3A_249 : memref<1x128x72xf32, #tpu.memory_space<vmem>> -> memref<128x72xf32, #tpu.memory_space<vmem>>
      %dma_start3A_251 = arith.constant 0 : i32
      %dma_start3A_252 = tpu.memref_slice %arg8[%add3A_245, %dma_start3A_251] : memref<80x128xi32, #tpu.memory_space<vmem>> -> memref<1x128xi32, #tpu.memory_space<vmem>>
      %dma_start3A_253 = tpu.memref_squeeze %dma_start3A_252 : memref<1x128xi32, #tpu.memory_space<vmem>> -> memref<128xi32, #tpu.memory_space<vmem>>
      %dma_start3A_254 = arith.constant 0 : i32
      %dma_start3A_255 = arith.constant 0 : i32
      %dma_start3A_256 = tpu.memref_slice %arg11[%dma_start3A_254, %dma_start3A_255] : memref<10048x72xf32, #tpu.memory_space<vmem_shared>> -> memref<10048x72xf32, #tpu.memory_space<vmem_shared>>
      tpu.enqueue_indirect_dma source(%dma_start3A_250 : memref<128x72xf32, #tpu.memory_space<vmem>>) target(%dma_start3A_256 : memref<10048x72xf32, #tpu.memory_space<vmem_shared>>) offsets(%dma_start3A_253 : memref<128xi32, #tpu.memory_space<vmem>>) semaphore(%arg15 : memref<!tpu.dma_semaphore, #tpu.memory_space<semaphore_mem>>) {add = true}
      %add3A_257 = arith.constant 1 : i32
      %add3A_258 = arith.addi %mul3A_230, %add3A_257 : i32
      %dma_wait3A_259 = arith.constant 1 : i32
      %dma_wait3A_260 = arith.constant 0 : i32
      %dma_wait3A_261 = arith.constant 0 : i32
      %dma_wait3A_262 = tpu.memref_slice %arg9[%dma_wait3A_259, %dma_wait3A_260, %dma_wait3A_261] : memref<2x128x72xf32, #tpu.memory_space<vmem>> -> memref<1x128x72xf32, #tpu.memory_space<vmem>>
      %dma_wait3A_263 = tpu.memref_squeeze %dma_wait3A_262 : memref<1x128x72xf32, #tpu.memory_space<vmem>> -> memref<128x72xf32, #tpu.memory_space<vmem>>
      %dma_wait3A_264 = arith.constant 0 : i32
      %dma_wait3A_265 = tpu.memref_slice %arg7[%add3A_258, %dma_wait3A_264] : memref<80x128xi32, #tpu.memory_space<vmem>> -> memref<1x128xi32, #tpu.memory_space<vmem>>
      %dma_wait3A_266 = tpu.memref_squeeze %dma_wait3A_265 : memref<1x128xi32, #tpu.memory_space<vmem>> -> memref<128xi32, #tpu.memory_space<vmem>>
      %dma_wait3A_267 = arith.constant 0 : i32
      %dma_wait3A_268 = arith.constant 0 : i32
      %dma_wait3A_269 = tpu.memref_slice %arg10[%dma_wait3A_267, %dma_wait3A_268] : memref<10048x72xf32, #tpu.memory_space<vmem_shared>> -> memref<10048x72xf32, #tpu.memory_space<vmem_shared>>
      tpu.wait_indirect_dma semaphore(%arg14 : memref<!tpu.dma_semaphore, #tpu.memory_space<semaphore_mem>>) src(%dma_wait3A_269 : memref<10048x72xf32, #tpu.memory_space<vmem_shared>>) dst(%dma_wait3A_263 : memref<128x72xf32, #tpu.memory_space<vmem>>)
      %add3A_270 = arith.constant 1 : i32
      %add3A_271 = arith.addi %mul3A_230, %add3A_270 : i32
      %dma_start3A_272 = arith.constant 1 : i32
      %dma_start3A_273 = arith.constant 0 : i32
      %dma_start3A_274 = arith.constant 0 : i32
      %dma_start3A_275 = tpu.memref_slice %arg9[%dma_start3A_272, %dma_start3A_273, %dma_start3A_274] : memref<2x128x72xf32, #tpu.memory_space<vmem>> -> memref<1x128x72xf32, #tpu.memory_space<vmem>>
      %dma_start3A_276 = tpu.memref_squeeze %dma_start3A_275 : memref<1x128x72xf32, #tpu.memory_space<vmem>> -> memref<128x72xf32, #tpu.memory_space<vmem>>
      %dma_start3A_277 = arith.constant 0 : i32
      %dma_start3A_278 = tpu.memref_slice %arg8[%add3A_271, %dma_start3A_277] : memref<80x128xi32, #tpu.memory_space<vmem>> -> memref<1x128xi32, #tpu.memory_space<vmem>>
      %dma_start3A_279 = tpu.memref_squeeze %dma_start3A_278 : memref<1x128xi32, #tpu.memory_space<vmem>> -> memref<128xi32, #tpu.memory_space<vmem>>
      %dma_start3A_280 = arith.constant 0 : i32
      %dma_start3A_281 = arith.constant 0 : i32
      %dma_start3A_282 = tpu.memref_slice %arg11[%dma_start3A_280, %dma_start3A_281] : memref<10048x72xf32, #tpu.memory_space<vmem_shared>> -> memref<10048x72xf32, #tpu.memory_space<vmem_shared>>
      tpu.enqueue_indirect_dma source(%dma_start3A_276 : memref<128x72xf32, #tpu.memory_space<vmem>>) target(%dma_start3A_282 : memref<10048x72xf32, #tpu.memory_space<vmem_shared>>) offsets(%dma_start3A_279 : memref<128xi32, #tpu.memory_space<vmem>>) semaphore(%arg16 : memref<!tpu.dma_semaphore, #tpu.memory_space<semaphore_mem>>) {add = true}
      %add3A_283 = arith.constant 0 : i32
      %add3A_284 = arith.addi %mul3A_230, %add3A_283 : i32
      %dma_wait3A_285 = arith.constant 0 : i32
      %dma_wait3A_286 = arith.constant 0 : i32
      %dma_wait3A_287 = arith.constant 0 : i32
      %dma_wait3A_288 = tpu.memref_slice %arg9[%dma_wait3A_285, %dma_wait3A_286, %dma_wait3A_287] : memref<2x128x72xf32, #tpu.memory_space<vmem>> -> memref<1x128x72xf32, #tpu.memory_space<vmem>>
      %dma_wait3A_289 = tpu.memref_squeeze %dma_wait3A_288 : memref<1x128x72xf32, #tpu.memory_space<vmem>> -> memref<128x72xf32, #tpu.memory_space<vmem>>
      %dma_wait3A_290 = arith.constant 0 : i32
      %dma_wait3A_291 = tpu.memref_slice %arg8[%add3A_284, %dma_wait3A_290] : memref<80x128xi32, #tpu.memory_space<vmem>> -> memref<1x128xi32, #tpu.memory_space<vmem>>
      %dma_wait3A_292 = tpu.memref_squeeze %dma_wait3A_291 : memref<1x128xi32, #tpu.memory_space<vmem>> -> memref<128xi32, #tpu.memory_space<vmem>>
      %dma_wait3A_293 = arith.constant 0 : i32
      %dma_wait3A_294 = arith.constant 0 : i32
      %dma_wait3A_295 = tpu.memref_slice %arg11[%dma_wait3A_293, %dma_wait3A_294] : memref<10048x72xf32, #tpu.memory_space<vmem_shared>> -> memref<10048x72xf32, #tpu.memory_space<vmem_shared>>
      tpu.wait_indirect_dma semaphore(%arg15 : memref<!tpu.dma_semaphore, #tpu.memory_space<semaphore_mem>>) src(%dma_wait3A_289 : memref<128x72xf32, #tpu.memory_space<vmem>>) dst(%dma_wait3A_295 : memref<10048x72xf32, #tpu.memory_space<vmem_shared>>)
      %add3A_296 = arith.constant 2 : i32
      %add3A_297 = arith.addi %mul3A_230, %add3A_296 : i32
      %add3A_298 = arith.constant 0 : i32
      %add3A_299 = arith.addi %add3A_297, %add3A_298 : i32
      %dma_start3A_300 = arith.constant 0 : i32
      %dma_start3A_301 = arith.constant 0 : i32
      %dma_start3A_302 = arith.constant 0 : i32
      %dma_start3A_303 = tpu.memref_slice %arg9[%dma_start3A_300, %dma_start3A_301, %dma_start3A_302] : memref<2x128x72xf32, #tpu.memory_space<vmem>> -> memref<1x128x72xf32, #tpu.memory_space<vmem>>
      %dma_start3A_304 = tpu.memref_squeeze %dma_start3A_303 : memref<1x128x72xf32, #tpu.memory_space<vmem>> -> memref<128x72xf32, #tpu.memory_space<vmem>>
      %dma_start3A_305 = arith.constant 0 : i32
      %dma_start3A_306 = tpu.memref_slice %arg7[%add3A_299, %dma_start3A_305] : memref<80x128xi32, #tpu.memory_space<vmem>> -> memref<1x128xi32, #tpu.memory_space<vmem>>
      %dma_start3A_307 = tpu.memref_squeeze %dma_start3A_306 : memref<1x128xi32, #tpu.memory_space<vmem>> -> memref<128xi32, #tpu.memory_space<vmem>>
      %dma_start3A_308 = arith.constant 0 : i32
      %dma_start3A_309 = arith.constant 0 : i32
      %dma_start3A_310 = tpu.memref_slice %arg10[%dma_start3A_308, %dma_start3A_309] : memref<10048x72xf32, #tpu.memory_space<vmem_shared>> -> memref<10048x72xf32, #tpu.memory_space<vmem_shared>>
      tpu.enqueue_indirect_dma source(%dma_start3A_310 : memref<10048x72xf32, #tpu.memory_space<vmem_shared>>) target(%dma_start3A_304 : memref<128x72xf32, #tpu.memory_space<vmem>>) offsets(%dma_start3A_307 : memref<128xi32, #tpu.memory_space<vmem>>) semaphore(%arg13 : memref<!tpu.dma_semaphore, #tpu.memory_space<semaphore_mem>>)
      %add3A_311 = arith.constant 1 : i32
      %add3A_312 = arith.addi %mul3A_230, %add3A_311 : i32
      %dma_wait3A_313 = arith.constant 1 : i32
      %dma_wait3A_314 = arith.constant 0 : i32
      %dma_wait3A_315 = arith.constant 0 : i32
      %dma_wait3A_316 = tpu.memref_slice %arg9[%dma_wait3A_313, %dma_wait3A_314, %dma_wait3A_315] : memref<2x128x72xf32, #tpu.memory_space<vmem>> -> memref<1x128x72xf32, #tpu.memory_space<vmem>>
      %dma_wait3A_317 = tpu.memref_squeeze %dma_wait3A_316 : memref<1x128x72xf32, #tpu.memory_space<vmem>> -> memref<128x72xf32, #tpu.memory_space<vmem>>
      %dma_wait3A_318 = arith.constant 0 : i32
      %dma_wait3A_319 = tpu.memref_slice %arg8[%add3A_312, %dma_wait3A_318] : memref<80x128xi32, #tpu.memory_space<vmem>> -> memref<1x128xi32, #tpu.memory_space<vmem>>
      %dma_wait3A_320 = tpu.memref_squeeze %dma_wait3A_319 : memref<1x128xi32, #tpu.memory_space<vmem>> -> memref<128xi32, #tpu.memory_space<vmem>>
      %dma_wait3A_321 = arith.constant 0 : i32
      %dma_wait3A_322 = arith.constant 0 : i32
      %dma_wait3A_323 = tpu.memref_slice %arg11[%dma_wait3A_321, %dma_wait3A_322] : memref<10048x72xf32, #tpu.memory_space<vmem_shared>> -> memref<10048x72xf32, #tpu.memory_space<vmem_shared>>
      tpu.wait_indirect_dma semaphore(%arg16 : memref<!tpu.dma_semaphore, #tpu.memory_space<semaphore_mem>>) src(%dma_wait3A_317 : memref<128x72xf32, #tpu.memory_space<vmem>>) dst(%dma_wait3A_323 : memref<10048x72xf32, #tpu.memory_space<vmem_shared>>)
      %add3A_324 = arith.constant 2 : i32
      %add3A_325 = arith.addi %mul3A_230, %add3A_324 : i32
      %add3A_326 = arith.constant 1 : i32
      %add3A_327 = arith.addi %add3A_325, %add3A_326 : i32
      %dma_start3A_328 = arith.constant 1 : i32
      %dma_start3A_329 = arith.constant 0 : i32
      %dma_start3A_330 = arith.constant 0 : i32
      %dma_start3A_331 = tpu.memref_slice %arg9[%dma_start3A_328, %dma_start3A_329, %dma_start3A_330] : memref<2x128x72xf32, #tpu.memory_space<vmem>> -> memref<1x128x72xf32, #tpu.memory_space<vmem>>
      %dma_start3A_332 = tpu.memref_squeeze %dma_start3A_331 : memref<1x128x72xf32, #tpu.memory_space<vmem>> -> memref<128x72xf32, #tpu.memory_space<vmem>>
      %dma_start3A_333 = arith.constant 0 : i32
      %dma_start3A_334 = tpu.memref_slice %arg7[%add3A_327, %dma_start3A_333] : memref<80x128xi32, #tpu.memory_space<vmem>> -> memref<1x128xi32, #tpu.memory_space<vmem>>
      %dma_start3A_335 = tpu.memref_squeeze %dma_start3A_334 : memref<1x128xi32, #tpu.memory_space<vmem>> -> memref<128xi32, #tpu.memory_space<vmem>>
      %dma_start3A_336 = arith.constant 0 : i32
      %dma_start3A_337 = arith.constant 0 : i32
      %dma_start3A_338 = tpu.memref_slice %arg10[%dma_start3A_336, %dma_start3A_337] : memref<10048x72xf32, #tpu.memory_space<vmem_shared>> -> memref<10048x72xf32, #tpu.memory_space<vmem_shared>>
      tpu.enqueue_indirect_dma source(%dma_start3A_338 : memref<10048x72xf32, #tpu.memory_space<vmem_shared>>) target(%dma_start3A_332 : memref<128x72xf32, #tpu.memory_space<vmem>>) offsets(%dma_start3A_335 : memref<128xi32, #tpu.memory_space<vmem>>) semaphore(%arg14 : memref<!tpu.dma_semaphore, #tpu.memory_space<semaphore_mem>>)
    }
    %scan3A_46 = arith.constant 39 : i32
    %dma_wait3A_47 = arith.constant 78 : i32
    %dma_wait3A_48 = arith.constant 0 : i32
    %dma_wait3A_49 = arith.constant 0 : i32
    %dma_wait3A_50 = arith.constant 0 : i32
    %dma_wait3A_51 = tpu.memref_slice %arg9[%dma_wait3A_48, %dma_wait3A_49, %dma_wait3A_50] : memref<2x128x72xf32, #tpu.memory_space<vmem>> -> memref<1x128x72xf32, #tpu.memory_space<vmem>>
    %dma_wait3A_52 = tpu.memref_squeeze %dma_wait3A_51 : memref<1x128x72xf32, #tpu.memory_space<vmem>> -> memref<128x72xf32, #tpu.memory_space<vmem>>
    %dma_wait3A_53 = arith.constant 0 : i32
    %dma_wait3A_54 = tpu.memref_slice %arg7[%dma_wait3A_47, %dma_wait3A_53] : memref<80x128xi32, #tpu.memory_space<vmem>> -> memref<1x128xi32, #tpu.memory_space<vmem>>
    %dma_wait3A_55 = tpu.memref_squeeze %dma_wait3A_54 : memref<1x128xi32, #tpu.memory_space<vmem>> -> memref<128xi32, #tpu.memory_space<vmem>>
    %dma_wait3A_56 = arith.constant 0 : i32
    %dma_wait3A_57 = arith.constant 0 : i32
    %dma_wait3A_58 = tpu.memref_slice %arg10[%dma_wait3A_56, %dma_wait3A_57] : memref<10048x72xf32, #tpu.memory_space<vmem_shared>> -> memref<10048x72xf32, #tpu.memory_space<vmem_shared>>
    tpu.wait_indirect_dma semaphore(%arg13 : memref<!tpu.dma_semaphore, #tpu.memory_space<semaphore_mem>>) src(%dma_wait3A_58 : memref<10048x72xf32, #tpu.memory_space<vmem_shared>>) dst(%dma_wait3A_52 : memref<128x72xf32, #tpu.memory_space<vmem>>)
    %dma_start3A_59 = arith.constant 0 : i32
    %dma_start3A_60 = arith.constant 78 : i32
    %dma_start3A_61 = arith.constant 0 : i32
    %dma_start3A_62 = arith.constant 0 : i32
    %dma_start3A_63 = tpu.memref_slice %arg9[%dma_start3A_59, %dma_start3A_61, %dma_start3A_62] : memref<2x128x72xf32, #tpu.memory_space<vmem>> -> memref<1x128x72xf32, #tpu.memory_space<vmem>>
    %dma_start3A_64 = tpu.memref_squeeze %dma_start3A_63 : memref<1x128x72xf32, #tpu.memory_space<vmem>> -> memref<128x72xf32, #tpu.memory_space<vmem>>
    %dma_start3A_65 = arith.constant 0 : i32
    %dma_start3A_66 = tpu.memref_slice %arg8[%dma_start3A_60, %dma_start3A_65] : memref<80x128xi32, #tpu.memory_space<vmem>> -> memref<1x128xi32, #tpu.memory_space<vmem>>
    %dma_start3A_67 = tpu.memref_squeeze %dma_start3A_66 : memref<1x128xi32, #tpu.memory_space<vmem>> -> memref<128xi32, #tpu.memory_space<vmem>>
    %dma_start3A_68 = arith.constant 0 : i32
    %dma_start3A_69 = arith.constant 0 : i32
    %dma_start3A_70 = tpu.memref_slice %arg11[%dma_start3A_68, %dma_start3A_69] : memref<10048x72xf32, #tpu.memory_space<vmem_shared>> -> memref<10048x72xf32, #tpu.memory_space<vmem_shared>>
    tpu.enqueue_indirect_dma source(%dma_start3A_64 : memref<128x72xf32, #tpu.memory_space<vmem>>) target(%dma_start3A_70 : memref<10048x72xf32, #tpu.memory_space<vmem_shared>>) offsets(%dma_start3A_67 : memref<128xi32, #tpu.memory_space<vmem>>) semaphore(%arg15 : memref<!tpu.dma_semaphore, #tpu.memory_space<semaphore_mem>>) {add = true}
    %dma_wait3A_71 = arith.constant 79 : i32
    %dma_wait3A_72 = arith.constant 1 : i32
    %dma_wait3A_73 = arith.constant 0 : i32
    %dma_wait3A_74 = arith.constant 0 : i32
    %dma_wait3A_75 = tpu.memref_slice %arg9[%dma_wait3A_72, %dma_wait3A_73, %dma_wait3A_74] : memref<2x128x72xf32, #tpu.memory_space<vmem>> -> memref<1x128x72xf32, #tpu.memory_space<vmem>>
    %dma_wait3A_76 = tpu.memref_squeeze %dma_wait3A_75 : memref<1x128x72xf32, #tpu.memory_space<vmem>> -> memref<128x72xf32, #tpu.memory_space<vmem>>
    %dma_wait3A_77 = arith.constant 0 : i32
    %dma_wait3A_78 = tpu.memref_slice %arg7[%dma_wait3A_71, %dma_wait3A_77] : memref<80x128xi32, #tpu.memory_space<vmem>> -> memref<1x128xi32, #tpu.memory_space<vmem>>
    %dma_wait3A_79 = tpu.memref_squeeze %dma_wait3A_78 : memref<1x128xi32, #tpu.memory_space<vmem>> -> memref<128xi32, #tpu.memory_space<vmem>>
    %dma_wait3A_80 = arith.constant 0 : i32
    %dma_wait3A_81 = arith.constant 0 : i32
    %dma_wait3A_82 = tpu.memref_slice %arg10[%dma_wait3A_80, %dma_wait3A_81] : memref<10048x72xf32, #tpu.memory_space<vmem_shared>> -> memref<10048x72xf32, #tpu.memory_space<vmem_shared>>
    tpu.wait_indirect_dma semaphore(%arg14 : memref<!tpu.dma_semaphore, #tpu.memory_space<semaphore_mem>>) src(%dma_wait3A_82 : memref<10048x72xf32, #tpu.memory_space<vmem_shared>>) dst(%dma_wait3A_76 : memref<128x72xf32, #tpu.memory_space<vmem>>)
    %dma_start3A_83 = arith.constant 1 : i32
    %dma_start3A_84 = arith.constant 79 : i32
    %dma_start3A_85 = arith.constant 0 : i32
    %dma_start3A_86 = arith.constant 0 : i32
    %dma_start3A_87 = tpu.memref_slice %arg9[%dma_start3A_83, %dma_start3A_85, %dma_start3A_86] : memref<2x128x72xf32, #tpu.memory_space<vmem>> -> memref<1x128x72xf32, #tpu.memory_space<vmem>>
    %dma_start3A_88 = tpu.memref_squeeze %dma_start3A_87 : memref<1x128x72xf32, #tpu.memory_space<vmem>> -> memref<128x72xf32, #tpu.memory_space<vmem>>
    %dma_start3A_89 = arith.constant 0 : i32
    %dma_start3A_90 = tpu.memref_slice %arg8[%dma_start3A_84, %dma_start3A_89] : memref<80x128xi32, #tpu.memory_space<vmem>> -> memref<1x128xi32, #tpu.memory_space<vmem>>
    %dma_start3A_91 = tpu.memref_squeeze %dma_start3A_90 : memref<1x128xi32, #tpu.memory_space<vmem>> -> memref<128xi32, #tpu.memory_space<vmem>>
    %dma_start3A_92 = arith.constant 0 : i32
    %dma_start3A_93 = arith.constant 0 : i32
    %dma_start3A_94 = tpu.memref_slice %arg11[%dma_start3A_92, %dma_start3A_93] : memref<10048x72xf32, #tpu.memory_space<vmem_shared>> -> memref<10048x72xf32, #tpu.memory_space<vmem_shared>>
    tpu.enqueue_indirect_dma source(%dma_start3A_88 : memref<128x72xf32, #tpu.memory_space<vmem>>) target(%dma_start3A_94 : memref<10048x72xf32, #tpu.memory_space<vmem_shared>>) offsets(%dma_start3A_91 : memref<128xi32, #tpu.memory_space<vmem>>) semaphore(%arg16 : memref<!tpu.dma_semaphore, #tpu.memory_space<semaphore_mem>>) {add = true}
    %dma_wait3A_95 = arith.constant 0 : i32
    %dma_wait3A_96 = arith.constant 78 : i32
    %dma_wait3A_97 = arith.constant 0 : i32
    %dma_wait3A_98 = arith.constant 0 : i32
    %dma_wait3A_99 = tpu.memref_slice %arg9[%dma_wait3A_95, %dma_wait3A_97, %dma_wait3A_98] : memref<2x128x72xf32, #tpu.memory_space<vmem>> -> memref<1x128x72xf32, #tpu.memory_space<vmem>>
    %dma_wait3A_100 = tpu.memref_squeeze %dma_wait3A_99 : memref<1x128x72xf32, #tpu.memory_space<vmem>> -> memref<128x72xf32, #tpu.memory_space<vmem>>
    %dma_wait3A_101 = arith.constant 0 : i32
    %dma_wait3A_102 = tpu.memref_slice %arg8[%dma_wait3A_96, %dma_wait3A_101] : memref<80x128xi32, #tpu.memory_space<vmem>> -> memref<1x128xi32, #tpu.memory_space<vmem>>
    %dma_wait3A_103 = tpu.memref_squeeze %dma_wait3A_102 : memref<1x128xi32, #tpu.memory_space<vmem>> -> memref<128xi32, #tpu.memory_space<vmem>>
    %dma_wait3A_104 = arith.constant 0 : i32
    %dma_wait3A_105 = arith.constant 0 : i32
    %dma_wait3A_106 = tpu.memref_slice %arg11[%dma_wait3A_104, %dma_wait3A_105] : memref<10048x72xf32, #tpu.memory_space<vmem_shared>> -> memref<10048x72xf32, #tpu.memory_space<vmem_shared>>
    tpu.wait_indirect_dma semaphore(%arg15 : memref<!tpu.dma_semaphore, #tpu.memory_space<semaphore_mem>>) src(%dma_wait3A_100 : memref<128x72xf32, #tpu.memory_space<vmem>>) dst(%dma_wait3A_106 : memref<10048x72xf32, #tpu.memory_space<vmem_shared>>)
    %dma_wait3A_107 = arith.constant 1 : i32
    %dma_wait3A_108 = arith.constant 79 : i32
    %dma_wait3A_109 = arith.constant 0 : i32
    %dma_wait3A_110 = arith.constant 0 : i32
    %dma_wait3A_111 = tpu.memref_slice %arg9[%dma_wait3A_107, %dma_wait3A_109, %dma_wait3A_110] : memref<2x128x72xf32, #tpu.memory_space<vmem>> -> memref<1x128x72xf32, #tpu.memory_space<vmem>>
    %dma_wait3A_112 = tpu.memref_squeeze %dma_wait3A_111 : memref<1x128x72xf32, #tpu.memory_space<vmem>> -> memref<128x72xf32, #tpu.memory_space<vmem>>
    %dma_wait3A_113 = arith.constant 0 : i32
    %dma_wait3A_114 = tpu.memref_slice %arg8[%dma_wait3A_108, %dma_wait3A_113] : memref<80x128xi32, #tpu.memory_space<vmem>> -> memref<1x128xi32, #tpu.memory_space<vmem>>
    %dma_wait3A_115 = tpu.memref_squeeze %dma_wait3A_114 : memref<1x128xi32, #tpu.memory_space<vmem>> -> memref<128xi32, #tpu.memory_space<vmem>>
    %dma_wait3A_116 = arith.constant 0 : i32
    %dma_wait3A_117 = arith.constant 0 : i32
    %dma_wait3A_118 = tpu.memref_slice %arg11[%dma_wait3A_116, %dma_wait3A_117] : memref<10048x72xf32, #tpu.memory_space<vmem_shared>> -> memref<10048x72xf32, #tpu.memory_space<vmem_shared>>
    tpu.wait_indirect_dma semaphore(%arg16 : memref<!tpu.dma_semaphore, #tpu.memory_space<semaphore_mem>>) src(%dma_wait3A_112 : memref<128x72xf32, #tpu.memory_space<vmem>>) dst(%dma_wait3A_118 : memref<10048x72xf32, #tpu.memory_space<vmem_shared>>)
    %mul3A_119 = arith.constant 160 : i32
    %mul3A_120 = arith.muli %arg1, %mul3A_119 : i32
    %add3A = arith.constant 80 : i32
    %add3A_121 = arith.addi %mul3A_120, %add3A : i32
    "tpu.region"() ({
      %run_scoped3A = tpu.sem_alloc : memref<!tpu.dma_semaphore, #tpu.memory_space<semaphore_mem>>
      %dma_start3A_228 = arith.constant 0 : i32
      %dma_start3A_229 = tpu.memref_slice %arg3[%add3A_121, %dma_start3A_228] : memref<2560x128xi32, #tpu.memory_space<hbm>> -> memref<80x128xi32, #tpu.memory_space<hbm>>
      %dma_start3A_230 = arith.constant 0 : i32
      %dma_start3A_231 = tpu.memref_slice %arg3[%add3A_121, %dma_start3A_230] : memref<2560x128xi32, #tpu.memory_space<hbm>> -> memref<80x128xi32, #tpu.memory_space<hbm>>
      tpu.enqueue_dma source(%dma_start3A_231 : memref<80x128xi32, #tpu.memory_space<hbm>>) target(%arg7 : memref<80x128xi32, #tpu.memory_space<vmem>>) target_semaphore(%run_scoped3A : memref<!tpu.dma_semaphore, #tpu.memory_space<semaphore_mem>>)
      %dma_wait3A_232 = arith.constant 0 : i32
      %dma_wait3A_233 = tpu.memref_slice %arg3[%add3A_121, %dma_wait3A_232] : memref<2560x128xi32, #tpu.memory_space<hbm>> -> memref<80x128xi32, #tpu.memory_space<hbm>>
      %dma_wait3A_234 = arith.constant 0 : i32
      %dma_wait3A_235 = tpu.memref_slice %arg3[%add3A_121, %dma_wait3A_234] : memref<2560x128xi32, #tpu.memory_space<hbm>> -> memref<80x128xi32, #tpu.memory_space<hbm>>
      tpu.wait_dma2 semaphore(%run_scoped3A : memref<!tpu.dma_semaphore, #tpu.memory_space<semaphore_mem>>) src(%dma_wait3A_235 : memref<80x128xi32, #tpu.memory_space<hbm>>) dst(%arg7 : memref<80x128xi32, #tpu.memory_space<vmem>>)
      tpu.yield
    }) : () -> ()
    %mul3A_122 = arith.constant 160 : i32
    %mul3A_123 = arith.muli %arg1, %mul3A_122 : i32
    %add3A_124 = arith.constant 80 : i32
    %add3A_125 = arith.addi %mul3A_123, %add3A_124 : i32
    "tpu.region"() ({
      %run_scoped3A = tpu.sem_alloc : memref<!tpu.dma_semaphore, #tpu.memory_space<semaphore_mem>>
      %dma_start3A_228 = arith.constant 0 : i32
      %dma_start3A_229 = tpu.memref_slice %arg4[%add3A_125, %dma_start3A_228] : memref<2560x128xi32, #tpu.memory_space<hbm>> -> memref<80x128xi32, #tpu.memory_space<hbm>>
      %dma_start3A_230 = arith.constant 0 : i32
      %dma_start3A_231 = tpu.memref_slice %arg4[%add3A_125, %dma_start3A_230] : memref<2560x128xi32, #tpu.memory_space<hbm>> -> memref<80x128xi32, #tpu.memory_space<hbm>>
      tpu.enqueue_dma source(%dma_start3A_231 : memref<80x128xi32, #tpu.memory_space<hbm>>) target(%arg8 : memref<80x128xi32, #tpu.memory_space<vmem>>) target_semaphore(%run_scoped3A : memref<!tpu.dma_semaphore, #tpu.memory_space<semaphore_mem>>)
      %dma_wait3A_232 = arith.constant 0 : i32
      %dma_wait3A_233 = tpu.memref_slice %arg4[%add3A_125, %dma_wait3A_232] : memref<2560x128xi32, #tpu.memory_space<hbm>> -> memref<80x128xi32, #tpu.memory_space<hbm>>
      %dma_wait3A_234 = arith.constant 0 : i32
      %dma_wait3A_235 = tpu.memref_slice %arg4[%add3A_125, %dma_wait3A_234] : memref<2560x128xi32, #tpu.memory_space<hbm>> -> memref<80x128xi32, #tpu.memory_space<hbm>>
      tpu.wait_dma2 semaphore(%run_scoped3A : memref<!tpu.dma_semaphore, #tpu.memory_space<semaphore_mem>>) src(%dma_wait3A_235 : memref<80x128xi32, #tpu.memory_space<hbm>>) dst(%arg8 : memref<80x128xi32, #tpu.memory_space<vmem>>)
      tpu.yield
    }) : () -> ()
    %dma_start3A_126 = arith.constant 0 : i32
    %dma_start3A_127 = arith.constant 0 : i32
    %dma_start3A_128 = arith.constant 0 : i32
    %dma_start3A_129 = arith.constant 0 : i32
    %dma_start3A_130 = tpu.memref_slice %arg9[%dma_start3A_127, %dma_start3A_128, %dma_start3A_129] : memref<2x128x72xf32, #tpu.memory_space<vmem>> -> memref<1x128x72xf32, #tpu.memory_space<vmem>>
    %dma_start3A_131 = tpu.memref_squeeze %dma_start3A_130 : memref<1x128x72xf32, #tpu.memory_space<vmem>> -> memref<128x72xf32, #tpu.memory_space<vmem>>
    %dma_start3A_132 = arith.constant 0 : i32
    %dma_start3A_133 = tpu.memref_slice %arg7[%dma_start3A_126, %dma_start3A_132] : memref<80x128xi32, #tpu.memory_space<vmem>> -> memref<1x128xi32, #tpu.memory_space<vmem>>
    %dma_start3A_134 = tpu.memref_squeeze %dma_start3A_133 : memref<1x128xi32, #tpu.memory_space<vmem>> -> memref<128xi32, #tpu.memory_space<vmem>>
    %dma_start3A_135 = arith.constant 0 : i32
    %dma_start3A_136 = arith.constant 0 : i32
    %dma_start3A_137 = tpu.memref_slice %arg10[%dma_start3A_135, %dma_start3A_136] : memref<10048x72xf32, #tpu.memory_space<vmem_shared>> -> memref<10048x72xf32, #tpu.memory_space<vmem_shared>>
    tpu.enqueue_indirect_dma source(%dma_start3A_137 : memref<10048x72xf32, #tpu.memory_space<vmem_shared>>) target(%dma_start3A_131 : memref<128x72xf32, #tpu.memory_space<vmem>>) offsets(%dma_start3A_134 : memref<128xi32, #tpu.memory_space<vmem>>) semaphore(%arg13 : memref<!tpu.dma_semaphore, #tpu.memory_space<semaphore_mem>>)
    %dma_start3A_138 = arith.constant 1 : i32
    %dma_start3A_139 = arith.constant 1 : i32
    %dma_start3A_140 = arith.constant 0 : i32
    %dma_start3A_141 = arith.constant 0 : i32
    %dma_start3A_142 = tpu.memref_slice %arg9[%dma_start3A_139, %dma_start3A_140, %dma_start3A_141] : memref<2x128x72xf32, #tpu.memory_space<vmem>> -> memref<1x128x72xf32, #tpu.memory_space<vmem>>
    %dma_start3A_143 = tpu.memref_squeeze %dma_start3A_142 : memref<1x128x72xf32, #tpu.memory_space<vmem>> -> memref<128x72xf32, #tpu.memory_space<vmem>>
    %dma_start3A_144 = arith.constant 0 : i32
    %dma_start3A_145 = tpu.memref_slice %arg7[%dma_start3A_138, %dma_start3A_144] : memref<80x128xi32, #tpu.memory_space<vmem>> -> memref<1x128xi32, #tpu.memory_space<vmem>>
    %dma_start3A_146 = tpu.memref_squeeze %dma_start3A_145 : memref<1x128xi32, #tpu.memory_space<vmem>> -> memref<128xi32, #tpu.memory_space<vmem>>
    %dma_start3A_147 = arith.constant 0 : i32
    %dma_start3A_148 = arith.constant 0 : i32
    %dma_start3A_149 = tpu.memref_slice %arg10[%dma_start3A_147, %dma_start3A_148] : memref<10048x72xf32, #tpu.memory_space<vmem_shared>> -> memref<10048x72xf32, #tpu.memory_space<vmem_shared>>
    tpu.enqueue_indirect_dma source(%dma_start3A_149 : memref<10048x72xf32, #tpu.memory_space<vmem_shared>>) target(%dma_start3A_143 : memref<128x72xf32, #tpu.memory_space<vmem>>) offsets(%dma_start3A_146 : memref<128xi32, #tpu.memory_space<vmem>>) semaphore(%arg14 : memref<!tpu.dma_semaphore, #tpu.memory_space<semaphore_mem>>)
    %scan3A_150 = arith.constant 0 : i32
    %scan3A_151 = arith.constant 39 : i32
    %scan3A_152 = arith.addi %scan3A_150, %scan3A_151 : i32
    %scan3A_153 = arith.constant 1 : i32
    scf.for %scan3A_228 = %scan3A_150 to %scan3A_152 step %scan3A_153  : i32 {
      %mul3A_229 = arith.constant 2 : i32
      %mul3A_230 = arith.muli %scan3A_228, %mul3A_229 : i32
      %add3A_231 = arith.constant 0 : i32
      %add3A_232 = arith.addi %mul3A_230, %add3A_231 : i32
      %dma_wait3A_233 = arith.constant 0 : i32
      %dma_wait3A_234 = arith.constant 0 : i32
      %dma_wait3A_235 = arith.constant 0 : i32
      %dma_wait3A_236 = tpu.memref_slice %arg9[%dma_wait3A_233, %dma_wait3A_234, %dma_wait3A_235] : memref<2x128x72xf32, #tpu.memory_space<vmem>> -> memref<1x128x72xf32, #tpu.memory_space<vmem>>
      %dma_wait3A_237 = tpu.memref_squeeze %dma_wait3A_236 : memref<1x128x72xf32, #tpu.memory_space<vmem>> -> memref<128x72xf32, #tpu.memory_space<vmem>>
      %dma_wait3A_238 = arith.constant 0 : i32
      %dma_wait3A_239 = tpu.memref_slice %arg7[%add3A_232, %dma_wait3A_238] : memref<80x128xi32, #tpu.memory_space<vmem>> -> memref<1x128xi32, #tpu.memory_space<vmem>>
      %dma_wait3A_240 = tpu.memref_squeeze %dma_wait3A_239 : memref<1x128xi32, #tpu.memory_space<vmem>> -> memref<128xi32, #tpu.memory_space<vmem>>
      %dma_wait3A_241 = arith.constant 0 : i32
      %dma_wait3A_242 = arith.constant 0 : i32
      %dma_wait3A_243 = tpu.memref_slice %arg10[%dma_wait3A_241, %dma_wait3A_242] : memref<10048x72xf32, #tpu.memory_space<vmem_shared>> -> memref<10048x72xf32, #tpu.memory_space<vmem_shared>>
      tpu.wait_indirect_dma semaphore(%arg13 : memref<!tpu.dma_semaphore, #tpu.memory_space<semaphore_mem>>) src(%dma_wait3A_243 : memref<10048x72xf32, #tpu.memory_space<vmem_shared>>) dst(%dma_wait3A_237 : memref<128x72xf32, #tpu.memory_space<vmem>>)
      %add3A_244 = arith.constant 0 : i32
      %add3A_245 = arith.addi %mul3A_230, %add3A_244 : i32
      %dma_start3A_246 = arith.constant 0 : i32
      %dma_start3A_247 = arith.constant 0 : i32
      %dma_start3A_248 = arith.constant 0 : i32
      %dma_start3A_249 = tpu.memref_slice %arg9[%dma_start3A_246, %dma_start3A_247, %dma_start3A_248] : memref<2x128x72xf32, #tpu.memory_space<vmem>> -> memref<1x128x72xf32, #tpu.memory_space<vmem>>
      %dma_start3A_250 = tpu.memref_squeeze %dma_start3A_249 : memref<1x128x72xf32, #tpu.memory_space<vmem>> -> memref<128x72xf32, #tpu.memory_space<vmem>>
      %dma_start3A_251 = arith.constant 0 : i32
      %dma_start3A_252 = tpu.memref_slice %arg8[%add3A_245, %dma_start3A_251] : memref<80x128xi32, #tpu.memory_space<vmem>> -> memref<1x128xi32, #tpu.memory_space<vmem>>
      %dma_start3A_253 = tpu.memref_squeeze %dma_start3A_252 : memref<1x128xi32, #tpu.memory_space<vmem>> -> memref<128xi32, #tpu.memory_space<vmem>>
      %dma_start3A_254 = arith.constant 0 : i32
      %dma_start3A_255 = arith.constant 0 : i32
      %dma_start3A_256 = tpu.memref_slice %arg11[%dma_start3A_254, %dma_start3A_255] : memref<10048x72xf32, #tpu.memory_space<vmem_shared>> -> memref<10048x72xf32, #tpu.memory_space<vmem_shared>>
      tpu.enqueue_indirect_dma source(%dma_start3A_250 : memref<128x72xf32, #tpu.memory_space<vmem>>) target(%dma_start3A_256 : memref<10048x72xf32, #tpu.memory_space<vmem_shared>>) offsets(%dma_start3A_253 : memref<128xi32, #tpu.memory_space<vmem>>) semaphore(%arg15 : memref<!tpu.dma_semaphore, #tpu.memory_space<semaphore_mem>>) {add = true}
      %add3A_257 = arith.constant 1 : i32
      %add3A_258 = arith.addi %mul3A_230, %add3A_257 : i32
      %dma_wait3A_259 = arith.constant 1 : i32
      %dma_wait3A_260 = arith.constant 0 : i32
      %dma_wait3A_261 = arith.constant 0 : i32
      %dma_wait3A_262 = tpu.memref_slice %arg9[%dma_wait3A_259, %dma_wait3A_260, %dma_wait3A_261] : memref<2x128x72xf32, #tpu.memory_space<vmem>> -> memref<1x128x72xf32, #tpu.memory_space<vmem>>
      %dma_wait3A_263 = tpu.memref_squeeze %dma_wait3A_262 : memref<1x128x72xf32, #tpu.memory_space<vmem>> -> memref<128x72xf32, #tpu.memory_space<vmem>>
      %dma_wait3A_264 = arith.constant 0 : i32
      %dma_wait3A_265 = tpu.memref_slice %arg7[%add3A_258, %dma_wait3A_264] : memref<80x128xi32, #tpu.memory_space<vmem>> -> memref<1x128xi32, #tpu.memory_space<vmem>>
      %dma_wait3A_266 = tpu.memref_squeeze %dma_wait3A_265 : memref<1x128xi32, #tpu.memory_space<vmem>> -> memref<128xi32, #tpu.memory_space<vmem>>
      %dma_wait3A_267 = arith.constant 0 : i32
      %dma_wait3A_268 = arith.constant 0 : i32
      %dma_wait3A_269 = tpu.memref_slice %arg10[%dma_wait3A_267, %dma_wait3A_268] : memref<10048x72xf32, #tpu.memory_space<vmem_shared>> -> memref<10048x72xf32, #tpu.memory_space<vmem_shared>>
      tpu.wait_indirect_dma semaphore(%arg14 : memref<!tpu.dma_semaphore, #tpu.memory_space<semaphore_mem>>) src(%dma_wait3A_269 : memref<10048x72xf32, #tpu.memory_space<vmem_shared>>) dst(%dma_wait3A_263 : memref<128x72xf32, #tpu.memory_space<vmem>>)
      %add3A_270 = arith.constant 1 : i32
      %add3A_271 = arith.addi %mul3A_230, %add3A_270 : i32
      %dma_start3A_272 = arith.constant 1 : i32
      %dma_start3A_273 = arith.constant 0 : i32
      %dma_start3A_274 = arith.constant 0 : i32
      %dma_start3A_275 = tpu.memref_slice %arg9[%dma_start3A_272, %dma_start3A_273, %dma_start3A_274] : memref<2x128x72xf32, #tpu.memory_space<vmem>> -> memref<1x128x72xf32, #tpu.memory_space<vmem>>
      %dma_start3A_276 = tpu.memref_squeeze %dma_start3A_275 : memref<1x128x72xf32, #tpu.memory_space<vmem>> -> memref<128x72xf32, #tpu.memory_space<vmem>>
      %dma_start3A_277 = arith.constant 0 : i32
      %dma_start3A_278 = tpu.memref_slice %arg8[%add3A_271, %dma_start3A_277] : memref<80x128xi32, #tpu.memory_space<vmem>> -> memref<1x128xi32, #tpu.memory_space<vmem>>
      %dma_start3A_279 = tpu.memref_squeeze %dma_start3A_278 : memref<1x128xi32, #tpu.memory_space<vmem>> -> memref<128xi32, #tpu.memory_space<vmem>>
      %dma_start3A_280 = arith.constant 0 : i32
      %dma_start3A_281 = arith.constant 0 : i32
      %dma_start3A_282 = tpu.memref_slice %arg11[%dma_start3A_280, %dma_start3A_281] : memref<10048x72xf32, #tpu.memory_space<vmem_shared>> -> memref<10048x72xf32, #tpu.memory_space<vmem_shared>>
      tpu.enqueue_indirect_dma source(%dma_start3A_276 : memref<128x72xf32, #tpu.memory_space<vmem>>) target(%dma_start3A_282 : memref<10048x72xf32, #tpu.memory_space<vmem_shared>>) offsets(%dma_start3A_279 : memref<128xi32, #tpu.memory_space<vmem>>) semaphore(%arg16 : memref<!tpu.dma_semaphore, #tpu.memory_space<semaphore_mem>>) {add = true}
      %add3A_283 = arith.constant 0 : i32
      %add3A_284 = arith.addi %mul3A_230, %add3A_283 : i32
      %dma_wait3A_285 = arith.constant 0 : i32
      %dma_wait3A_286 = arith.constant 0 : i32
      %dma_wait3A_287 = arith.constant 0 : i32
      %dma_wait3A_288 = tpu.memref_slice %arg9[%dma_wait3A_285, %dma_wait3A_286, %dma_wait3A_287] : memref<2x128x72xf32, #tpu.memory_space<vmem>> -> memref<1x128x72xf32, #tpu.memory_space<vmem>>
      %dma_wait3A_289 = tpu.memref_squeeze %dma_wait3A_288 : memref<1x128x72xf32, #tpu.memory_space<vmem>> -> memref<128x72xf32, #tpu.memory_space<vmem>>
      %dma_wait3A_290 = arith.constant 0 : i32
      %dma_wait3A_291 = tpu.memref_slice %arg8[%add3A_284, %dma_wait3A_290] : memref<80x128xi32, #tpu.memory_space<vmem>> -> memref<1x128xi32, #tpu.memory_space<vmem>>
      %dma_wait3A_292 = tpu.memref_squeeze %dma_wait3A_291 : memref<1x128xi32, #tpu.memory_space<vmem>> -> memref<128xi32, #tpu.memory_space<vmem>>
      %dma_wait3A_293 = arith.constant 0 : i32
      %dma_wait3A_294 = arith.constant 0 : i32
      %dma_wait3A_295 = tpu.memref_slice %arg11[%dma_wait3A_293, %dma_wait3A_294] : memref<10048x72xf32, #tpu.memory_space<vmem_shared>> -> memref<10048x72xf32, #tpu.memory_space<vmem_shared>>
      tpu.wait_indirect_dma semaphore(%arg15 : memref<!tpu.dma_semaphore, #tpu.memory_space<semaphore_mem>>) src(%dma_wait3A_289 : memref<128x72xf32, #tpu.memory_space<vmem>>) dst(%dma_wait3A_295 : memref<10048x72xf32, #tpu.memory_space<vmem_shared>>)
      %add3A_296 = arith.constant 2 : i32
      %add3A_297 = arith.addi %mul3A_230, %add3A_296 : i32
      %add3A_298 = arith.constant 0 : i32
      %add3A_299 = arith.addi %add3A_297, %add3A_298 : i32
      %dma_start3A_300 = arith.constant 0 : i32
      %dma_start3A_301 = arith.constant 0 : i32
      %dma_start3A_302 = arith.constant 0 : i32
      %dma_start3A_303 = tpu.memref_slice %arg9[%dma_start3A_300, %dma_start3A_301, %dma_start3A_302] : memref<2x128x72xf32, #tpu.memory_space<vmem>> -> memref<1x128x72xf32, #tpu.memory_space<vmem>>
      %dma_start3A_304 = tpu.memref_squeeze %dma_start3A_303 : memref<1x128x72xf32, #tpu.memory_space<vmem>> -> memref<128x72xf32, #tpu.memory_space<vmem>>
      %dma_start3A_305 = arith.constant 0 : i32
      %dma_start3A_306 = tpu.memref_slice %arg7[%add3A_299, %dma_start3A_305] : memref<80x128xi32, #tpu.memory_space<vmem>> -> memref<1x128xi32, #tpu.memory_space<vmem>>
      %dma_start3A_307 = tpu.memref_squeeze %dma_start3A_306 : memref<1x128xi32, #tpu.memory_space<vmem>> -> memref<128xi32, #tpu.memory_space<vmem>>
      %dma_start3A_308 = arith.constant 0 : i32
      %dma_start3A_309 = arith.constant 0 : i32
      %dma_start3A_310 = tpu.memref_slice %arg10[%dma_start3A_308, %dma_start3A_309] : memref<10048x72xf32, #tpu.memory_space<vmem_shared>> -> memref<10048x72xf32, #tpu.memory_space<vmem_shared>>
      tpu.enqueue_indirect_dma source(%dma_start3A_310 : memref<10048x72xf32, #tpu.memory_space<vmem_shared>>) target(%dma_start3A_304 : memref<128x72xf32, #tpu.memory_space<vmem>>) offsets(%dma_start3A_307 : memref<128xi32, #tpu.memory_space<vmem>>) semaphore(%arg13 : memref<!tpu.dma_semaphore, #tpu.memory_space<semaphore_mem>>)
      %add3A_311 = arith.constant 1 : i32
      %add3A_312 = arith.addi %mul3A_230, %add3A_311 : i32
      %dma_wait3A_313 = arith.constant 1 : i32
      %dma_wait3A_314 = arith.constant 0 : i32
      %dma_wait3A_315 = arith.constant 0 : i32
      %dma_wait3A_316 = tpu.memref_slice %arg9[%dma_wait3A_313, %dma_wait3A_314, %dma_wait3A_315] : memref<2x128x72xf32, #tpu.memory_space<vmem>> -> memref<1x128x72xf32, #tpu.memory_space<vmem>>
      %dma_wait3A_317 = tpu.memref_squeeze %dma_wait3A_316 : memref<1x128x72xf32, #tpu.memory_space<vmem>> -> memref<128x72xf32, #tpu.memory_space<vmem>>
      %dma_wait3A_318 = arith.constant 0 : i32
      %dma_wait3A_319 = tpu.memref_slice %arg8[%add3A_312, %dma_wait3A_318] : memref<80x128xi32, #tpu.memory_space<vmem>> -> memref<1x128xi32, #tpu.memory_space<vmem>>
      %dma_wait3A_320 = tpu.memref_squeeze %dma_wait3A_319 : memref<1x128xi32, #tpu.memory_space<vmem>> -> memref<128xi32, #tpu.memory_space<vmem>>
      %dma_wait3A_321 = arith.constant 0 : i32
      %dma_wait3A_322 = arith.constant 0 : i32
      %dma_wait3A_323 = tpu.memref_slice %arg11[%dma_wait3A_321, %dma_wait3A_322] : memref<10048x72xf32, #tpu.memory_space<vmem_shared>> -> memref<10048x72xf32, #tpu.memory_space<vmem_shared>>
      tpu.wait_indirect_dma semaphore(%arg16 : memref<!tpu.dma_semaphore, #tpu.memory_space<semaphore_mem>>) src(%dma_wait3A_317 : memref<128x72xf32, #tpu.memory_space<vmem>>) dst(%dma_wait3A_323 : memref<10048x72xf32, #tpu.memory_space<vmem_shared>>)
      %add3A_324 = arith.constant 2 : i32
      %add3A_325 = arith.addi %mul3A_230, %add3A_324 : i32
      %add3A_326 = arith.constant 1 : i32
      %add3A_327 = arith.addi %add3A_325, %add3A_326 : i32
      %dma_start3A_328 = arith.constant 1 : i32
      %dma_start3A_329 = arith.constant 0 : i32
      %dma_start3A_330 = arith.constant 0 : i32
      %dma_start3A_331 = tpu.memref_slice %arg9[%dma_start3A_328, %dma_start3A_329, %dma_start3A_330] : memref<2x128x72xf32, #tpu.memory_space<vmem>> -> memref<1x128x72xf32, #tpu.memory_space<vmem>>
      %dma_start3A_332 = tpu.memref_squeeze %dma_start3A_331 : memref<1x128x72xf32, #tpu.memory_space<vmem>> -> memref<128x72xf32, #tpu.memory_space<vmem>>
      %dma_start3A_333 = arith.constant 0 : i32
      %dma_start3A_334 = tpu.memref_slice %arg7[%add3A_327, %dma_start3A_333] : memref<80x128xi32, #tpu.memory_space<vmem>> -> memref<1x128xi32, #tpu.memory_space<vmem>>
      %dma_start3A_335 = tpu.memref_squeeze %dma_start3A_334 : memref<1x128xi32, #tpu.memory_space<vmem>> -> memref<128xi32, #tpu.memory_space<vmem>>
      %dma_start3A_336 = arith.constant 0 : i32
      %dma_start3A_337 = arith.constant 0 : i32
      %dma_start3A_338 = tpu.memref_slice %arg10[%dma_start3A_336, %dma_start3A_337] : memref<10048x72xf32, #tpu.memory_space<vmem_shared>> -> memref<10048x72xf32, #tpu.memory_space<vmem_shared>>
      tpu.enqueue_indirect_dma source(%dma_start3A_338 : memref<10048x72xf32, #tpu.memory_space<vmem_shared>>) target(%dma_start3A_332 : memref<128x72xf32, #tpu.memory_space<vmem>>) offsets(%dma_start3A_335 : memref<128xi32, #tpu.memory_space<vmem>>) semaphore(%arg14 : memref<!tpu.dma_semaphore, #tpu.memory_space<semaphore_mem>>)
    }
    %scan3A_154 = arith.constant 39 : i32
    %dma_wait3A_155 = arith.constant 78 : i32
    %dma_wait3A_156 = arith.constant 0 : i32
    %dma_wait3A_157 = arith.constant 0 : i32
    %dma_wait3A_158 = arith.constant 0 : i32
    %dma_wait3A_159 = tpu.memref_slice %arg9[%dma_wait3A_156, %dma_wait3A_157, %dma_wait3A_158] : memref<2x128x72xf32, #tpu.memory_space<vmem>> -> memref<1x128x72xf32, #tpu.memory_space<vmem>>
    %dma_wait3A_160 = tpu.memref_squeeze %dma_wait3A_159 : memref<1x128x72xf32, #tpu.memory_space<vmem>> -> memref<128x72xf32, #tpu.memory_space<vmem>>
    %dma_wait3A_161 = arith.constant 0 : i32
    %dma_wait3A_162 = tpu.memref_slice %arg7[%dma_wait3A_155, %dma_wait3A_161] : memref<80x128xi32, #tpu.memory_space<vmem>> -> memref<1x128xi32, #tpu.memory_space<vmem>>
    %dma_wait3A_163 = tpu.memref_squeeze %dma_wait3A_162 : memref<1x128xi32, #tpu.memory_space<vmem>> -> memref<128xi32, #tpu.memory_space<vmem>>
    %dma_wait3A_164 = arith.constant 0 : i32
    %dma_wait3A_165 = arith.constant 0 : i32
    %dma_wait3A_166 = tpu.memref_slice %arg10[%dma_wait3A_164, %dma_wait3A_165] : memref<10048x72xf32, #tpu.memory_space<vmem_shared>> -> memref<10048x72xf32, #tpu.memory_space<vmem_shared>>
    tpu.wait_indirect_dma semaphore(%arg13 : memref<!tpu.dma_semaphore, #tpu.memory_space<semaphore_mem>>) src(%dma_wait3A_166 : memref<10048x72xf32, #tpu.memory_space<vmem_shared>>) dst(%dma_wait3A_160 : memref<128x72xf32, #tpu.memory_space<vmem>>)
    %dma_start3A_167 = arith.constant 0 : i32
    %dma_start3A_168 = arith.constant 78 : i32
    %dma_start3A_169 = arith.constant 0 : i32
    %dma_start3A_170 = arith.constant 0 : i32
    %dma_start3A_171 = tpu.memref_slice %arg9[%dma_start3A_167, %dma_start3A_169, %dma_start3A_170] : memref<2x128x72xf32, #tpu.memory_space<vmem>> -> memref<1x128x72xf32, #tpu.memory_space<vmem>>
    %dma_start3A_172 = tpu.memref_squeeze %dma_start3A_171 : memref<1x128x72xf32, #tpu.memory_space<vmem>> -> memref<128x72xf32, #tpu.memory_space<vmem>>
    %dma_start3A_173 = arith.constant 0 : i32
    %dma_start3A_174 = tpu.memref_slice %arg8[%dma_start3A_168, %dma_start3A_173] : memref<80x128xi32, #tpu.memory_space<vmem>> -> memref<1x128xi32, #tpu.memory_space<vmem>>
    %dma_start3A_175 = tpu.memref_squeeze %dma_start3A_174 : memref<1x128xi32, #tpu.memory_space<vmem>> -> memref<128xi32, #tpu.memory_space<vmem>>
    %dma_start3A_176 = arith.constant 0 : i32
    %dma_start3A_177 = arith.constant 0 : i32
    %dma_start3A_178 = tpu.memref_slice %arg11[%dma_start3A_176, %dma_start3A_177] : memref<10048x72xf32, #tpu.memory_space<vmem_shared>> -> memref<10048x72xf32, #tpu.memory_space<vmem_shared>>
    tpu.enqueue_indirect_dma source(%dma_start3A_172 : memref<128x72xf32, #tpu.memory_space<vmem>>) target(%dma_start3A_178 : memref<10048x72xf32, #tpu.memory_space<vmem_shared>>) offsets(%dma_start3A_175 : memref<128xi32, #tpu.memory_space<vmem>>) semaphore(%arg15 : memref<!tpu.dma_semaphore, #tpu.memory_space<semaphore_mem>>) {add = true}
    %dma_wait3A_179 = arith.constant 79 : i32
    %dma_wait3A_180 = arith.constant 1 : i32
    %dma_wait3A_181 = arith.constant 0 : i32
    %dma_wait3A_182 = arith.constant 0 : i32
    %dma_wait3A_183 = tpu.memref_slice %arg9[%dma_wait3A_180, %dma_wait3A_181, %dma_wait3A_182] : memref<2x128x72xf32, #tpu.memory_space<vmem>> -> memref<1x128x72xf32, #tpu.memory_space<vmem>>
    %dma_wait3A_184 = tpu.memref_squeeze %dma_wait3A_183 : memref<1x128x72xf32, #tpu.memory_space<vmem>> -> memref<128x72xf32, #tpu.memory_space<vmem>>
    %dma_wait3A_185 = arith.constant 0 : i32
    %dma_wait3A_186 = tpu.memref_slice %arg7[%dma_wait3A_179, %dma_wait3A_185] : memref<80x128xi32, #tpu.memory_space<vmem>> -> memref<1x128xi32, #tpu.memory_space<vmem>>
    %dma_wait3A_187 = tpu.memref_squeeze %dma_wait3A_186 : memref<1x128xi32, #tpu.memory_space<vmem>> -> memref<128xi32, #tpu.memory_space<vmem>>
    %dma_wait3A_188 = arith.constant 0 : i32
    %dma_wait3A_189 = arith.constant 0 : i32
    %dma_wait3A_190 = tpu.memref_slice %arg10[%dma_wait3A_188, %dma_wait3A_189] : memref<10048x72xf32, #tpu.memory_space<vmem_shared>> -> memref<10048x72xf32, #tpu.memory_space<vmem_shared>>
    tpu.wait_indirect_dma semaphore(%arg14 : memref<!tpu.dma_semaphore, #tpu.memory_space<semaphore_mem>>) src(%dma_wait3A_190 : memref<10048x72xf32, #tpu.memory_space<vmem_shared>>) dst(%dma_wait3A_184 : memref<128x72xf32, #tpu.memory_space<vmem>>)
    %dma_start3A_191 = arith.constant 1 : i32
    %dma_start3A_192 = arith.constant 79 : i32
    %dma_start3A_193 = arith.constant 0 : i32
    %dma_start3A_194 = arith.constant 0 : i32
    %dma_start3A_195 = tpu.memref_slice %arg9[%dma_start3A_191, %dma_start3A_193, %dma_start3A_194] : memref<2x128x72xf32, #tpu.memory_space<vmem>> -> memref<1x128x72xf32, #tpu.memory_space<vmem>>
    %dma_start3A_196 = tpu.memref_squeeze %dma_start3A_195 : memref<1x128x72xf32, #tpu.memory_space<vmem>> -> memref<128x72xf32, #tpu.memory_space<vmem>>
    %dma_start3A_197 = arith.constant 0 : i32
    %dma_start3A_198 = tpu.memref_slice %arg8[%dma_start3A_192, %dma_start3A_197] : memref<80x128xi32, #tpu.memory_space<vmem>> -> memref<1x128xi32, #tpu.memory_space<vmem>>
    %dma_start3A_199 = tpu.memref_squeeze %dma_start3A_198 : memref<1x128xi32, #tpu.memory_space<vmem>> -> memref<128xi32, #tpu.memory_space<vmem>>
    %dma_start3A_200 = arith.constant 0 : i32
    %dma_start3A_201 = arith.constant 0 : i32
    %dma_start3A_202 = tpu.memref_slice %arg11[%dma_start3A_200, %dma_start3A_201] : memref<10048x72xf32, #tpu.memory_space<vmem_shared>> -> memref<10048x72xf32, #tpu.memory_space<vmem_shared>>
    tpu.enqueue_indirect_dma source(%dma_start3A_196 : memref<128x72xf32, #tpu.memory_space<vmem>>) target(%dma_start3A_202 : memref<10048x72xf32, #tpu.memory_space<vmem_shared>>) offsets(%dma_start3A_199 : memref<128xi32, #tpu.memory_space<vmem>>) semaphore(%arg16 : memref<!tpu.dma_semaphore, #tpu.memory_space<semaphore_mem>>) {add = true}
    %dma_wait3A_203 = arith.constant 0 : i32
    %dma_wait3A_204 = arith.constant 78 : i32
    %dma_wait3A_205 = arith.constant 0 : i32
    %dma_wait3A_206 = arith.constant 0 : i32
    %dma_wait3A_207 = tpu.memref_slice %arg9[%dma_wait3A_203, %dma_wait3A_205, %dma_wait3A_206] : memref<2x128x72xf32, #tpu.memory_space<vmem>> -> memref<1x128x72xf32, #tpu.memory_space<vmem>>
    %dma_wait3A_208 = tpu.memref_squeeze %dma_wait3A_207 : memref<1x128x72xf32, #tpu.memory_space<vmem>> -> memref<128x72xf32, #tpu.memory_space<vmem>>
    %dma_wait3A_209 = arith.constant 0 : i32
    %dma_wait3A_210 = tpu.memref_slice %arg8[%dma_wait3A_204, %dma_wait3A_209] : memref<80x128xi32, #tpu.memory_space<vmem>> -> memref<1x128xi32, #tpu.memory_space<vmem>>
    %dma_wait3A_211 = tpu.memref_squeeze %dma_wait3A_210 : memref<1x128xi32, #tpu.memory_space<vmem>> -> memref<128xi32, #tpu.memory_space<vmem>>
    %dma_wait3A_212 = arith.constant 0 : i32
    %dma_wait3A_213 = arith.constant 0 : i32
    %dma_wait3A_214 = tpu.memref_slice %arg11[%dma_wait3A_212, %dma_wait3A_213] : memref<10048x72xf32, #tpu.memory_space<vmem_shared>> -> memref<10048x72xf32, #tpu.memory_space<vmem_shared>>
    tpu.wait_indirect_dma semaphore(%arg15 : memref<!tpu.dma_semaphore, #tpu.memory_space<semaphore_mem>>) src(%dma_wait3A_208 : memref<128x72xf32, #tpu.memory_space<vmem>>) dst(%dma_wait3A_214 : memref<10048x72xf32, #tpu.memory_space<vmem_shared>>)
    %dma_wait3A_215 = arith.constant 1 : i32
    %dma_wait3A_216 = arith.constant 79 : i32
    %dma_wait3A_217 = arith.constant 0 : i32
    %dma_wait3A_218 = arith.constant 0 : i32
    %dma_wait3A_219 = tpu.memref_slice %arg9[%dma_wait3A_215, %dma_wait3A_217, %dma_wait3A_218] : memref<2x128x72xf32, #tpu.memory_space<vmem>> -> memref<1x128x72xf32, #tpu.memory_space<vmem>>
    %dma_wait3A_220 = tpu.memref_squeeze %dma_wait3A_219 : memref<1x128x72xf32, #tpu.memory_space<vmem>> -> memref<128x72xf32, #tpu.memory_space<vmem>>
    %dma_wait3A_221 = arith.constant 0 : i32
    %dma_wait3A_222 = tpu.memref_slice %arg8[%dma_wait3A_216, %dma_wait3A_221] : memref<80x128xi32, #tpu.memory_space<vmem>> -> memref<1x128xi32, #tpu.memory_space<vmem>>
    %dma_wait3A_223 = tpu.memref_squeeze %dma_wait3A_222 : memref<1x128xi32, #tpu.memory_space<vmem>> -> memref<128xi32, #tpu.memory_space<vmem>>
    %dma_wait3A_224 = arith.constant 0 : i32
    %dma_wait3A_225 = arith.constant 0 : i32
    %dma_wait3A_226 = tpu.memref_slice %arg11[%dma_wait3A_224, %dma_wait3A_225] : memref<10048x72xf32, #tpu.memory_space<vmem_shared>> -> memref<10048x72xf32, #tpu.memory_space<vmem_shared>>
    tpu.wait_indirect_dma semaphore(%arg16 : memref<!tpu.dma_semaphore, #tpu.memory_space<semaphore_mem>>) src(%dma_wait3A_220 : memref<128x72xf32, #tpu.memory_space<vmem>>) dst(%dma_wait3A_226 : memref<10048x72xf32, #tpu.memory_space<vmem_shared>>)
    %barrier3A_227 = arith.constant 0 : index
    tpu.barrier barrier_id(%barrier3A_227)
    "tpu.region"() ({
      %run_scoped3A = tpu.sem_alloc : memref<!tpu.dma_semaphore, #tpu.memory_space<semaphore_mem>>
      %dma_start3A_228 = arith.constant 0 : i32
      %dma_start3A_229 = tpu.memref_slice %arg6[%arg0, %mul3A_0, %dma_start3A_228] : memref<2x10048x72xf32, #tpu.memory_space<hbm>> -> memref<1x628x72xf32, #tpu.memory_space<hbm>>
      %dma_start3A_230 = tpu.memref_squeeze %dma_start3A_229 : memref<1x628x72xf32, #tpu.memory_space<hbm>> -> memref<628x72xf32, #tpu.memory_space<hbm>>
      %dma_start3A_231 = arith.constant 0 : i32
      %dma_start3A_232 = tpu.memref_slice %arg11[%mul3A_0, %dma_start3A_231] : memref<10048x72xf32, #tpu.memory_space<vmem_shared>> -> memref<628x72xf32, #tpu.memory_space<vmem_shared>>
      tpu.enqueue_dma source(%dma_start3A_232 : memref<628x72xf32, #tpu.memory_space<vmem_shared>>) target(%dma_start3A_230 : memref<628x72xf32, #tpu.memory_space<hbm>>) target_semaphore(%run_scoped3A : memref<!tpu.dma_semaphore, #tpu.memory_space<semaphore_mem>>)
      %dma_wait3A_233 = arith.constant 0 : i32
      %dma_wait3A_234 = tpu.memref_slice %arg6[%arg0, %mul3A_0, %dma_wait3A_233] : memref<2x10048x72xf32, #tpu.memory_space<hbm>> -> memref<1x628x72xf32, #tpu.memory_space<hbm>>
      %dma_wait3A_235 = tpu.memref_squeeze %dma_wait3A_234 : memref<1x628x72xf32, #tpu.memory_space<hbm>> -> memref<628x72xf32, #tpu.memory_space<hbm>>
      %dma_wait3A_236 = arith.constant 0 : i32
      %dma_wait3A_237 = tpu.memref_slice %arg11[%mul3A_0, %dma_wait3A_236] : memref<10048x72xf32, #tpu.memory_space<vmem_shared>> -> memref<628x72xf32, #tpu.memory_space<vmem_shared>>
      tpu.wait_dma2 semaphore(%run_scoped3A : memref<!tpu.dma_semaphore, #tpu.memory_space<semaphore_mem>>) src(%dma_wait3A_237 : memref<628x72xf32, #tpu.memory_space<vmem_shared>>) dst(%dma_wait3A_235 : memref<628x72xf32, #tpu.memory_space<hbm>>)
      tpu.yield
    }) : () -> ()
    return
  }
}

module attributes {stable_mosaic.version = 14 : i64} {
  func.func @sage_tc1(%arg0: i32, %arg1: i32, %arg2: memref<2512x128xf32, #tpu.memory_space<vmem>>, %arg3: memref<1x128x72xf32, #tpu.memory_space<vmem>>, %arg4: memref<1x1x72xf32, #tpu.memory_space<vmem>>, %arg5: memref<1x2512x72xf32, #tpu.memory_space<vmem>>) attributes {dimension_semantics = [#tpu.dimension_semantics<arbitrary>, #tpu.dimension_semantics<arbitrary>], iteration_bounds = array<i64: 2, 4>, scalar_prefetch = 0 : i64, scratch_operands = 0 : i64, tpu.core_type = #tpu.core_type<tc>, window_params = [{transform_indices = @transform_0, window_bounds = array<i64: 2512, 128>}, {transform_indices = @transform_1, window_bounds = array<i64: 1, 128, 72>}, {transform_indices = @transform_2, window_bounds = array<i64: 1, 1, 72>}, {transform_indices = @transform_3, window_bounds = array<i64: 1, 2512, 72>}]} {
    %get3A = arith.constant 0 : index
    %get3A_0 = arith.constant 0 : index
    %get3A_1 = vector.load %arg2[%get3A, %get3A_0] : memref<2512x128xf32, #tpu.memory_space<vmem>>, vector<2512x128xf32>
    %get3A_2 = arith.constant 0 : index
    %get3A_3 = arith.constant 0 : index
    %get3A_4 = arith.constant 0 : index
    %get3A_5 = vector.load %arg3[%get3A_2, %get3A_3, %get3A_4] : memref<1x128x72xf32, #tpu.memory_space<vmem>>, vector<1x128x72xf32>
    %get3A_6 = vector.shape_cast %get3A_5 : vector<1x128x72xf32> to vector<128x72xf32>
    %dot_general3A = arith.constant dense<0.000000e+00> : vector<2512x72xf32>
    %dot_general3A_7 = tpu.matmul %get3A_1, %get3A_6, %dot_general3A {dimension_numbers = #tpu.dot_dimension_numbers<[1], [0], [0], [1], [0, 0, 1, 1], [], []>, transpose_lhs_hint = false} : vector<2512x128xf32>, vector<128x72xf32>, vector<2512x72xf32> -> vector<2512x72xf32>
    %get3A_8 = arith.constant 0 : index
    %get3A_9 = arith.constant 0 : index
    %get3A_10 = arith.constant 0 : index
    %get3A_11 = vector.load %arg4[%get3A_8, %get3A_9, %get3A_10] : memref<1x1x72xf32, #tpu.memory_space<vmem>>, vector<1x1x72xf32>
    %get3A_12 = vector.shape_cast %get3A_11 : vector<1x1x72xf32> to vector<1x72xf32>
    %add3A = vector.broadcast %get3A_12 : vector<1x72xf32> to vector<2512x72xf32>
    %add3A_13 = arith.addf %dot_general3A_7, %add3A : vector<2512x72xf32>
    %swap3A = arith.constant 0 : index
    %swap3A_14 = arith.constant 0 : index
    %swap3A_15 = arith.constant 0 : index
    %swap3A_16 = vector.load %arg5[%swap3A, %swap3A_14, %swap3A_15] : memref<1x2512x72xf32, #tpu.memory_space<vmem>>, vector<1x2512x72xf32>
    %swap3A_17 = vector.shape_cast %swap3A_16 : vector<1x2512x72xf32> to vector<2512x72xf32>
    %swap3A_18 = vector.shape_cast %add3A_13 : vector<2512x72xf32> to vector<1x2512x72xf32>
    tpu.vector_store %arg5[%swap3A, %swap3A_14, %swap3A_15], %swap3A_18 {strides = array<i32>} : memref<1x2512x72xf32, #tpu.memory_space<vmem>>, vector<1x2512x72xf32>,
    return
  }
  func.func @transform_0(%arg0: i32, %arg1: i32) -> (i32, i32) {
    %c0_i32 = arith.constant 0 : i32
    %c0_i32_0 = arith.constant 0 : i32
    return %arg1, %c0_i32 : i32, i32
  }
  func.func @transform_1(%arg0: i32, %arg1: i32) -> (i32, i32, i32) {
    %c0_i32 = arith.constant 0 : i32
    %c0_i32_0 = arith.constant 0 : i32
    %c0_i32_1 = arith.constant 0 : i32
    return %arg0, %c0_i32, %c0_i32_0 : i32, i32, i32
  }
  func.func @transform_2(%arg0: i32, %arg1: i32) -> (i32, i32, i32) {
    %c0_i32 = arith.constant 0 : i32
    %c0_i32_0 = arith.constant 0 : i32
    %c0_i32_1 = arith.constant 0 : i32
    return %arg0, %c0_i32, %c0_i32_0 : i32, i32, i32
  }
  func.func @transform_3(%arg0: i32, %arg1: i32) -> (i32, i32, i32) {
    %c0_i32 = arith.constant 0 : i32
    %c0_i32_0 = arith.constant 0 : i32
    return %arg0, %arg1, %c0_i32 : i32, i32, i32
  }
}

module attributes {stable_mosaic.version = 14 : i64} {
  func.func @sage_tc2(%arg0: i32, %arg1: memref<2512x128xf32, #tpu.memory_space<vmem>>, %arg2: memref<2x2512x72xf32, #tpu.memory_space<vmem>>, %arg3: memref<128x128xf32, #tpu.memory_space<vmem>>, %arg4: memref<1x128xf32, #tpu.memory_space<vmem>>, %arg5: memref<128x64xf32, #tpu.memory_space<vmem>>, %arg6: memref<128x64xf32, #tpu.memory_space<vmem>>, %arg7: memref<1x64xf32, #tpu.memory_space<vmem>>, %arg8: memref<2512x64xf32, #tpu.memory_space<vmem>>, %arg9: memref<2512x64xf32, #tpu.memory_space<vmem>>, %arg10: memref<2512x1xf32, #tpu.memory_space<vmem>>) attributes {dimension_semantics = [#tpu.dimension_semantics<arbitrary>], iteration_bounds = array<i64: 4>, scalar_prefetch = 0 : i64, scratch_operands = 0 : i64, tpu.core_type = #tpu.core_type<tc>, window_params = [{transform_indices = @transform_0, window_bounds = array<i64: 2512, 128>}, {transform_indices = @transform_1, window_bounds = array<i64: 2, 2512, 72>}, {pipeline_mode = #tpu.pipeline_mode<synchronous>, transform_indices = @transform_2, window_bounds = array<i64: 128, 128>}, {pipeline_mode = #tpu.pipeline_mode<synchronous>, transform_indices = @transform_3, window_bounds = array<i64: 1, 128>}, {pipeline_mode = #tpu.pipeline_mode<synchronous>, transform_indices = @transform_4, window_bounds = array<i64: 128, 64>}, {pipeline_mode = #tpu.pipeline_mode<synchronous>, transform_indices = @transform_5, window_bounds = array<i64: 128, 64>}, {pipeline_mode = #tpu.pipeline_mode<synchronous>, transform_indices = @transform_6, window_bounds = array<i64: 1, 64>}, {transform_indices = @transform_7, window_bounds = array<i64: 2512, 64>}, {transform_indices = @transform_8, window_bounds = array<i64: 2512, 64>}, {transform_indices = @transform_9, window_bounds = array<i64: 2512, 1>}]} {
    %get3A = arith.constant 1 : index
    %get3A_0 = arith.constant 0 : index
    %get3A_1 = arith.constant 56 : index
    %get3A_2 = vector.load %arg2[%get3A, %get3A_0, %get3A_1] : memref<2x2512x72xf32, #tpu.memory_space<vmem>>, vector<1x2512x1xf32>
    %get3A_3 = vector.shape_cast %get3A_2 : vector<1x2512x1xf32> to vector<2512x1xf32>
    %max3A = arith.constant 1.000000e+00 : f32
    %max3A_4 = vector.broadcast %max3A : f32 to vector<2512x1xf32>
    %max3A_5 = arith.maximumf %get3A_3, %max3A_4 : vector<2512x1xf32>
    %div3A = arith.constant 1.000000e+00 : f32
    %div3A_6 = vector.broadcast %div3A : f32 to vector<2512x1xf32>
    %div3A_7 = arith.divf %div3A_6, %max3A_5 : vector<2512x1xf32>
    %swap3A = arith.constant 0 : index
    %swap3A_8 = arith.constant 0 : index
    %swap3A_9 = vector.load %arg10[%swap3A, %swap3A_8] : memref<2512x1xf32, #tpu.memory_space<vmem>>, vector<2512x1xf32>
    tpu.vector_store %arg10[%swap3A, %swap3A_8], %div3A_7 {strides = array<i32>} : memref<2512x1xf32, #tpu.memory_space<vmem>>, vector<2512x1xf32>,
    %get3A_10 = arith.constant 0 : index
    %get3A_11 = arith.constant 0 : index
    %get3A_12 = vector.load %arg1[%get3A_10, %get3A_11] : memref<2512x128xf32, #tpu.memory_space<vmem>>, vector<2512x128xf32>
    %get3A_13 = arith.constant 0 : index
    %get3A_14 = arith.constant 0 : index
    %get3A_15 = vector.load %arg3[%get3A_13, %get3A_14] : memref<128x128xf32, #tpu.memory_space<vmem>>, vector<128x128xf32>
    %dot_general3A = arith.constant dense<0.000000e+00> : vector<2512x128xf32>
    %dot_general3A_16 = tpu.matmul %get3A_12, %get3A_15, %dot_general3A {dimension_numbers = #tpu.dot_dimension_numbers<[1], [0], [0], [1], [0, 0, 1, 1], [], []>, transpose_lhs_hint = false} : vector<2512x128xf32>, vector<128x128xf32>, vector<2512x128xf32> -> vector<2512x128xf32>
    %get3A_17 = arith.constant 0 : index
    %get3A_18 = arith.constant 0 : index
    %get3A_19 = vector.load %arg4[%get3A_17, %get3A_18] : memref<1x128xf32, #tpu.memory_space<vmem>>, vector<1x128xf32>
    %add3A = vector.broadcast %get3A_19 : vector<1x128xf32> to vector<2512x128xf32>
    %add3A_20 = arith.addf %dot_general3A_16, %add3A : vector<2512x128xf32>
    %slice3A = vector.extract_strided_slice %add3A_20 {offsets = [0, 0], sizes = [2512, 72], strides = [1, 1]} : vector<2512x128xf32> to vector<2512x72xf32>
    %get3A_21 = arith.constant 0 : index
    %get3A_22 = arith.constant 0 : index
    %get3A_23 = arith.constant 0 : index
    %get3A_24 = vector.load %arg2[%get3A_21, %get3A_22, %get3A_23] : memref<2x2512x72xf32, #tpu.memory_space<vmem>>, vector<1x2512x72xf32>
    %get3A_25 = vector.shape_cast %get3A_24 : vector<1x2512x72xf32> to vector<2512x72xf32>
    %mul3A = vector.broadcast %div3A_7 : vector<2512x1xf32> to vector<2512x72xf32>
    %mul3A_26 = arith.mulf %get3A_25, %mul3A : vector<2512x72xf32>
    %add3A_27 = arith.addf %slice3A, %mul3A_26 : vector<2512x72xf32>
    %max3A_28 = arith.constant 0.000000e+00 : f32
    %max3A_29 = vector.broadcast %max3A_28 : f32 to vector<2512x72xf32>
    %max3A_30 = arith.maximumf %add3A_27, %max3A_29 : vector<2512x72xf32>
    %slice3A_31 = vector.extract_strided_slice %add3A_20 {offsets = [0, 72], sizes = [2512, 56], strides = [1, 1]} : vector<2512x128xf32> to vector<2512x56xf32>
    %get3A_32 = arith.constant 1 : index
    %get3A_33 = arith.constant 0 : index
    %get3A_34 = arith.constant 0 : index
    %get3A_35 = vector.load %arg2[%get3A_32, %get3A_33, %get3A_34] : memref<2x2512x72xf32, #tpu.memory_space<vmem>>, vector<1x2512x56xf32>
    %get3A_36 = vector.shape_cast %get3A_35 : vector<1x2512x56xf32> to vector<2512x56xf32>
    %mul3A_37 = vector.broadcast %div3A_7 : vector<2512x1xf32> to vector<2512x56xf32>
    %mul3A_38 = arith.mulf %get3A_36, %mul3A_37 : vector<2512x56xf32>
    %add3A_39 = arith.addf %slice3A_31, %mul3A_38 : vector<2512x56xf32>
    %max3A_40 = arith.constant 0.000000e+00 : f32
    %max3A_41 = vector.broadcast %max3A_40 : f32 to vector<2512x56xf32>
    %max3A_42 = arith.maximumf %add3A_39, %max3A_41 : vector<2512x56xf32>
    %get3A_43 = arith.constant 0 : index
    %get3A_44 = arith.constant 0 : index
    %get3A_45 = vector.load %arg6[%get3A_43, %get3A_44] : memref<128x64xf32, #tpu.memory_space<vmem>>, vector<72x64xf32>
    %dot_general3A_46 = arith.constant dense<0.000000e+00> : vector<2512x64xf32>
    %dot_general3A_47 = tpu.matmul %max3A_30, %get3A_45, %dot_general3A_46 {dimension_numbers = #tpu.dot_dimension_numbers<[1], [0], [0], [1], [0, 0, 1, 1], [], []>, transpose_lhs_hint = false} : vector<2512x72xf32>, vector<72x64xf32>, vector<2512x64xf32> -> vector<2512x64xf32>
    %get3A_48 = arith.constant 72 : index
    %get3A_49 = arith.constant 0 : index
    %get3A_50 = vector.load %arg6[%get3A_48, %get3A_49] : memref<128x64xf32, #tpu.memory_space<vmem>>, vector<56x64xf32>
    %dot_general3A_51 = arith.constant dense<0.000000e+00> : vector<2512x64xf32>
    %dot_general3A_52 = tpu.matmul %max3A_42, %get3A_50, %dot_general3A_51 {dimension_numbers = #tpu.dot_dimension_numbers<[1], [0], [0], [1], [0, 0, 1, 1], [], []>, transpose_lhs_hint = false} : vector<2512x56xf32>, vector<56x64xf32>, vector<2512x64xf32> -> vector<2512x64xf32>
    %add3A_53 = arith.addf %dot_general3A_47, %dot_general3A_52 : vector<2512x64xf32>
    %swap3A_54 = arith.constant 0 : index
    %swap3A_55 = arith.constant 0 : index
    %swap3A_56 = vector.load %arg8[%swap3A_54, %swap3A_55] : memref<2512x64xf32, #tpu.memory_space<vmem>>, vector<2512x64xf32>
    tpu.vector_store %arg8[%swap3A_54, %swap3A_55], %add3A_53 {strides = array<i32>} : memref<2512x64xf32, #tpu.memory_space<vmem>>, vector<2512x64xf32>,
    %get3A_57 = arith.constant 0 : index
    %get3A_58 = arith.constant 0 : index
    %get3A_59 = vector.load %arg5[%get3A_57, %get3A_58] : memref<128x64xf32, #tpu.memory_space<vmem>>, vector<72x64xf32>
    %dot_general3A_60 = arith.constant dense<0.000000e+00> : vector<2512x64xf32>
    %dot_general3A_61 = tpu.matmul %max3A_30, %get3A_59, %dot_general3A_60 {dimension_numbers = #tpu.dot_dimension_numbers<[1], [0], [0], [1], [0, 0, 1, 1], [], []>, transpose_lhs_hint = false} : vector<2512x72xf32>, vector<72x64xf32>, vector<2512x64xf32> -> vector<2512x64xf32>
    %get3A_62 = arith.constant 72 : index
    %get3A_63 = arith.constant 0 : index
    %get3A_64 = vector.load %arg5[%get3A_62, %get3A_63] : memref<128x64xf32, #tpu.memory_space<vmem>>, vector<56x64xf32>
    %dot_general3A_65 = arith.constant dense<0.000000e+00> : vector<2512x64xf32>
    %dot_general3A_66 = tpu.matmul %max3A_42, %get3A_64, %dot_general3A_65 {dimension_numbers = #tpu.dot_dimension_numbers<[1], [0], [0], [1], [0, 0, 1, 1], [], []>, transpose_lhs_hint = false} : vector<2512x56xf32>, vector<56x64xf32>, vector<2512x64xf32> -> vector<2512x64xf32>
    %add3A_67 = arith.addf %dot_general3A_61, %dot_general3A_66 : vector<2512x64xf32>
    %get3A_68 = arith.constant 0 : index
    %get3A_69 = arith.constant 0 : index
    %get3A_70 = vector.load %arg7[%get3A_68, %get3A_69] : memref<1x64xf32, #tpu.memory_space<vmem>>, vector<1x64xf32>
    %add3A_71 = vector.broadcast %get3A_70 : vector<1x64xf32> to vector<2512x64xf32>
    %add3A_72 = arith.addf %add3A_67, %add3A_71 : vector<2512x64xf32>
    %swap3A_73 = arith.constant 0 : index
    %swap3A_74 = arith.constant 0 : index
    %swap3A_75 = vector.load %arg9[%swap3A_73, %swap3A_74] : memref<2512x64xf32, #tpu.memory_space<vmem>>, vector<2512x64xf32>
    tpu.vector_store %arg9[%swap3A_73, %swap3A_74], %add3A_72 {strides = array<i32>} : memref<2512x64xf32, #tpu.memory_space<vmem>>, vector<2512x64xf32>,
    return
  }
  func.func @transform_0(%arg0: i32) -> (i32, i32) {
    %c0_i32 = arith.constant 0 : i32
    %c0_i32_0 = arith.constant 0 : i32
    return %arg0, %c0_i32 : i32, i32
  }
  func.func @transform_1(%arg0: i32) -> (i32, i32, i32) {
    %c0_i32 = arith.constant 0 : i32
    %c0_i32_0 = arith.constant 0 : i32
    %c0_i32_1 = arith.constant 0 : i32
    return %c0_i32, %arg0, %c0_i32_0 : i32, i32, i32
  }
  func.func @transform_2(%arg0: i32) -> (i32, i32) {
    %c0_i32 = arith.constant 0 : i32
    %c0_i32_0 = arith.constant 0 : i32
    %c0_i32_1 = arith.constant 0 : i32
    return %c0_i32, %c0_i32_0 : i32, i32
  }
  func.func @transform_3(%arg0: i32) -> (i32, i32) {
    %c0_i32 = arith.constant 0 : i32
    %c0_i32_0 = arith.constant 0 : i32
    %c0_i32_1 = arith.constant 0 : i32
    return %c0_i32, %c0_i32_0 : i32, i32
  }
  func.func @transform_4(%arg0: i32) -> (i32, i32) {
    %c0_i32 = arith.constant 0 : i32
    %c0_i32_0 = arith.constant 0 : i32
    %c0_i32_1 = arith.constant 0 : i32
    return %c0_i32, %c0_i32_0 : i32, i32
  }
  func.func @transform_5(%arg0: i32) -> (i32, i32) {
    %c0_i32 = arith.constant 0 : i32
    %c0_i32_0 = arith.constant 0 : i32
    %c0_i32_1 = arith.constant 0 : i32
    return %c0_i32, %c0_i32_0 : i32, i32
  }
  func.func @transform_6(%arg0: i32) -> (i32, i32) {
    %c0_i32 = arith.constant 0 : i32
    %c0_i32_0 = arith.constant 0 : i32
    %c0_i32_1 = arith.constant 0 : i32
    return %c0_i32, %c0_i32_0 : i32, i32
  }
  func.func @transform_7(%arg0: i32) -> (i32, i32) {
    %c0_i32 = arith.constant 0 : i32
    %c0_i32_0 = arith.constant 0 : i32
    return %arg0, %c0_i32 : i32, i32
  }
  func.func @transform_8(%arg0: i32) -> (i32, i32) {
    %c0_i32 = arith.constant 0 : i32
    %c0_i32_0 = arith.constant 0 : i32
    return %arg0, %c0_i32 : i32, i32
  }
  func.func @transform_9(%arg0: i32) -> (i32, i32) {
    %c0_i32 = arith.constant 0 : i32
    %c0_i32_0 = arith.constant 0 : i32
    return %arg0, %c0_i32 : i32, i32
  }
}

module attributes {stable_mosaic.version = 14 : i64} {
  func.func @sage_tc3(%arg0: i32, %arg1: memref<2512x64xf32, #tpu.memory_space<vmem>>, %arg2: memref<2x2512x64xf32, #tpu.memory_space<vmem>>, %arg3: memref<2512x1xf32, #tpu.memory_space<vmem>>, %arg4: memref<2512x64xf32, #tpu.memory_space<vmem>>) attributes {dimension_semantics = [#tpu.dimension_semantics<arbitrary>], iteration_bounds = array<i64: 4>, scalar_prefetch = 0 : i64, scratch_operands = 0 : i64, tpu.core_type = #tpu.core_type<tc>, window_params = [{transform_indices = @transform_0, window_bounds = array<i64: 2512, 64>}, {transform_indices = @transform_1, window_bounds = array<i64: 2, 2512, 64>}, {transform_indices = @transform_2, window_bounds = array<i64: 2512, 1>}, {transform_indices = @transform_3, window_bounds = array<i64: 2512, 64>}]} {
    %get3A = arith.constant 0 : index
    %get3A_0 = arith.constant 0 : index
    %get3A_1 = arith.constant 0 : index
    %get3A_2 = vector.load %arg2[%get3A, %get3A_0, %get3A_1] : memref<2x2512x64xf32, #tpu.memory_space<vmem>>, vector<1x2512x64xf32>
    %get3A_3 = vector.shape_cast %get3A_2 : vector<1x2512x64xf32> to vector<2512x64xf32>
    %get3A_4 = arith.constant 1 : index
    %get3A_5 = arith.constant 0 : index
    %get3A_6 = arith.constant 0 : index
    %get3A_7 = vector.load %arg2[%get3A_4, %get3A_5, %get3A_6] : memref<2x2512x64xf32, #tpu.memory_space<vmem>>, vector<1x2512x64xf32>
    %get3A_8 = vector.shape_cast %get3A_7 : vector<1x2512x64xf32> to vector<2512x64xf32>
    %add3A = arith.addf %get3A_3, %get3A_8 : vector<2512x64xf32>
    %get3A_9 = arith.constant 0 : index
    %get3A_10 = arith.constant 0 : index
    %get3A_11 = vector.load %arg1[%get3A_9, %get3A_10] : memref<2512x64xf32, #tpu.memory_space<vmem>>, vector<2512x64xf32>
    %get3A_12 = arith.constant 0 : index
    %get3A_13 = arith.constant 0 : index
    %get3A_14 = vector.load %arg3[%get3A_12, %get3A_13] : memref<2512x1xf32, #tpu.memory_space<vmem>>, vector<2512x1xf32>
    %mul3A = vector.broadcast %get3A_14 : vector<2512x1xf32> to vector<2512x64xf32>
    %mul3A_15 = arith.mulf %add3A, %mul3A : vector<2512x64xf32>
    %add3A_16 = arith.addf %get3A_11, %mul3A_15 : vector<2512x64xf32>
    %swap3A = arith.constant 0 : index
    %swap3A_17 = arith.constant 0 : index
    %swap3A_18 = vector.load %arg4[%swap3A, %swap3A_17] : memref<2512x64xf32, #tpu.memory_space<vmem>>, vector<2512x64xf32>
    tpu.vector_store %arg4[%swap3A, %swap3A_17], %add3A_16 {strides = array<i32>} : memref<2512x64xf32, #tpu.memory_space<vmem>>, vector<2512x64xf32>,
    return
  }
  func.func @transform_0(%arg0: i32) -> (i32, i32) {
    %c0_i32 = arith.constant 0 : i32
    %c0_i32_0 = arith.constant 0 : i32
    return %arg0, %c0_i32 : i32, i32
  }
  func.func @transform_1(%arg0: i32) -> (i32, i32, i32) {
    %c0_i32 = arith.constant 0 : i32
    %c0_i32_0 = arith.constant 0 : i32
    %c0_i32_1 = arith.constant 0 : i32
    return %c0_i32, %arg0, %c0_i32_0 : i32, i32, i32
  }
  func.func @transform_2(%arg0: i32) -> (i32, i32) {
    %c0_i32 = arith.constant 0 : i32
    %c0_i32_0 = arith.constant 0 : i32
    return %arg0, %c0_i32 : i32, i32
  }
  func.func @transform_3(%arg0: i32) -> (i32, i32) {
    %c0_i32 = arith.constant 0 : i32
    %c0_i32_0 = arith.constant 0 : i32
    return %arg0, %c0_i32 : i32, i32
  }
}

</mosaic_0001>

<sc_bundles>
// kernel: sage_segsum_d64.3.cloned.1.call-start
scs
__scs_entry_jumppad:
0x0: {  	(pc) =	sbr.rel $0x88, $3  }
0x1: {  	(tag) =	ssettag $0x0;
	lr =	simm.s32 $0x1  }
0x2: {  	[smem:$0x3F99] =	sst lr;
	_ =	strace $0xD0000000  }
0x3: {  	_ = 	snop  }
0x4: {  	_ = 	snop  }
0x5: {  	_ = 	snop  }
0x6: {  	_ = 	snop  }
0x7: {  	_ = 	snop  }
__scs_overlays_trampoline_lowered:
0x8: {  	[smem:$0x3FA8] =	sst s0  }
0x9: {  	[smem:$0x3FA9] =	sst s1  }
0xa: {  	[smem:$0x3FAA] =	sst s2  }
0xb: {  	[smem:$0x3FAB] =	sst s3  }
0xc: {  	[smem:$0x3FAC] =	sst s4  }
0xd: {  	[smem:$0x3FAD] =	sst s5  }
0xe: {  	[smem:$0x3FAE] =	sst s6  }
0xf: {  	[smem:$0x3FAF] =	sst s7  }
0x10: {  	[smem:$0x3FB0] =	sst s8  }
0x11: {  	[smem:$0x3FB1] =	sst s9;
	s0 =	simm.s32 @!p0 $0x0  }
0x12: {  	s1 =	sld [smem:$0x3F97];
	s0 =	simm.s32 @p0 $0x1  }
0x13: {  	[smem:$0x3FB2] =	sst s0;
	s0 =	simm.s32 @!p1 $0x0  }
0x14: {  	s2 =	sld [smem:$0x3F96];
	s0 =	simm.s32 @p1 $0x1  }
0x15: {  	[smem:$0x3FB3] =	sst s0;
	s0 =	simm.s32 @!p2 $0x0  }
0x16: {  	s3 =	sld [smem:$0x3FDB];
	s0 =	simm.s32 @p2 $0x1  }
0x17: {  	s4 =	simm.s32 $0x1BF5;
	[smem:$0x3FB5] =	sst s0  }
0x18: {  	s0 =	sld [smem:$0x3F98];
	_ =	swait.ge [sflag:s4], $0x0  }
0x19: {  	s7 =	sld [smem:$0x3F99]  }
0x1a: {  	s8 =	sadd.s32 $0xFFFFE003, lr  }
0x1b: {  	s9 =	sadd.s32 $0xFFFFFEF7, lr;
	s5 =	simm.s32 $0xFFFFFFFF;
	p2 =	slt.u32 s8, $0xFFFFF086  }
0x1c: {  	p1 =	slt.u32 s9, $0xF7A;
	s5 =	simm.s32 @!p2 $0x0  }
0x1d: {  	s5 =	simm.s32 @p1 $0x1;
	p0 =	seq.s32 s7, s2  }
0x1e: {  	s7 =	smul.u32 @!p0 $0xF7A, s2;
	p2 =	seq.s32 @!p0 s5, $0x0  }
0x1f: {  	s9 =	smul.u32 $0xF7A, s1;
	s8 =	simm.s32 @!p0 $0x1BF5;
	p2 =	por !p2, p0  }
0x20: {  	[sflag:s8] =	ssyncset.s32 @!p0 $0xFFFFF086;
	s6 =	sadd.s32 @!p0 s3, s7;
	s7 =	simm.s32 @!p0 $0x108  }
0x21: {  	s3 =	sadd.s32 s3, s9;
	s6 =	sadd.s32 @!p0 $0x88, s6;
	s7 =	simm.s32 @p2 $0x1082  }
0x22: {  	[simem:s7], [sflag:s8] =	dma.local @!p0 [hbm:s6], $0xF7A  }
0x23: {  	s9 =	sor.u32 $0xD0000000, s2;
	s6 =	simm.s32 $0x108;
	_ =	swait.ge @!p0 [sflag:s8], $0x0  }
0x24: {  	s3 =	sadd.s32 $0x88, s3;
	s6 =	simm.s32 @!p1 $0x1082;
	[sflag:s4] =	ssyncset.s32 $0xFFFFF086  }
0x25: {  	[simem:s6], [sflag:s4] =	dma.local [hbm:s3], $0xF7A  }
0x26: {  	[smem:$0x3F99] =	sst s1;
	(tag) =	ssettag s2;
	_ =	strace s9  }
0x27: {  	s1 =	sld [smem:$0x3FA9]  }
0x28: {  	s2 =	sld [smem:$0x3FAA]  }
0x29: {  	s4 =	sld [smem:$0x3FAC]  }
0x2a: {  	p0 =	seq.s32 s5, $0x0;
	s5 =	sld [smem:$0x3FAD]  }
0x2b: {  	s6 =	sld [smem:$0x3FAE]  }
0x2c: {  	s7 =	sld [smem:$0x3FAF]  }
0x2d: {  	s3 =	simm.s32 $0x108;
	s8 =	sld [smem:$0x3FB0]  }
0x2e: {  	s3 =	simm.s32 @!p0 $0x1082;
	s9 =	sld [smem:$0x3FB1]  }
0x2f: {  	lr =	sadd.s32 s0, s3;
	s0 =	sld [smem:$0x3FA8]  }
0x30: {  	s3 =	sld [smem:$0x3FAB]  }
0x31: {  	[smem:$0x3FB4] =	sst s10  }
0x32: {  	s10 =	sld [smem:$0x3FB2];
	_ =	sdelay $0x3  }
0x33: {  	p0 =	seq.s32 s10, $0x1;
	s10 =	sld [smem:$0x3FB4];
	_ =	sdelay $0x3  }
0x34: {  	[smem:$0x3FB4] =	sst s10  }
0x35: {  	s10 =	sld [smem:$0x3FB3];
	_ =	sdelay $0x3  }
0x36: {  	p1 =	seq.s32 s10, $0x1;
	s10 =	sld [smem:$0x3FB4];
	_ =	sdelay $0x3  }
0x37: {  	[smem:$0x3FB4] =	sst s10  }
0x38: {  	s10 =	sld [smem:$0x3FB5]  }
0x39: {  	_ = 	snop;
	(pc) =	sbr.ind lr, $3  }
0x3a: {  	_ = 	snop  }
0x3b: {  	_ = 	snop  }
0x3c: {  	p2 =	seq.s32 s10, $0x1;
	s10 =	sld [smem:$0x3FB4]  }
0x3d: {  	_ =	shalt  }
0x3e: {  	_ =	shalt  }
0x3f: {  	_ =	shalt  }
0x40: {  	_ =	shalt  }
0x41: {  	_ =	shalt  }
0x42: {  	_ =	shalt  }
0x43: {  	_ =	shalt  }
0x44: {  	_ =	shalt  }
0x45: {  	_ =	shalt  }
0x46: {  	_ =	shalt  }
0x47: {  	_ =	shalt  }
0x48: {  	_ =	shalt  }
0x49: {  	_ =	shalt  }
0x4a: {  	_ =	shalt  }
0x4b: {  	_ =	shalt  }
0x4c: {  	_ =	shalt  }
0x4d: {  	_ =	shalt  }
0x4e: {  	_ =	shalt  }
0x4f: {  	_ =	shalt  }
0x50: {  	_ =	shalt  }
0x51: {  	_ =	shalt  }
0x52: {  	_ =	shalt  }
0x53: {  	_ =	shalt  }
0x54: {  	_ =	shalt  }
0x55: {  	_ =	shalt  }
0x56: {  	_ =	shalt  }
0x57: {  	_ =	shalt  }
0x58: {  	_ =	shalt  }
0x59: {  	_ =	shalt  }
0x5a: {  	_ =	shalt  }
0x5b: {  	_ =	shalt  }
0x5c: {  	_ =	shalt  }
0x5d: {  	_ =	shalt  }
0x5e: {  	_ =	shalt  }
0x5f: {  	_ =	shalt  }
0x60: {  	_ =	shalt  }
0x61: {  	_ =	shalt  }
0x62: {  	_ =	shalt  }
0x63: {  	_ =	shalt  }
0x64: {  	_ =	shalt  }
0x65: {  	_ =	shalt  }
0x66: {  	_ =	shalt  }
0x67: {  	_ =	shalt  }
0x68: {  	_ =	shalt  }
0x69: {  	_ =	shalt  }
0x6a: {  	_ =	shalt  }
0x6b: {  	_ =	shalt  }
0x6c: {  	_ =	shalt  }
0x6d: {  	_ =	shalt  }
0x6e: {  	_ =	shalt  }
0x6f: {  	_ =	shalt  }
0x70: {  	_ =	shalt  }
0x71: {  	_ =	shalt  }
0x72: {  	_ =	shalt  }
0x73: {  	_ =	shalt  }
0x74: {  	_ =	shalt  }
0x75: {  	_ =	shalt  }
0x76: {  	_ =	shalt  }
0x77: {  	_ =	shalt  }
0x78: {  	_ =	shalt  }
0x79: {  	_ =	shalt  }
0x7a: {  	_ =	shalt  }
0x7b: {  	_ =	shalt  }
0x7c: {  	_ =	shalt  }
0x7d: {  	_ =	shalt  }
0x7e: {  	_ =	shalt  }
0x7f: {  	_ =	shalt  }
0x80: {  	_ =	shalt  }
0x81: {  	_ =	shalt  }
0x82: {  	_ =	shalt  }
0x83: {  	_ =	shalt  }
0x84: {  	_ =	shalt  }
0x85: {  	_ =	shalt  }
0x86: {  	_ =	shalt  }
0x87: {  	_ =	shalt  }
.Lfunc_end0:
.L_simem_size_0:
called_computation.1_lowered:
.L_overlay_start_0:
0x88: {  	s2 =	sld [smem:$0x3FD9]  }
0x89: {  	s3 =	sld [smem:$0x3FFE];
	_ =	sdelay $0x1  }
0x8a: {  	s1 =	srdreg.scid  }
0x8b: {  	s0 =	sand.u32 $0x1, s1  }
0x8c: {  	s17 =	sshll.u32 s0, $0xA;
	s2 =	sadd.s32 s3, s2  }
0x8d: {  	s2 =	sadd.s32 s2, s17  }
0x8e: {  	[smem:$0x3FC0] =	sst s2  }
0x8f: {  	_ = 	snop  }
0x90: {  	s2 =	sld [smem:$0x3FD0];
	(tm) =	ssettm $0x1  }
0x91: {  	s18 =	sld [smem:$0x3FFB];
	_ =	sdelay $0x3  }
0x92: {  	_ =	strace s18  }
0x93: {  	s3 =	sld [smem:$0x3FFC];
	_ =	sdelay $0x3  }
0x94: {  	_ =	strace s3  }
0x95: {  	s3 =	sld [smem:$0x3FFD];
	_ =	sdelay $0x3  }
0x96: {  	_ =	strace s3  }
0x97: {  	_ =	strace $0x8FFFFFFF  }
0x98: {  	s19 =	sld [smem:$0x3FDB];
	_ =	sdelay $0x1  }
0x99: {  	s4 =	simm.s32 $_scs_section_size  }
0x9a: {  	s5 =	simm.s32 $_size__tile_overlayer_lowered;
	s6 =	simm.s32 $_tile_overlayer_lowered  }
0x9b: {  	s22 =	simm.s32 $0x1BFF;
	s21 =	sshll.u32 s6, $0x1;
	s3 =	sadd.s32 s4, s19  }
0x9c: {  	s7 =	simm.s32 $0x0;
	s20 =	sshll.u32 s5, $0x1;
	s5 =	sadd.s32 s21, s3  }
0x9d: {  	[timem:s7], [sflag:s22] =	dma.local [hbm:s5], s20  }
0x9e: {  	_ =	swait.ge [sflag:s22], s20  }
0x9f: {  	s4 =	ssub.s32 $0x0, s20;
	[sflag:s22] =	ssyncset.done $0x0  }
0xa0: {  	[sflag:s22] =	ssyncadd.s32 s4;
	_ =	sdelay $0x1  }
0xa1: {  	s23 =	simm.s32 $0x1B8B  }
0xa2: {  	_ =	swait.ge [sflag:s23], $0x1  }
0xa3: {  	[sflag:s23] =	ssyncset.done $0x0  }
0xa4: {  	s25 =	simm.s32 $0x1B8E;
	s24 =	sld [smem:$0x3FFE];
	[sflag:s23] =	ssyncadd.s32 $0xFFFFFFFF  }
0xa5: {  	s26 =	simm.s32 $execute0_lowered;
	[smem:$0x3FD2] =	sst s25  }
0xa6: {  	s5 =	sshll.u32 s26, $0x1;
	_ =	strace $0x80000049;
	[dreg:$0x1] =	wrdreg $0xFFFFFFFF  }
0xa7: {  	s28 =	simm.s32 $_size_execute0_lowered;
	s3 =	sadd.s32 s3, s5;
	[dreg:$0x0] =	wrdreg $0x0  }
0xa8: {  	s5 =	sshll.u32 s28, $0x1;
	[dreg:$0x2] =	wrdreg s3  }
0xa9: {  	[dreg:$0x3] =	wrdreg s5  }
0xaa: {  	[dreg:$0x4] =	wrdreg $0xC0  }
0xab: {  	_ =	task [dreg:s7], $0x5FFFF  }
0xac: {  	[dreg:$0x1] =	wrdreg $0xFFFFFFFF  }
0xad: {  	[dreg:$0x0] =	wrdreg $0x60  }
0xae: {  	[dreg:$0x2] =	wrdreg s2  }
0xaf: {  	[dreg:$0x3] =	wrdreg s24  }
0xb0: {  	[dreg:$0x4] =	wrdreg $0xA8000  }
0xb1: {  	[dreg:$0x5] =	wrdreg $0x145000  }
0xb2: {  	[dreg:$0x6] =	wrdreg $0x9  }
0xb3: {  	_ =	task.clear_ibuf [dreg:s7], $0x7FFFF;
	_ =	strace $0x90000049  }
0xb4: {  	s29 =	simm.s32 $0x9;
	_ =	strace $0x8000004B  }
0xb5: {  	_ =	swait.ge [sflag:s29], $0x1  }
0xb6: {  	[sflag:s29] =	ssyncadd.s32 $0xFFFFFFFF  }
0xb7: {  	_ =	strace $0x9000004B  }
0xb8: {  	_ =	sfence  }
0xb9: {  	s30 =	sld [smem:$0x0];
	_ =	sdelay $0x2  }
0xba: {  	s31 =	sshll.u32 s1, $0xD;
	s1 =	sshrl.u32 s1, $0x2  }
0xbb: {  	s3 =	sand.u32 $0x4000, s31;
	s1 =	sadd.s32 s1, s30  }
0xbc: {  	s0 =	sor.u32 s3, s0;
	s1 =	sshll.u32 s1, $0x11  }
0xbd: {  	s0 =	sor.u32 s1, s0  }
0xbe: {  	s0 =	sadd.s32 $0x8F2B, s0  }
0xbf: {  	[sflag:s0] =	ssyncadd.remote.s32 $0x1  }
0xc0: {  	_ =	sfence.sel $0xFFFF  }
0xc1: {  	[dreg:$0x0] =	wrdreg $0xFFFFFFFF;
	(pc) =	sbr.abs _section_cstart, $3  }
0xc2: {  	[dreg:$0x1] =	wrdreg $0xFFFFFFFF  }
0xc3: {  	_ =	task.clear_ibuf [dreg:s7], $0x2FFFF;
	_ =	strace $0x9FFFFFFF  }
0xc4: {  	(tm) =	ssettm $0x7FFFFFFF  }
0xc5: {  	_ =	shalt  }
tec
execute0_lowered:
.L_overlay_start_1:
0x0: {  	(tag) =	ssettag $0x1  }
0x1: {  	s0 =	rddreg [dreg:$0x0]  }
0x2: {  	s2 =	rddreg [dreg:$0x1]  }
0x3: {  	s1 =	rddreg [dreg:$0x2]  }
0x4: {  	s3 =	rddreg [dreg:$0x3];
	s4 =	simm.s32 $0x0  }
0x5: {  	s5 =	srdreg.scid;
	s13 =	stileid.u32;
	s28 =	simm.s32 $0x3  }
0x6: {  	s29 =	simm.s32 $0x4;
	s30 =	simm.s32 $0x5;
	s31 =	simm.s32 $0x6  }
0x7: {  	[smem:$0x7FF] =	sst s4;
	s5 =	sand.u32 $0x1, s5;
	s6 =	smul.u32 $0x9D00, s13  }
0x8: {  	s7 =	sadd.s32 $0x37000, s2;
	s10 =	sadd.s32 $0x2D000, s2;
	s9 =	sadd.s32 $0xC00, s2  }
0x9: {  	s14 =	sshll.u32 s13, $0x1;
	s21 =	sshll.u32 s13, $0x6;
	_ =	strace $0x8000004A  }
0xa: {  	s8 =	smul.u32 $0x9D000, s5;
	[dreg:$0x5] =	wrdreg s9;
	s11 =	ssub.s32 $0x2, s5  }
0xb: {  	s5 =	sor.u32 s5, s14;
	s9 =	sor.u32 $0x1C0A, s21;
	s21 =	simm.s32 $0x4800  }
0xc: {  	s14 =	simm.s32 $0x2780;
	s15 =	sshrl.u32 s11, $0x1;
	s12 =	smul.u32 $0x500, s5  }
0xd: {  	s5 =	smul.u32 $0x2800, s5;
	s19 =	sadd.s32 s6, s1;
	s20 =	sshrl.u32 s6, $0x3  }
0xe: {  	s23 =	sadd.s32 s6, s3;
	s8 =	sadd.s32 s6, s8;
	s16 =	ssub.s32 s11, s15  }
0xf: {  	s0 =	sadd.s32 s0, s20;
	s15 =	sshrl.u32 s19, $0x3;
	s19 =	simm.s32 $0x80  }
0x10: {  	s20 =	simm.s32 $0x2800;
	s6 =	simm.s32 $0x2600;
	s8 =	sshrl.u32 s8, $0x3  }
0x11: {  	s17 =	sadd.s32 s7, s12;
	s18 =	sadd.s32 s10, s12;
	[dreg:$0x8] =	wrdreg s0  }
0x12: {  	s5 =	sshrl.u32 s5, $0x3;
	s26 =	smax.u32 s16, $0x1;
	[dreg:$0x6] =	wrdreg s17  }
0x13: {  	s16 =	simm.s32 $0xA;
	s2 =	sadd.s32 s8, s2;
	[dreg:$0x7] =	wrdreg s18  }
0x14: {  	s22 =	sadd.s32 $0x280, s5;
	[dreg:$0xc] =	wrdreg s26;
	s17 =	sshrl.u32 s23, $0x3  }
0x15: {  	s18 =	simm.s32 $0x1;
	s23 =	simm.s32 $0x6800;
	s26 =	simm.s32 $0x2  }
0x16: {  	s5 =	simm.s32 $0x9;
	s8 =	simm.s32 $0x2700;
	s24 =	sadd.s32 s7, s22  }
0x17: {  	s0 =	sadd.s32 s10, s22;
	s25 =	sadd.s32 $0x2000, s2;
	[dreg:$0x9] =	wrdreg s24  }
0x18: {  	s22 =	simm.s32 $0x100;
	s2 =	simm.s32 $0x8;
	[dreg:$0xa] =	wrdreg s0  }
0x19: {  	s7 =	simm.s32 $0x2680;
	s10 =	simm.s32 $0x0;
	[dreg:$0xb] =	wrdreg s25  }
0x1a: {  	s24 =	simm.s32 $0x180;
	s25 =	simm.s32 $0x8800;
	s0 =	simm.s32 $0x7  }
.LBB2_1:
0x1b: {  	s11 =	rddreg [dreg:$0x6]  }
0x1c: {  	[tilespmem:s4], [sflag:$0x1] =	stream.linear.gather [hbm4b:s11+s4], $0x1400, $0x38;
	[tilespmem:$0x1E200] =	vst v63  }
0x1d: {  	s13 =	rddreg [dreg:$0x7];
	s12 =	simm.s32 $0x1400  }
0x1e: {  	[tilespmem:s12], [sflag:$0x1] =	stream.linear.gather [hbm4b:s13+s4], $0x1400, $0x38;
	[tilespmem:$0x1E200] =	vst v63  }
0x1f: {  	s13 =	rddreg [dreg:$0x8]  }
0x20: {  	[spmem:s15], [sflag:s9] =	dma.local [hbm:s13], $0x13A0  }
0x21: {  	_ =	swait.ge [sflag:s16], $0x13A0  }
0x22: {  	[sflag:s16] =	ssyncset.done $0x0  }
0x23: {  	s12 =	rddreg [dreg:$0x5];
	[sflag:s16] =	ssyncadd.s32 $0xFFFFEC60  }
0x24: {  	[spmem:s17], [sflag:s9] =	dma.local [hbm:s12], $0x13A0  }
0x25: {  	_ =	swait.ge [sflag:s16], $0x13A0  }
0x26: {  	[sflag:s16] =	ssyncset.done $0x0  }
0x27: {  	[sflag:s16] =	ssyncadd.s32 $0xFFFFEC60  }
0x28: {  	_ =	swait.ge [sflag:s18], $0x1400  }
0x29: {  	[sflag:s18] =	ssyncset.done $0x0  }
0x2a: {  	[sflag:s18] =	ssyncadd.s32 $0xFFFFEC00  }
0x2b: {  	_ =	swait.ge [sflag:s18], $0x1400  }
0x2c: {  	[sflag:s18] =	ssyncset.done $0x0  }
0x2d: {  	[sflag:s18] =	ssyncadd.s32 $0xFFFFEC00  }
0x2e: {  	[bflag:$0x0] =	sbarrier.arrive $0xFFFF  }
0x2f: {  	[tilespmem:s20], [sflag:$0x2] =	stream.indirect.gather [spmem:s1], $0x40, s4, s19, $0xb8;
	[tilespmem:$0x1E200] =	vst v63  }
0x30: {  	_ = 	snop  }
0x31: {  	[tilespmem:s21], [sflag:$0x3] =	stream.indirect.gather [spmem:s1], $0x40, s19, s19, $0xb8;
	[tilespmem:$0x1E200] =	vst v63  }
0x32: {  	_ = 	snop  }
0x33: {  	[tilespmem:s23], [sflag:$0x4] =	stream.indirect.gather [spmem:s1], $0x40, s22, s19, $0xb8;
	[tilespmem:$0x1E200] =	vst v63  }
0x34: {  	_ = 	snop  }
0x35: {  	[tilespmem:s25], [sflag:$0x5] =	stream.indirect.gather [spmem:s1], $0x40, s24, s19, $0xb8;
	[tilespmem:$0x1E200] =	vst v63  }
0x36: {  	_ =	swait.ge [sflag:s26], $0x2000  }
0x37: {  	[sflag:s26] =	ssyncset.done $0x0  }
0x38: {  	s13 =	simm.s32 $0x1400;
	[sflag:s26] =	ssyncadd.s32 $0xFFFFE000  }
0x39: {  	[spmem:s3] =	stream.indirect.scatter.add.f32 [tilespmem:s20], [sflag:$0x6], $0x40, s13, s19, $0xb8;
	[tilespmem:$0x1E200] =	vst v63  }
0x3a: {  	_ =	swait.ge [sflag:s28], $0x2000  }
0x3b: {  	[sflag:s28] =	ssyncset.done $0x0  }
0x3c: {  	s12 =	simm.s32 $0x1480;
	[sflag:s28] =	ssyncadd.s32 $0xFFFFE000  }
0x3d: {  	[spmem:s3] =	stream.indirect.scatter.add.f32 [tilespmem:s21], [sflag:$0x7], $0x40, s12, s19, $0xb8;
	[tilespmem:$0x1E200] =	vst v63  }
0x3e: {  	_ =	swait.ge [sflag:s29], $0x2000  }
0x3f: {  	[sflag:s29] =	ssyncset.done $0x0  }
0x40: {  	s13 =	simm.s32 $0x1500;
	[sflag:s29] =	ssyncadd.s32 $0xFFFFE000  }
0x41: {  	[spmem:s3] =	stream.indirect.scatter.add.f32 [tilespmem:s23], [sflag:$0x8], $0x40, s13, s19, $0xb8;
	[tilespmem:$0x1E200] =	vst v63  }
0x42: {  	_ =	swait.ge [sflag:s30], $0x2000  }
0x43: {  	[sflag:s30] =	ssyncset.done $0x0  }
0x44: {  	s12 =	simm.s32 $0x1580;
	[sflag:s30] =	ssyncadd.s32 $0xFFFFE000  }
0x45: {  	[spmem:s3] =	stream.indirect.scatter.add.f32 [tilespmem:s25], [sflag:$0x9], $0x40, s12, s19, $0xb8;
	[tilespmem:$0x1E200] =	vst v63  }
0x46: {  	_ =	swait.ge [sflag:s31], $0x2000  }
0x47: {  	[sflag:s31] =	ssyncset.done $0x0  }
0x48: {  	s13 =	simm.s32 $0x200;
	[sflag:s31] =	ssyncadd.s32 $0xFFFFE000  }
0x49: {  	[tilespmem:s20], [sflag:$0x2] =	stream.indirect.gather [spmem:s1], $0x40, s13, s19, $0xb8;
	[tilespmem:$0x1E200] =	vst v63  }
0x4a: {  	_ =	swait.ge [sflag:s0], $0x2000  }
0x4b: {  	[sflag:s0] =	ssyncset.done $0x0  }
0x4c: {  	s12 =	simm.s32 $0x280;
	[sflag:s0] =	ssyncadd.s32 $0xFFFFE000  }
0x4d: {  	[tilespmem:s21], [sflag:$0x3] =	stream.indirect.gather [spmem:s1], $0x40, s12, s19, $0xb8;
	[tilespmem:$0x1E200] =	vst v63  }
0x4e: {  	_ =	swait.ge [sflag:s2], $0x2000  }
0x4f: {  	[sflag:s2] =	ssyncset.done $0x0  }
0x50: {  	s13 =	simm.s32 $0x300;
	[sflag:s2] =	ssyncadd.s32 $0xFFFFE000  }
0x51: {  	[tilespmem:s23], [sflag:$0x4] =	stream.indirect.gather [spmem:s1], $0x40, s13, s19, $0xb8;
	[tilespmem:$0x1E200] =	vst v63  }
0x52: {  	_ =	swait.ge [sflag:s5], $0x2000  }
0x53: {  	[sflag:s5] =	ssyncset.done $0x0  }
0x54: {  	s11 =	simm.s32 $0x800;
	s12 =	simm.s32 $0x380;
	[sflag:s5] =	ssyncadd.s32 $0xFFFFE000  }
.LBB2_2:
0x55: {  	[tilespmem:s25], [sflag:$0x5] =	stream.indirect.gather [spmem:s1], $0x40, s12, s19, $0xb8;
	[tilespmem:$0x1E200] =	vst v63  }
0x56: {  	s12 =	smov.u32 s11  }
0x57: {  	p0 =	sne.s32 s11, $0x4000;
	s11 =	sadd.s32 $0x800, s11;
	_ =	swait.ge [sflag:s26], $0x2000  }
0x58: {  	s12 =	sshra.s32 s12, $0x2;
	[sflag:s26] =	ssyncset.done $0x0  }
0x59: {  	s13 =	sadd.s32 $0x1400, s12;
	[sflag:s26] =	ssyncadd.s32 $0xFFFFE000  }
0x5a: {  	[spmem:s3] =	stream.indirect.scatter.add.f32 [tilespmem:s20], [sflag:$0x6], $0x40, s13, s19, $0xb8;
	[tilespmem:$0x1E200] =	vst v63  }
0x5b: {  	_ =	swait.ge [sflag:s28], $0x2000  }
0x5c: {  	[sflag:s28] =	ssyncset.done $0x0  }
0x5d: {  	s13 =	sadd.s32 $0x1480, s12;
	[sflag:s28] =	ssyncadd.s32 $0xFFFFE000  }
0x5e: {  	[spmem:s3] =	stream.indirect.scatter.add.f32 [tilespmem:s21], [sflag:$0x7], $0x40, s13, s19, $0xb8;
	[tilespmem:$0x1E200] =	vst v63  }
0x5f: {  	_ =	swait.ge [sflag:s29], $0x2000  }
0x60: {  	[sflag:s29] =	ssyncset.done $0x0  }
0x61: {  	s13 =	sadd.s32 $0x1500, s12;
	[sflag:s29] =	ssyncadd.s32 $0xFFFFE000  }
0x62: {  	[spmem:s3] =	stream.indirect.scatter.add.f32 [tilespmem:s23], [sflag:$0x8], $0x40, s13, s19, $0xb8;
	[tilespmem:$0x1E200] =	vst v63  }
0x63: {  	_ =	swait.ge [sflag:s30], $0x2000  }
0x64: {  	[sflag:s30] =	ssyncset.done $0x0  }
0x65: {  	s13 =	sadd.s32 $0x1580, s12;
	[sflag:s30] =	ssyncadd.s32 $0xFFFFE000  }
0x66: {  	[spmem:s3] =	stream.indirect.scatter.add.f32 [tilespmem:s25], [sflag:$0x9], $0x40, s13, s19, $0xb8;
	[tilespmem:$0x1E200] =	vst v63  }
0x67: {  	_ =	swait.ge [sflag:s31], $0x2000  }
0x68: {  	[sflag:s31] =	ssyncset.done $0x0  }
0x69: {  	s13 =	sadd.s32 $0x200, s12;
	[sflag:s31] =	ssyncadd.s32 $0xFFFFE000  }
0x6a: {  	[tilespmem:s20], [sflag:$0x2] =	stream.indirect.gather [spmem:s1], $0x40, s13, s19, $0xb8;
	[tilespmem:$0x1E200] =	vst v63  }
0x6b: {  	_ =	swait.ge [sflag:s0], $0x2000  }
0x6c: {  	[sflag:s0] =	ssyncset.done $0x0  }
0x6d: {  	s13 =	sadd.s32 $0x280, s12;
	[sflag:s0] =	ssyncadd.s32 $0xFFFFE000  }
0x6e: {  	[tilespmem:s21], [sflag:$0x3] =	stream.indirect.gather [spmem:s1], $0x40, s13, s19, $0xb8;
	[tilespmem:$0x1E200] =	vst v63  }
0x6f: {  	_ =	swait.ge [sflag:s2], $0x2000  }
0x70: {  	[sflag:s2] =	ssyncset.done $0x0  }
.Ltmp0:
0x71: {  	s13 =	sadd.s32 $0x300, s12;
	[sflag:s2] =	ssyncadd.s32 $0xFFFFE000;
	(pc) =	sbr.rel @p0 .LBB2_2-.Ltmp0, $4  }
0x72: {  	[tilespmem:s23], [sflag:$0x4] =	stream.indirect.gather [spmem:s1], $0x40, s13, s19, $0xb8;
	[tilespmem:$0x1E200] =	vst v63  }
0x73: {  	_ =	swait.ge [sflag:s5], $0x2000  }
0x74: {  	[sflag:s5] =	ssyncset.done $0x0  }
0x75: {  	s12 =	sadd.s32 $0x380, s12;
	[sflag:s5] =	ssyncadd.s32 $0xFFFFE000  }
0x76: {  	[tilespmem:s25], [sflag:$0x5] =	stream.indirect.gather [spmem:s1], $0x40, s12, s19, $0xb8;
	[tilespmem:$0x1E200] =	vst v63  }
0x77: {  	_ =	swait.ge [sflag:s26], $0x2000  }
0x78: {  	[sflag:s26] =	ssyncset.done $0x0  }
0x79: {  	[sflag:s26] =	ssyncadd.s32 $0xFFFFE000  }
0x7a: {  	[spmem:s3] =	stream.indirect.scatter.add.f32 [tilespmem:s20], [sflag:$0x6], $0x40, s6, s19, $0xb8;
	[tilespmem:$0x1E200] =	vst v63  }
0x7b: {  	_ =	swait.ge [sflag:s28], $0x2000  }
0x7c: {  	[sflag:s28] =	ssyncset.done $0x0  }
0x7d: {  	[sflag:s28] =	ssyncadd.s32 $0xFFFFE000  }
0x7e: {  	[spmem:s3] =	stream.indirect.scatter.add.f32 [tilespmem:s21], [sflag:$0x7], $0x40, s7, s19, $0xb8;
	[tilespmem:$0x1E200] =	vst v63  }
0x7f: {  	_ =	swait.ge [sflag:s29], $0x2000  }
0x80: {  	[sflag:s29] =	ssyncset.done $0x0  }
0x81: {  	[sflag:s29] =	ssyncadd.s32 $0xFFFFE000  }
0x82: {  	[spmem:s3] =	stream.indirect.scatter.add.f32 [tilespmem:s23], [sflag:$0x8], $0x40, s8, s19, $0xb8;
	[tilespmem:$0x1E200] =	vst v63  }
0x83: {  	_ =	swait.ge [sflag:s30], $0x2000  }
0x84: {  	[sflag:s30] =	ssyncset.done $0x0  }
0x85: {  	[sflag:s30] =	ssyncadd.s32 $0xFFFFE000  }
0x86: {  	[spmem:s3] =	stream.indirect.scatter.add.f32 [tilespmem:s25], [sflag:$0x9], $0x40, s14, s19, $0xb8;
	[tilespmem:$0x1E200] =	vst v63  }
0x87: {  	_ =	swait.ge [sflag:s31], $0x2000  }
0x88: {  	[sflag:s31] =	ssyncset.done $0x0  }
0x89: {  	[sflag:s31] =	ssyncadd.s32 $0xFFFFE000  }
0x8a: {  	_ =	swait.ge [sflag:s0], $0x2000  }
0x8b: {  	[sflag:s0] =	ssyncset.done $0x0  }
0x8c: {  	[sflag:s0] =	ssyncadd.s32 $0xFFFFE000  }
0x8d: {  	_ =	swait.ge [sflag:s2], $0x2000  }
0x8e: {  	[sflag:s2] =	ssyncset.done $0x0  }
0x8f: {  	[sflag:s2] =	ssyncadd.s32 $0xFFFFE000  }
0x90: {  	_ =	swait.ge [sflag:s5], $0x2000  }
0x91: {  	[sflag:s5] =	ssyncset.done $0x0  }
0x92: {  	s11 =	simm.s32 $0x0;
	s13 =	rddreg [dreg:$0x9];
	[sflag:s5] =	ssyncadd.s32 $0xFFFFE000  }
0x93: {  	[tilespmem:s11], [sflag:$0xA] =	stream.linear.gather [hbm4b:s13+s11], $0x1400, $0x38;
	[tilespmem:$0x1E200] =	vst v63  }
0x94: {  	_ =	swait.ge [sflag:s16], $0x1400  }
0x95: {  	[sflag:s16] =	ssyncset.done $0x0  }
0x96: {  	s13 =	simm.s32 $0x1400;
	s12 =	rddreg [dreg:$0xa];
	[sflag:s16] =	ssyncadd.s32 $0xFFFFEC00  }
0x97: {  	[tilespmem:s13], [sflag:$0xA] =	stream.linear.gather [hbm4b:s12+s11], $0x1400, $0x38;
	[tilespmem:$0x1E200] =	vst v63  }
0x98: {  	_ =	swait.ge [sflag:s16], $0x1400  }
0x99: {  	[sflag:s16] =	ssyncset.done $0x0  }
0x9a: {  	[sflag:s16] =	ssyncadd.s32 $0xFFFFEC00  }
0x9b: {  	[tilespmem:s20], [sflag:$0x2] =	stream.indirect.gather [spmem:s1], $0x40, s11, s19, $0xb8;
	[tilespmem:$0x1E200] =	vst v63  }
0x9c: {  	_ = 	snop  }
0x9d: {  	[tilespmem:s21], [sflag:$0x3] =	stream.indirect.gather [spmem:s1], $0x40, s19, s19, $0xb8;
	[tilespmem:$0x1E200] =	vst v63  }
0x9e: {  	_ = 	snop  }
0x9f: {  	[tilespmem:s23], [sflag:$0x4] =	stream.indirect.gather [spmem:s1], $0x40, s22, s19, $0xb8;
	[tilespmem:$0x1E200] =	vst v63  }
0xa0: {  	_ = 	snop  }
0xa1: {  	[tilespmem:s25], [sflag:$0x5] =	stream.indirect.gather [spmem:s1], $0x40, s24, s19, $0xb8;
	[tilespmem:$0x1E200] =	vst v63  }
0xa2: {  	_ =	swait.ge [sflag:s26], $0x2000  }
0xa3: {  	[sflag:s26] =	ssyncset.done $0x0  }
0xa4: {  	s13 =	simm.s32 $0x1400;
	[sflag:s26] =	ssyncadd.s32 $0xFFFFE000  }
0xa5: {  	[spmem:s3] =	stream.indirect.scatter.add.f32 [tilespmem:s20], [sflag:$0x6], $0x40, s13, s19, $0xb8;
	[tilespmem:$0x1E200] =	vst v63  }
0xa6: {  	_ =	swait.ge [sflag:s28], $0x2000  }
0xa7: {  	[sflag:s28] =	ssyncset.done $0x0  }
0xa8: {  	s12 =	simm.s32 $0x1480;
	[sflag:s28] =	ssyncadd.s32 $0xFFFFE000  }
0xa9: {  	[spmem:s3] =	stream.indirect.scatter.add.f32 [tilespmem:s21], [sflag:$0x7], $0x40, s12, s19, $0xb8;
	[tilespmem:$0x1E200] =	vst v63  }
0xaa: {  	_ =	swait.ge [sflag:s29], $0x2000  }
0xab: {  	[sflag:s29] =	ssyncset.done $0x0  }
0xac: {  	s13 =	simm.s32 $0x1500;
	[sflag:s29] =	ssyncadd.s32 $0xFFFFE000  }
0xad: {  	[spmem:s3] =	stream.indirect.scatter.add.f32 [tilespmem:s23], [sflag:$0x8], $0x40, s13, s19, $0xb8;
	[tilespmem:$0x1E200] =	vst v63  }
0xae: {  	_ =	swait.ge [sflag:s30], $0x2000  }
0xaf: {  	[sflag:s30] =	ssyncset.done $0x0  }
0xb0: {  	s12 =	simm.s32 $0x1580;
	[sflag:s30] =	ssyncadd.s32 $0xFFFFE000  }
0xb1: {  	[spmem:s3] =	stream.indirect.scatter.add.f32 [tilespmem:s25], [sflag:$0x9], $0x40, s12, s19, $0xb8;
	[tilespmem:$0x1E200] =	vst v63  }
0xb2: {  	_ =	swait.ge [sflag:s31], $0x2000  }
0xb3: {  	[sflag:s31] =	ssyncset.done $0x0  }
0xb4: {  	s13 =	simm.s32 $0x200;
	[sflag:s31] =	ssyncadd.s32 $0xFFFFE000  }
0xb5: {  	[tilespmem:s20], [sflag:$0x2] =	stream.indirect.gather [spmem:s1], $0x40, s13, s19, $0xb8;
	[tilespmem:$0x1E200] =	vst v63  }
0xb6: {  	_ =	swait.ge [sflag:s0], $0x2000  }
0xb7: {  	[sflag:s0] =	ssyncset.done $0x0  }
0xb8: {  	s12 =	simm.s32 $0x280;
	[sflag:s0] =	ssyncadd.s32 $0xFFFFE000  }
0xb9: {  	[tilespmem:s21], [sflag:$0x3] =	stream.indirect.gather [spmem:s1], $0x40, s12, s19, $0xb8;
	[tilespmem:$0x1E200] =	vst v63  }
0xba: {  	_ =	swait.ge [sflag:s2], $0x2000  }
0xbb: {  	[sflag:s2] =	ssyncset.done $0x0  }
0xbc: {  	s13 =	simm.s32 $0x300;
	[sflag:s2] =	ssyncadd.s32 $0xFFFFE000  }
0xbd: {  	[tilespmem:s23], [sflag:$0x4] =	stream.indirect.gather [spmem:s1], $0x40, s13, s19, $0xb8;
	[tilespmem:$0x1E200] =	vst v63  }
0xbe: {  	_ =	swait.ge [sflag:s5], $0x2000  }
0xbf: {  	[sflag:s5] =	ssyncset.done $0x0  }
0xc0: {  	s11 =	simm.s32 $0x800;
	s12 =	simm.s32 $0x380;
	[sflag:s5] =	ssyncadd.s32 $0xFFFFE000  }
.LBB2_4:
0xc1: {  	[tilespmem:s25], [sflag:$0x5] =	stream.indirect.gather [spmem:s1], $0x40, s12, s19, $0xb8;
	[tilespmem:$0x1E200] =	vst v63  }
0xc2: {  	s12 =	smov.u32 s11  }
0xc3: {  	p0 =	sne.s32 s11, $0x4000;
	s11 =	sadd.s32 $0x800, s11;
	_ =	swait.ge [sflag:s26], $0x2000  }
0xc4: {  	s12 =	sshra.s32 s12, $0x2;
	[sflag:s26] =	ssyncset.done $0x0  }
0xc5: {  	s13 =	sadd.s32 $0x1400, s12;
	[sflag:s26] =	ssyncadd.s32 $0xFFFFE000  }
0xc6: {  	[spmem:s3] =	stream.indirect.scatter.add.f32 [tilespmem:s20], [sflag:$0x6], $0x40, s13, s19, $0xb8;
	[tilespmem:$0x1E200] =	vst v63  }
0xc7: {  	_ =	swait.ge [sflag:s28], $0x2000  }
0xc8: {  	[sflag:s28] =	ssyncset.done $0x0  }
0xc9: {  	s13 =	sadd.s32 $0x1480, s12;
	[sflag:s28] =	ssyncadd.s32 $0xFFFFE000  }
0xca: {  	[spmem:s3] =	stream.indirect.scatter.add.f32 [tilespmem:s21], [sflag:$0x7], $0x40, s13, s19, $0xb8;
	[tilespmem:$0x1E200] =	vst v63  }
0xcb: {  	_ =	swait.ge [sflag:s29], $0x2000  }
0xcc: {  	[sflag:s29] =	ssyncset.done $0x0  }
0xcd: {  	s13 =	sadd.s32 $0x1500, s12;
	[sflag:s29] =	ssyncadd.s32 $0xFFFFE000  }
0xce: {  	[spmem:s3] =	stream.indirect.scatter.add.f32 [tilespmem:s23], [sflag:$0x8], $0x40, s13, s19, $0xb8;
	[tilespmem:$0x1E200] =	vst v63  }
0xcf: {  	_ =	swait.ge [sflag:s30], $0x2000  }
0xd0: {  	[sflag:s30] =	ssyncset.done $0x0  }
0xd1: {  	s13 =	sadd.s32 $0x1580, s12;
	[sflag:s30] =	ssyncadd.s32 $0xFFFFE000  }
0xd2: {  	[spmem:s3] =	stream.indirect.scatter.add.f32 [tilespmem:s25], [sflag:$0x9], $0x40, s13, s19, $0xb8;
	[tilespmem:$0x1E200] =	vst v63  }
0xd3: {  	_ =	swait.ge [sflag:s31], $0x2000  }
0xd4: {  	[sflag:s31] =	ssyncset.done $0x0  }
0xd5: {  	s13 =	sadd.s32 $0x200, s12;
	[sflag:s31] =	ssyncadd.s32 $0xFFFFE000  }
0xd6: {  	[tilespmem:s20], [sflag:$0x2] =	stream.indirect.gather [spmem:s1], $0x40, s13, s19, $0xb8;
	[tilespmem:$0x1E200] =	vst v63  }
0xd7: {  	_ =	swait.ge [sflag:s0], $0x2000  }
0xd8: {  	[sflag:s0] =	ssyncset.done $0x0  }
0xd9: {  	s13 =	sadd.s32 $0x280, s12;
	[sflag:s0] =	ssyncadd.s32 $0xFFFFE000  }
0xda: {  	[tilespmem:s21], [sflag:$0x3] =	stream.indirect.gather [spmem:s1], $0x40, s13, s19, $0xb8;
	[tilespmem:$0x1E200] =	vst v63  }
0xdb: {  	_ =	swait.ge [sflag:s2], $0x2000  }
0xdc: {  	[sflag:s2] =	ssyncset.done $0x0  }
.Ltmp1:
0xdd: {  	s13 =	sadd.s32 $0x300, s12;
	[sflag:s2] =	ssyncadd.s32 $0xFFFFE000;
	(pc) =	sbr.rel @p0 .LBB2_4-.Ltmp1, $4  }
0xde: {  	[tilespmem:s23], [sflag:$0x4] =	stream.indirect.gather [spmem:s1], $0x40, s13, s19, $0xb8;
	[tilespmem:$0x1E200] =	vst v63  }
0xdf: {  	_ =	swait.ge [sflag:s5], $0x2000  }
0xe0: {  	[sflag:s5] =	ssyncset.done $0x0  }
0xe1: {  	s12 =	sadd.s32 $0x380, s12;
	[sflag:s5] =	ssyncadd.s32 $0xFFFFE000  }
0xe2: {  	[tilespmem:s25], [sflag:$0x5] =	stream.indirect.gather [spmem:s1], $0x40, s12, s19, $0xb8;
	[tilespmem:$0x1E200] =	vst v63  }
0xe3: {  	_ =	swait.ge [sflag:s26], $0x2000  }
0xe4: {  	[sflag:s26] =	ssyncset.done $0x0  }
0xe5: {  	[sflag:s26] =	ssyncadd.s32 $0xFFFFE000  }
0xe6: {  	[spmem:s3] =	stream.indirect.scatter.add.f32 [tilespmem:s20], [sflag:$0x6], $0x40, s6, s19, $0xb8;
	[tilespmem:$0x1E200] =	vst v63  }
0xe7: {  	_ =	swait.ge [sflag:s28], $0x2000  }
0xe8: {  	[sflag:s28] =	ssyncset.done $0x0  }
0xe9: {  	[sflag:s28] =	ssyncadd.s32 $0xFFFFE000  }
0xea: {  	[spmem:s3] =	stream.indirect.scatter.add.f32 [tilespmem:s21], [sflag:$0x7], $0x40, s7, s19, $0xb8;
	[tilespmem:$0x1E200] =	vst v63  }
0xeb: {  	_ =	swait.ge [sflag:s29], $0x2000  }
0xec: {  	[sflag:s29] =	ssyncset.done $0x0  }
0xed: {  	[sflag:s29] =	ssyncadd.s32 $0xFFFFE000  }
0xee: {  	[spmem:s3] =	stream.indirect.scatter.add.f32 [tilespmem:s23], [sflag:$0x8], $0x40, s8, s19, $0xb8;
	[tilespmem:$0x1E200] =	vst v63  }
0xef: {  	_ =	swait.ge [sflag:s30], $0x2000  }
0xf0: {  	[sflag:s30] =	ssyncset.done $0x0  }
0xf1: {  	[sflag:s30] =	ssyncadd.s32 $0xFFFFE000  }
0xf2: {  	[spmem:s3] =	stream.indirect.scatter.add.f32 [tilespmem:s25], [sflag:$0x9], $0x40, s14, s19, $0xb8;
	[tilespmem:$0x1E200] =	vst v63  }
0xf3: {  	_ =	swait.ge [sflag:s31], $0x2000  }
0xf4: {  	[sflag:s31] =	ssyncset.done $0x0  }
0xf5: {  	[sflag:s31] =	ssyncadd.s32 $0xFFFFE000  }
0xf6: {  	_ =	swait.ge [sflag:s0], $0x2000  }
0xf7: {  	[sflag:s0] =	ssyncset.done $0x0  }
0xf8: {  	[sflag:s0] =	ssyncadd.s32 $0xFFFFE000  }
0xf9: {  	_ =	swait.ge [sflag:s2], $0x2000  }
0xfa: {  	[sflag:s2] =	ssyncset.done $0x0  }
0xfb: {  	[sflag:s2] =	ssyncadd.s32 $0xFFFFE000  }
0xfc: {  	_ =	swait.ge [sflag:s5], $0x2000  }
0xfd: {  	[sflag:s5] =	ssyncset.done $0x0  }
0xfe: {  	[sflag:s5] =	ssyncadd.s32 $0xFFFFE000  }
0xff: {  	[bflag:$0x0] =	sbarrier.arrive $0xFFFF  }
0x100: {  	s11 =	rddreg [dreg:$0xb]  }
0x101: {  	[hbm:s11], [sflag:s9] =	dma.local [spmem:s17], $0x13A0  }
0x102: {  	_ =	swait.ge [sflag:s16], $0x13A0  }
0x103: {  	s10 =	sadd.s32 $0x1, s10;
	s13 =	rddreg [dreg:$0xc]  }
0x104: {  	p0 =	sne.s32 s10, s13  }
.Ltmp2:
0x105: {  	_ = 	snop;
	(pc) =	sbr.rel @p0 .LBB2_1-.Ltmp2, $3  }
0x106: {  	_ =	sdelay $0x1  }
0x107: {  	[sflag:s16] =	ssyncset.done $0x0  }
0x108: {  	[sflag:s16] =	ssyncadd.s32 $0xFFFFEC60  }
0x109: {  	_ =	sfence.sel $0x180000  }
0x10a: {  	[bflag:$0x0] =	sbarrier.arrive $0xFFFF  }
0x10b: {  	_ =	strace $0x9000004A  }
0x10c: {  	s0 =	stileid.u32;
	[bflag:$0x2] =	sbarrier.arrive $0xFFFF  }
0x10d: {  	p0 =	sne.s32 s0, $0x0;
	s0 =	rddreg [dreg:$0x4]  }
0x10e: {  	s0 =	sadd.s32 @!p0 $0x100000, s0  }
0x10f: {  	[sflag:s0] =	ssyncadd.tile.s32 @!p0 $0x1;
	_ =	shalt  }
.Lfunc_end2:
_tile_overlayer_lowered:
.L_overlay_start_2:
0x110: {  	(tag) =	ssettag $0x2  }
0x111: {  	s0 =	rddreg [dreg:$0x0];
	s2 =	stileid.u32  }
0x112: {  	s1 =	rddreg [dreg:$0x1];
	p0 =	sne.s32 s2, $0x0  }
0x113: {  	s3 =	rddreg [dreg:$0x2];
	[bflag:$0x3] =	sbarrier.arrive $0xFFFF;
	s2 =	simm.s32 @!p0 $0x1C0A  }
0x114: {  	[timem:s3], [sflag:s2] =	dma.local @!p0 [hbm:s0], s1  }
0x115: {  	s0 =	simm.s32 @!p0 $0xA  }
0x116: {  	_ =	swait.ge @!p0 [sflag:s0], s1  }
0x117: {  	s1 =	ssub.s32 @!p0 $0x0, s1;
	[sflag:s0] =	ssyncset.done @!p0 $0x0  }
0x118: {  	[sflag:s0] =	ssyncadd.s32 @!p0 s1  }
0x119: {  	[bflag:$0x3] =	sbarrier.arrive $0xFFFF  }
0x11a: {  	_ =	shalt  }

// kernel: sage_segsum_d72.3.cloned.1.call-start
scs
__scs_entry_jumppad:
0x0: {  	(pc) =	sbr.rel $0x88, $3  }
0x1: {  	(tag) =	ssettag $0x0;
	lr =	simm.s32 $0x1  }
0x2: {  	[smem:$0x3F99] =	sst lr;
	_ =	strace $0xD0000000  }
0x3: {  	_ = 	snop  }
0x4: {  	_ = 	snop  }
0x5: {  	_ = 	snop  }
0x6: {  	_ = 	snop  }
0x7: {  	_ = 	snop  }
__scs_overlays_trampoline_lowered:
0x8: {  	[smem:$0x3FA8] =	sst s0  }
0x9: {  	[smem:$0x3FA9] =	sst s1  }
0xa: {  	[smem:$0x3FAA] =	sst s2  }
0xb: {  	[smem:$0x3FAB] =	sst s3  }
0xc: {  	[smem:$0x3FAC] =	sst s4  }
0xd: {  	[smem:$0x3FAD] =	sst s5  }
0xe: {  	[smem:$0x3FAE] =	sst s6  }
0xf: {  	[smem:$0x3FAF] =	sst s7  }
0x10: {  	[smem:$0x3FB0] =	sst s8  }
0x11: {  	[smem:$0x3FB1] =	sst s9;
	s0 =	simm.s32 @!p0 $0x0  }
0x12: {  	s1 =	sld [smem:$0x3F97];
	s0 =	simm.s32 @p0 $0x1  }
0x13: {  	[smem:$0x3FB2] =	sst s0;
	s0 =	simm.s32 @!p1 $0x0  }
0x14: {  	s2 =	sld [smem:$0x3F96];
	s0 =	simm.s32 @p1 $0x1  }
0x15: {  	[smem:$0x3FB3] =	sst s0;
	s0 =	simm.s32 @!p2 $0x0  }
0x16: {  	s3 =	sld [smem:$0x3FDB];
	s0 =	simm.s32 @p2 $0x1  }
0x17: {  	s4 =	simm.s32 $0x1BF5;
	[smem:$0x3FB5] =	sst s0  }
0x18: {  	s0 =	sld [smem:$0x3F98];
	_ =	swait.ge [sflag:s4], $0x0  }
0x19: {  	s7 =	sld [smem:$0x3F99]  }
0x1a: {  	s8 =	sadd.s32 $0xFFFFE003, lr  }
0x1b: {  	s9 =	sadd.s32 $0xFFFFFEF7, lr;
	s5 =	simm.s32 $0xFFFFFFFF;
	p2 =	slt.u32 s8, $0xFFFFF086  }
0x1c: {  	p1 =	slt.u32 s9, $0xF7A;
	s5 =	simm.s32 @!p2 $0x0  }
0x1d: {  	s5 =	simm.s32 @p1 $0x1;
	p0 =	seq.s32 s7, s2  }
0x1e: {  	s7 =	smul.u32 @!p0 $0xF7A, s2;
	p2 =	seq.s32 @!p0 s5, $0x0  }
0x1f: {  	s9 =	smul.u32 $0xF7A, s1;
	s8 =	simm.s32 @!p0 $0x1BF5;
	p2 =	por !p2, p0  }
0x20: {  	[sflag:s8] =	ssyncset.s32 @!p0 $0xFFFFF086;
	s6 =	sadd.s32 @!p0 s3, s7;
	s7 =	simm.s32 @!p0 $0x108  }
0x21: {  	s3 =	sadd.s32 s3, s9;
	s6 =	sadd.s32 @!p0 $0x88, s6;
	s7 =	simm.s32 @p2 $0x1082  }
0x22: {  	[simem:s7], [sflag:s8] =	dma.local @!p0 [hbm:s6], $0xF7A  }
0x23: {  	s9 =	sor.u32 $0xD0000000, s2;
	s6 =	simm.s32 $0x108;
	_ =	swait.ge @!p0 [sflag:s8], $0x0  }
0x24: {  	s3 =	sadd.s32 $0x88, s3;
	s6 =	simm.s32 @!p1 $0x1082;
	[sflag:s4] =	ssyncset.s32 $0xFFFFF086  }
0x25: {  	[simem:s6], [sflag:s4] =	dma.local [hbm:s3], $0xF7A  }
0x26: {  	[smem:$0x3F99] =	sst s1;
	(tag) =	ssettag s2;
	_ =	strace s9  }
0x27: {  	s1 =	sld [smem:$0x3FA9]  }
0x28: {  	s2 =	sld [smem:$0x3FAA]  }
0x29: {  	s4 =	sld [smem:$0x3FAC]  }
0x2a: {  	p0 =	seq.s32 s5, $0x0;
	s5 =	sld [smem:$0x3FAD]  }
0x2b: {  	s6 =	sld [smem:$0x3FAE]  }
0x2c: {  	s7 =	sld [smem:$0x3FAF]  }
0x2d: {  	s3 =	simm.s32 $0x108;
	s8 =	sld [smem:$0x3FB0]  }
0x2e: {  	s3 =	simm.s32 @!p0 $0x1082;
	s9 =	sld [smem:$0x3FB1]  }
0x2f: {  	lr =	sadd.s32 s0, s3;
	s0 =	sld [smem:$0x3FA8]  }
0x30: {  	s3 =	sld [smem:$0x3FAB]  }
0x31: {  	[smem:$0x3FB4] =	sst s10  }
0x32: {  	s10 =	sld [smem:$0x3FB2];
	_ =	sdelay $0x3  }
0x33: {  	p0 =	seq.s32 s10, $0x1;
	s10 =	sld [smem:$0x3FB4];
	_ =	sdelay $0x3  }
0x34: {  	[smem:$0x3FB4] =	sst s10  }
0x35: {  	s10 =	sld [smem:$0x3FB3];
	_ =	sdelay $0x3  }
0x36: {  	p1 =	seq.s32 s10, $0x1;
	s10 =	sld [smem:$0x3FB4];
	_ =	sdelay $0x3  }
0x37: {  	[smem:$0x3FB4] =	sst s10  }
0x38: {  	s10 =	sld [smem:$0x3FB5]  }
0x39: {  	_ = 	snop;
	(pc) =	sbr.ind lr, $3  }
0x3a: {  	_ = 	snop  }
0x3b: {  	_ = 	snop  }
0x3c: {  	p2 =	seq.s32 s10, $0x1;
	s10 =	sld [smem:$0x3FB4]  }
0x3d: {  	_ =	shalt  }
0x3e: {  	_ =	shalt  }
0x3f: {  	_ =	shalt  }
0x40: {  	_ =	shalt  }
0x41: {  	_ =	shalt  }
0x42: {  	_ =	shalt  }
0x43: {  	_ =	shalt  }
0x44: {  	_ =	shalt  }
0x45: {  	_ =	shalt  }
0x46: {  	_ =	shalt  }
0x47: {  	_ =	shalt  }
0x48: {  	_ =	shalt  }
0x49: {  	_ =	shalt  }
0x4a: {  	_ =	shalt  }
0x4b: {  	_ =	shalt  }
0x4c: {  	_ =	shalt  }
0x4d: {  	_ =	shalt  }
0x4e: {  	_ =	shalt  }
0x4f: {  	_ =	shalt  }
0x50: {  	_ =	shalt  }
0x51: {  	_ =	shalt  }
0x52: {  	_ =	shalt  }
0x53: {  	_ =	shalt  }
0x54: {  	_ =	shalt  }
0x55: {  	_ =	shalt  }
0x56: {  	_ =	shalt  }
0x57: {  	_ =	shalt  }
0x58: {  	_ =	shalt  }
0x59: {  	_ =	shalt  }
0x5a: {  	_ =	shalt  }
0x5b: {  	_ =	shalt  }
0x5c: {  	_ =	shalt  }
0x5d: {  	_ =	shalt  }
0x5e: {  	_ =	shalt  }
0x5f: {  	_ =	shalt  }
0x60: {  	_ =	shalt  }
0x61: {  	_ =	shalt  }
0x62: {  	_ =	shalt  }
0x63: {  	_ =	shalt  }
0x64: {  	_ =	shalt  }
0x65: {  	_ =	shalt  }
0x66: {  	_ =	shalt  }
0x67: {  	_ =	shalt  }
0x68: {  	_ =	shalt  }
0x69: {  	_ =	shalt  }
0x6a: {  	_ =	shalt  }
0x6b: {  	_ =	shalt  }
0x6c: {  	_ =	shalt  }
0x6d: {  	_ =	shalt  }
0x6e: {  	_ =	shalt  }
0x6f: {  	_ =	shalt  }
0x70: {  	_ =	shalt  }
0x71: {  	_ =	shalt  }
0x72: {  	_ =	shalt  }
0x73: {  	_ =	shalt  }
0x74: {  	_ =	shalt  }
0x75: {  	_ =	shalt  }
0x76: {  	_ =	shalt  }
0x77: {  	_ =	shalt  }
0x78: {  	_ =	shalt  }
0x79: {  	_ =	shalt  }
0x7a: {  	_ =	shalt  }
0x7b: {  	_ =	shalt  }
0x7c: {  	_ =	shalt  }
0x7d: {  	_ =	shalt  }
0x7e: {  	_ =	shalt  }
0x7f: {  	_ =	shalt  }
0x80: {  	_ =	shalt  }
0x81: {  	_ =	shalt  }
0x82: {  	_ =	shalt  }
0x83: {  	_ =	shalt  }
0x84: {  	_ =	shalt  }
0x85: {  	_ =	shalt  }
0x86: {  	_ =	shalt  }
0x87: {  	_ =	shalt  }
.Lfunc_end0:
.L_simem_size_0:
called_computation_lowered:
.L_overlay_start_0:
0x88: {  	s2 =	sld [smem:$0x3FD9]  }
0x89: {  	s3 =	sld [smem:$0x3FFE];
	_ =	sdelay $0x1  }
0x8a: {  	s1 =	srdreg.scid  }
0x8b: {  	s0 =	sand.u32 $0x1, s1  }
0x8c: {  	s17 =	sshll.u32 s0, $0xA;
	s2 =	sadd.s32 s3, s2  }
0x8d: {  	s2 =	sadd.s32 s2, s17  }
0x8e: {  	[smem:$0x3FC0] =	sst s2  }
0x8f: {  	_ = 	snop  }
0x90: {  	s2 =	sld [smem:$0x3FD0];
	(tm) =	ssettm $0x1  }
0x91: {  	s18 =	sld [smem:$0x3FFB];
	_ =	sdelay $0x3  }
0x92: {  	_ =	strace s18  }
0x93: {  	s3 =	sld [smem:$0x3FFC];
	_ =	sdelay $0x3  }
0x94: {  	_ =	strace s3  }
0x95: {  	s3 =	sld [smem:$0x3FFD];
	_ =	sdelay $0x3  }
0x96: {  	_ =	strace s3  }
0x97: {  	_ =	strace $0x8FFFFFFF  }
0x98: {  	s19 =	sld [smem:$0x3FDB];
	_ =	sdelay $0x1  }
0x99: {  	s4 =	simm.s32 $_scs_section_size  }
0x9a: {  	s5 =	simm.s32 $_size__tile_overlayer_lowered;
	s6 =	simm.s32 $_tile_overlayer_lowered  }
0x9b: {  	s22 =	simm.s32 $0x1BFF;
	s21 =	sshll.u32 s6, $0x1;
	s3 =	sadd.s32 s4, s19  }
0x9c: {  	s7 =	simm.s32 $0x0;
	s20 =	sshll.u32 s5, $0x1;
	s5 =	sadd.s32 s21, s3  }
0x9d: {  	[timem:s7], [sflag:s22] =	dma.local [hbm:s5], s20  }
0x9e: {  	_ =	swait.ge [sflag:s22], s20  }
0x9f: {  	s4 =	ssub.s32 $0x0, s20;
	[sflag:s22] =	ssyncset.done $0x0  }
0xa0: {  	[sflag:s22] =	ssyncadd.s32 s4;
	_ =	sdelay $0x1  }
0xa1: {  	s23 =	simm.s32 $0x1B8B  }
0xa2: {  	_ =	swait.ge [sflag:s23], $0x1  }
0xa3: {  	[sflag:s23] =	ssyncset.done $0x0  }
0xa4: {  	s25 =	simm.s32 $0x1B8E;
	s24 =	sld [smem:$0x3FFE];
	[sflag:s23] =	ssyncadd.s32 $0xFFFFFFFF  }
0xa5: {  	s26 =	simm.s32 $execute0_lowered;
	[smem:$0x3FD2] =	sst s25  }
0xa6: {  	s5 =	sshll.u32 s26, $0x1;
	_ =	strace $0x80000046;
	[dreg:$0x1] =	wrdreg $0xFFFFFFFF  }
0xa7: {  	s28 =	simm.s32 $_size_execute0_lowered;
	s3 =	sadd.s32 s3, s5;
	[dreg:$0x0] =	wrdreg $0x0  }
0xa8: {  	s5 =	sshll.u32 s28, $0x1;
	[dreg:$0x2] =	wrdreg s3  }
0xa9: {  	[dreg:$0x3] =	wrdreg s5  }
0xaa: {  	[dreg:$0x4] =	wrdreg $0xC0  }
0xab: {  	_ =	task [dreg:s7], $0x5FFFF  }
0xac: {  	[dreg:$0x1] =	wrdreg $0xFFFFFFFF  }
0xad: {  	[dreg:$0x0] =	wrdreg $0x60  }
0xae: {  	[dreg:$0x2] =	wrdreg s24  }
0xaf: {  	[dreg:$0x3] =	wrdreg s2  }
0xb0: {  	[dreg:$0x4] =	wrdreg $0x98000  }
0xb1: {  	[dreg:$0x5] =	wrdreg $0x148A00  }
0xb2: {  	[dreg:$0x6] =	wrdreg $0x9  }
0xb3: {  	_ =	task.clear_ibuf [dreg:s7], $0x7FFFF;
	_ =	strace $0x90000046  }
0xb4: {  	s29 =	simm.s32 $0x9;
	_ =	strace $0x80000048  }
0xb5: {  	_ =	swait.ge [sflag:s29], $0x1  }
0xb6: {  	[sflag:s29] =	ssyncadd.s32 $0xFFFFFFFF  }
0xb7: {  	_ =	strace $0x90000048  }
0xb8: {  	_ =	sfence  }
0xb9: {  	s30 =	sld [smem:$0x0];
	_ =	sdelay $0x2  }
0xba: {  	s31 =	sshll.u32 s1, $0xD;
	s1 =	sshrl.u32 s1, $0x2  }
0xbb: {  	s3 =	sand.u32 $0x4000, s31;
	s1 =	sadd.s32 s1, s30  }
0xbc: {  	s0 =	sor.u32 s3, s0;
	s1 =	sshll.u32 s1, $0x11  }
0xbd: {  	s0 =	sor.u32 s1, s0  }
0xbe: {  	s0 =	sadd.s32 $0x8F2B, s0  }
0xbf: {  	[sflag:s0] =	ssyncadd.remote.s32 $0x1  }
0xc0: {  	_ =	sfence.sel $0xFFFF  }
0xc1: {  	[dreg:$0x0] =	wrdreg $0xFFFFFFFF;
	(pc) =	sbr.abs _section_cstart, $3  }
0xc2: {  	[dreg:$0x1] =	wrdreg $0xFFFFFFFF  }
0xc3: {  	_ =	task.clear_ibuf [dreg:s7], $0x2FFFF;
	_ =	strace $0x9FFFFFFF  }
0xc4: {  	(tm) =	ssettm $0x7FFFFFFF  }
0xc5: {  	_ =	shalt  }
tec
execute0_lowered:
.L_overlay_start_1:
0x0: {  	(tag) =	ssettag $0x1  }
0x1: {  	s6 =	rddreg [dreg:$0x0]  }
0x2: {  	s1 =	rddreg [dreg:$0x1]  }
0x3: {  	s2 =	rddreg [dreg:$0x2]  }
0x4: {  	s3 =	rddreg [dreg:$0x3];
	s4 =	srdreg.scid  }
0x5: {  	s5 =	simm.s32 $0x0;
	s19 =	simm.s32 $0x80;
	s20 =	simm.s32 $0x5000  }
0x6: {  	s21 =	simm.s32 $0x7400;
	s22 =	simm.s32 $0x2;
	s23 =	simm.s32 $0x3  }
0x7: {  	s24 =	simm.s32 $0x4;
	s25 =	simm.s32 $0x5;
	s26 =	simm.s32 $0x4F00  }
0x8: {  	s28 =	simm.s32 $0x4F80;
	s7 =	sand.u32 $0x1, s4;
	s4 =	stileid.u32  }
0x9: {  	s29 =	simm.s32 $0x0;
	[smem:$0x7FF] =	sst s5;
	s8 =	smul.u32 $0xB0A00, s7  }
0xa: {  	s11 =	sadd.s32 $0x37000, s6;
	s12 =	sadd.s32 $0x2D000, s6;
	s10 =	smul.u32 $0xB0A0, s4  }
0xb: {  	_ =	strace $0x80000047;
	s7 =	ssub.s32 $0x2, s7;
	s9 =	smul.u32 $0xA00, s4  }
0xc: {  	s14 =	smul.u32 $0x5000, s4;
	s31 =	sshll.u32 s4, $0x6;
	s13 =	sshrl.u32 s7, $0x1  }
0xd: {  	s8 =	sadd.s32 s10, s8;
	s13 =	ssub.s32 s7, s13;
	s7 =	sadd.s32 s12, s9  }
0xe: {  	s16 =	sadd.s32 s10, s2;
	s30 =	sshrl.u32 s14, $0x3;
	s18 =	sadd.s32 s10, s3  }
0xf: {  	s14 =	simm.s32 $0x2800;
	s8 =	sshrl.u32 s8, $0x3;
	s17 =	sadd.s32 $0x500, s30  }
0x10: {  	s13 =	smax.u32 s13, $0x1;
	s15 =	sadd.s32 s8, s6;
	s6 =	sadd.s32 s11, s9  }
0x11: {  	s9 =	sor.u32 $0x1C06, s31;
	s10 =	sadd.s32 s11, s17;
	s11 =	sadd.s32 s12, s17  }
0x12: {  	s17 =	sshrl.u32 s18, $0x3;
	s18 =	simm.s32 $0x1;
	s8 =	sadd.s32 $0xC00, s15  }
0x13: {  	s12 =	sadd.s32 $0x41000, s15;
	s15 =	sshrl.u32 s16, $0x3;
	s16 =	simm.s32 $0x6  }
.LBB2_1:
0x14: {  	[tilespmem:s5], [sflag:$0x1] =	stream.linear.gather [hbm4b:s6+s5], $0x2800, $0x38;
	[tilespmem:$0x1F940] =	vst v63  }
0x15: {  	_ = 	snop  }
0x16: {  	[tilespmem:s14], [sflag:$0x1] =	stream.linear.gather [hbm4b:s7+s5], $0x2800, $0x38;
	[tilespmem:$0x1F940] =	vst v63  }
0x17: {  	[spmem:s15], [sflag:s9] =	dma.local [hbm:s8], $0x1614  }
0x18: {  	_ =	swait.ge [sflag:s16], $0x1614  }
0x19: {  	[sflag:s16] =	ssyncset.done $0x0  }
0x1a: {  	[sflag:s16] =	ssyncadd.s32 $0xFFFFE9EC  }
0x1b: {  	[spmem:s17], [sflag:s9] =	dma.local [hbm:s1], $0x1614  }
0x1c: {  	_ =	swait.ge [sflag:s16], $0x1614  }
0x1d: {  	[sflag:s16] =	ssyncset.done $0x0  }
0x1e: {  	[sflag:s16] =	ssyncadd.s32 $0xFFFFE9EC  }
0x1f: {  	_ =	swait.ge [sflag:s18], $0x2800  }
0x20: {  	[sflag:s18] =	ssyncset.done $0x0  }
0x21: {  	[sflag:s18] =	ssyncadd.s32 $0xFFFFD800  }
0x22: {  	_ =	swait.ge [sflag:s18], $0x2800  }
0x23: {  	[sflag:s18] =	ssyncset.done $0x0  }
0x24: {  	[sflag:s18] =	ssyncadd.s32 $0xFFFFD800  }
0x25: {  	[bflag:$0x0] =	sbarrier.arrive $0xFFFF  }
0x26: {  	[tilespmem:s20], [sflag:$0x2] =	stream.indirect.gather [spmem:s2], $0x48, s5, s19, $0xb8;
	[tilespmem:$0x1F940] =	vst v63  }
0x27: {  	_ = 	snop  }
0x28: {  	[tilespmem:s21], [sflag:$0x3] =	stream.indirect.gather [spmem:s2], $0x48, s19, s19, $0xb8;
	[tilespmem:$0x1F940] =	vst v63  }
0x29: {  	_ =	swait.ge [sflag:s22], $0x2400  }
0x2a: {  	[sflag:s22] =	ssyncset.done $0x0  }
0x2b: {  	s30 =	simm.s32 $0x2800;
	[sflag:s22] =	ssyncadd.s32 $0xFFFFDC00  }
0x2c: {  	[spmem:s3] =	stream.indirect.scatter.add.f32 [tilespmem:s20], [sflag:$0x4], $0x48, s30, s19, $0xb8;
	[tilespmem:$0x1F940] =	vst v63  }
0x2d: {  	_ =	swait.ge [sflag:s23], $0x2400  }
0x2e: {  	[sflag:s23] =	ssyncset.done $0x0  }
0x2f: {  	s30 =	simm.s32 $0x2880;
	[sflag:s23] =	ssyncadd.s32 $0xFFFFDC00  }
0x30: {  	[spmem:s3] =	stream.indirect.scatter.add.f32 [tilespmem:s21], [sflag:$0x5], $0x48, s30, s19, $0xb8;
	[tilespmem:$0x1F940] =	vst v63  }
0x31: {  	_ =	swait.ge [sflag:s24], $0x2400  }
0x32: {  	[sflag:s24] =	ssyncset.done $0x0  }
0x33: {  	s30 =	simm.s32 $0x100;
	[sflag:s24] =	ssyncadd.s32 $0xFFFFDC00  }
0x34: {  	[tilespmem:s20], [sflag:$0x2] =	stream.indirect.gather [spmem:s2], $0x48, s30, s19, $0xb8;
	[tilespmem:$0x1F940] =	vst v63  }
0x35: {  	_ =	swait.ge [sflag:s25], $0x2400  }
0x36: {  	[sflag:s25] =	ssyncset.done $0x0  }
0x37: {  	s31 =	simm.s32 $0x180;
	s30 =	simm.s32 $0x400;
	[sflag:s25] =	ssyncadd.s32 $0xFFFFDC00  }
.LBB2_2:
0x38: {  	[tilespmem:s21], [sflag:$0x3] =	stream.indirect.gather [spmem:s2], $0x48, s31, s19, $0xb8;
	[tilespmem:$0x1F940] =	vst v63  }
0x39: {  	s31 =	smov.u32 s30  }
0x3a: {  	p0 =	sne.s32 s30, $0x9800;
	s30 =	sadd.s32 $0x400, s30;
	_ =	swait.ge [sflag:s22], $0x2400  }
0x3b: {  	s31 =	sshra.s32 s31, $0x2;
	[sflag:s22] =	ssyncset.done $0x0  }
0x3c: {  	s0 =	sadd.s32 $0x2800, s31;
	[sflag:s22] =	ssyncadd.s32 $0xFFFFDC00  }
0x3d: {  	[spmem:s3] =	stream.indirect.scatter.add.f32 [tilespmem:s20], [sflag:$0x4], $0x48, s0, s19, $0xb8;
	[tilespmem:$0x1F940] =	vst v63  }
0x3e: {  	_ =	swait.ge [sflag:s23], $0x2400  }
0x3f: {  	[sflag:s23] =	ssyncset.done $0x0  }
0x40: {  	s0 =	sadd.s32 $0x2880, s31;
	[sflag:s23] =	ssyncadd.s32 $0xFFFFDC00  }
0x41: {  	[spmem:s3] =	stream.indirect.scatter.add.f32 [tilespmem:s21], [sflag:$0x5], $0x48, s0, s19, $0xb8;
	[tilespmem:$0x1F940] =	vst v63  }
0x42: {  	_ =	swait.ge [sflag:s24], $0x2400  }
0x43: {  	[sflag:s24] =	ssyncset.done $0x0  }
.Ltmp0:
0x44: {  	s0 =	sadd.s32 $0x100, s31;
	[sflag:s24] =	ssyncadd.s32 $0xFFFFDC00;
	(pc) =	sbr.rel @p0 .LBB2_2-.Ltmp0, $4  }
0x45: {  	[tilespmem:s20], [sflag:$0x2] =	stream.indirect.gather [spmem:s2], $0x48, s0, s19, $0xb8;
	[tilespmem:$0x1F940] =	vst v63  }
0x46: {  	_ =	swait.ge [sflag:s25], $0x2400  }
0x47: {  	[sflag:s25] =	ssyncset.done $0x0  }
0x48: {  	s31 =	sadd.s32 $0x180, s31;
	[sflag:s25] =	ssyncadd.s32 $0xFFFFDC00  }
0x49: {  	[tilespmem:s21], [sflag:$0x3] =	stream.indirect.gather [spmem:s2], $0x48, s31, s19, $0xb8;
	[tilespmem:$0x1F940] =	vst v63  }
0x4a: {  	_ =	swait.ge [sflag:s22], $0x2400  }
0x4b: {  	[sflag:s22] =	ssyncset.done $0x0  }
0x4c: {  	[sflag:s22] =	ssyncadd.s32 $0xFFFFDC00  }
0x4d: {  	[spmem:s3] =	stream.indirect.scatter.add.f32 [tilespmem:s20], [sflag:$0x4], $0x48, s26, s19, $0xb8;
	[tilespmem:$0x1F940] =	vst v63  }
0x4e: {  	_ =	swait.ge [sflag:s23], $0x2400  }
0x4f: {  	[sflag:s23] =	ssyncset.done $0x0  }
0x50: {  	[sflag:s23] =	ssyncadd.s32 $0xFFFFDC00  }
0x51: {  	[spmem:s3] =	stream.indirect.scatter.add.f32 [tilespmem:s21], [sflag:$0x5], $0x48, s28, s19, $0xb8;
	[tilespmem:$0x1F940] =	vst v63  }
0x52: {  	_ =	swait.ge [sflag:s24], $0x2400  }
0x53: {  	[sflag:s24] =	ssyncset.done $0x0  }
0x54: {  	[sflag:s24] =	ssyncadd.s32 $0xFFFFDC00  }
0x55: {  	_ =	swait.ge [sflag:s25], $0x2400  }
0x56: {  	[sflag:s25] =	ssyncset.done $0x0  }
0x57: {  	s0 =	simm.s32 $0x0;
	[sflag:s25] =	ssyncadd.s32 $0xFFFFDC00  }
0x58: {  	[tilespmem:s0], [sflag:$0x6] =	stream.linear.gather [hbm4b:s10+s0], $0x2800, $0x38;
	[tilespmem:$0x1F940] =	vst v63  }
0x59: {  	_ =	swait.ge [sflag:s16], $0x2800  }
0x5a: {  	[sflag:s16] =	ssyncset.done $0x0  }
0x5b: {  	[sflag:s16] =	ssyncadd.s32 $0xFFFFD800  }
0x5c: {  	[tilespmem:s14], [sflag:$0x6] =	stream.linear.gather [hbm4b:s11+s0], $0x2800, $0x38;
	[tilespmem:$0x1F940] =	vst v63  }
0x5d: {  	_ =	swait.ge [sflag:s16], $0x2800  }
0x5e: {  	[sflag:s16] =	ssyncset.done $0x0  }
0x5f: {  	[sflag:s16] =	ssyncadd.s32 $0xFFFFD800  }
0x60: {  	[tilespmem:s20], [sflag:$0x2] =	stream.indirect.gather [spmem:s2], $0x48, s0, s19, $0xb8;
	[tilespmem:$0x1F940] =	vst v63  }
0x61: {  	_ = 	snop  }
0x62: {  	[tilespmem:s21], [sflag:$0x3] =	stream.indirect.gather [spmem:s2], $0x48, s19, s19, $0xb8;
	[tilespmem:$0x1F940] =	vst v63  }
0x63: {  	_ =	swait.ge [sflag:s22], $0x2400  }
0x64: {  	[sflag:s22] =	ssyncset.done $0x0  }
0x65: {  	s0 =	simm.s32 $0x2800;
	[sflag:s22] =	ssyncadd.s32 $0xFFFFDC00  }
0x66: {  	[spmem:s3] =	stream.indirect.scatter.add.f32 [tilespmem:s20], [sflag:$0x4], $0x48, s0, s19, $0xb8;
	[tilespmem:$0x1F940] =	vst v63  }
0x67: {  	_ =	swait.ge [sflag:s23], $0x2400  }
0x68: {  	[sflag:s23] =	ssyncset.done $0x0  }
0x69: {  	s0 =	simm.s32 $0x2880;
	[sflag:s23] =	ssyncadd.s32 $0xFFFFDC00  }
0x6a: {  	[spmem:s3] =	stream.indirect.scatter.add.f32 [tilespmem:s21], [sflag:$0x5], $0x48, s0, s19, $0xb8;
	[tilespmem:$0x1F940] =	vst v63  }
0x6b: {  	_ =	swait.ge [sflag:s24], $0x2400  }
0x6c: {  	[sflag:s24] =	ssyncset.done $0x0  }
0x6d: {  	s0 =	simm.s32 $0x100;
	[sflag:s24] =	ssyncadd.s32 $0xFFFFDC00  }
0x6e: {  	[tilespmem:s20], [sflag:$0x2] =	stream.indirect.gather [spmem:s2], $0x48, s0, s19, $0xb8;
	[tilespmem:$0x1F940] =	vst v63  }
0x6f: {  	_ =	swait.ge [sflag:s25], $0x2400  }
0x70: {  	[sflag:s25] =	ssyncset.done $0x0  }
0x71: {  	s30 =	simm.s32 $0x400;
	s31 =	simm.s32 $0x180;
	[sflag:s25] =	ssyncadd.s32 $0xFFFFDC00  }
.LBB2_4:
0x72: {  	[tilespmem:s21], [sflag:$0x3] =	stream.indirect.gather [spmem:s2], $0x48, s31, s19, $0xb8;
	[tilespmem:$0x1F940] =	vst v63  }
0x73: {  	s0 =	smov.u32 s30  }
0x74: {  	p0 =	sne.s32 s30, $0x9800;
	s30 =	sadd.s32 $0x400, s30;
	_ =	swait.ge [sflag:s22], $0x2400  }
0x75: {  	s0 =	sshra.s32 s0, $0x2;
	[sflag:s22] =	ssyncset.done $0x0  }
0x76: {  	s31 =	sadd.s32 $0x2800, s0;
	[sflag:s22] =	ssyncadd.s32 $0xFFFFDC00  }
0x77: {  	[spmem:s3] =	stream.indirect.scatter.add.f32 [tilespmem:s20], [sflag:$0x4], $0x48, s31, s19, $0xb8;
	[tilespmem:$0x1F940] =	vst v63  }
0x78: {  	_ =	swait.ge [sflag:s23], $0x2400  }
0x79: {  	[sflag:s23] =	ssyncset.done $0x0  }
0x7a: {  	s31 =	sadd.s32 $0x2880, s0;
	[sflag:s23] =	ssyncadd.s32 $0xFFFFDC00  }
0x7b: {  	[spmem:s3] =	stream.indirect.scatter.add.f32 [tilespmem:s21], [sflag:$0x5], $0x48, s31, s19, $0xb8;
	[tilespmem:$0x1F940] =	vst v63  }
0x7c: {  	_ =	swait.ge [sflag:s24], $0x2400  }
0x7d: {  	[sflag:s24] =	ssyncset.done $0x0  }
.Ltmp1:
0x7e: {  	s31 =	sadd.s32 $0x100, s0;
	[sflag:s24] =	ssyncadd.s32 $0xFFFFDC00;
	(pc) =	sbr.rel @p0 .LBB2_4-.Ltmp1, $4  }
0x7f: {  	[tilespmem:s20], [sflag:$0x2] =	stream.indirect.gather [spmem:s2], $0x48, s31, s19, $0xb8;
	[tilespmem:$0x1F940] =	vst v63  }
0x80: {  	_ =	swait.ge [sflag:s25], $0x2400  }
0x81: {  	[sflag:s25] =	ssyncset.done $0x0  }
0x82: {  	s31 =	sadd.s32 $0x180, s0;
	[sflag:s25] =	ssyncadd.s32 $0xFFFFDC00  }
0x83: {  	[tilespmem:s21], [sflag:$0x3] =	stream.indirect.gather [spmem:s2], $0x48, s31, s19, $0xb8;
	[tilespmem:$0x1F940] =	vst v63  }
0x84: {  	_ =	swait.ge [sflag:s22], $0x2400  }
0x85: {  	[sflag:s22] =	ssyncset.done $0x0  }
0x86: {  	[sflag:s22] =	ssyncadd.s32 $0xFFFFDC00  }
0x87: {  	[spmem:s3] =	stream.indirect.scatter.add.f32 [tilespmem:s20], [sflag:$0x4], $0x48, s26, s19, $0xb8;
	[tilespmem:$0x1F940] =	vst v63  }
0x88: {  	_ =	swait.ge [sflag:s23], $0x2400  }
0x89: {  	[sflag:s23] =	ssyncset.done $0x0  }
0x8a: {  	[sflag:s23] =	ssyncadd.s32 $0xFFFFDC00  }
0x8b: {  	[spmem:s3] =	stream.indirect.scatter.add.f32 [tilespmem:s21], [sflag:$0x5], $0x48, s28, s19, $0xb8;
	[tilespmem:$0x1F940] =	vst v63  }
0x8c: {  	_ =	swait.ge [sflag:s24], $0x2400  }
0x8d: {  	[sflag:s24] =	ssyncset.done $0x0  }
0x8e: {  	[sflag:s24] =	ssyncadd.s32 $0xFFFFDC00  }
0x8f: {  	_ =	swait.ge [sflag:s25], $0x2400  }
0x90: {  	s29 =	sadd.s32 $0x1, s29;
	[sflag:s25] =	ssyncset.done $0x0  }
0x91: {  	p0 =	sne.s32 s29, s13;
	[sflag:s25] =	ssyncadd.s32 $0xFFFFDC00  }
.Ltmp2:
0x92: {  	[bflag:$0x0] =	sbarrier.arrive $0xFFFF;
	(pc) =	sbr.rel @p0 .LBB2_1-.Ltmp2, $4  }
0x93: {  	[hbm:s12], [sflag:s9] =	dma.local [spmem:s17], $0x1614  }
0x94: {  	_ =	swait.ge [sflag:s16], $0x1614  }
0x95: {  	[sflag:s16] =	ssyncset.done $0x0  }
0x96: {  	[sflag:s16] =	ssyncadd.s32 $0xFFFFE9EC  }
0x97: {  	_ =	sfence.sel $0x180000  }
0x98: {  	[bflag:$0x0] =	sbarrier.arrive $0xFFFF  }
0x99: {  	_ =	strace $0x90000047  }
0x9a: {  	[bflag:$0x2] =	sbarrier.arrive $0xFFFF  }
0x9b: {  	p0 =	sne.s32 s4, $0x0;
	s0 =	rddreg [dreg:$0x4]  }
0x9c: {  	s0 =	sadd.s32 @!p0 $0x100000, s0  }
0x9d: {  	[sflag:s0] =	ssyncadd.tile.s32 @!p0 $0x1;
	_ =	shalt  }
.Lfunc_end2:
_tile_overlayer_lowered:
.L_overlay_start_2:
0x9e: {  	(tag) =	ssettag $0x2  }
0x9f: {  	s0 =	rddreg [dreg:$0x0];
	s2 =	stileid.u32  }
0xa0: {  	s1 =	rddreg [dreg:$0x1];
	p0 =	sne.s32 s2, $0x0  }
0xa1: {  	s3 =	rddreg [dreg:$0x2];
	[bflag:$0x3] =	sbarrier.arrive $0xFFFF;
	s2 =	simm.s32 @!p0 $0x1C06  }
0xa2: {  	[timem:s3], [sflag:s2] =	dma.local @!p0 [hbm:s0], s1  }
0xa3: {  	s0 =	simm.s32 @!p0 $0x6  }
0xa4: {  	_ =	swait.ge @!p0 [sflag:s0], s1  }
0xa5: {  	s1 =	ssub.s32 @!p0 $0x0, s1;
	[sflag:s0] =	ssyncset.done @!p0 $0x0  }
0xa6: {  	[sflag:s0] =	ssyncadd.s32 @!p0 s1  }
0xa7: {  	[bflag:$0x3] =	sbarrier.arrive $0xFFFF  }
0xa8: {  	_ =	shalt  }

</sc_bundles>
